<compile_context>
chip_gen: v7x
topology: tpu7x:2x2x1
jax: 0.10.2.dev20260603
libtpu: 0.0.44.dev20260713+nightly
codegen_flags: <defaults>
</compile_context>

<pallas_src>
import jax
import jax.numpy as jnp
from jax import lax
from jax.experimental import pallas as pl
from jax.experimental.pallas import tpu as pltpu
from jax.experimental.pallas import tpu_sc as plsc

EMB = 64
T = 200
B = 4096
NC, NS, L = 2, 16, 16
NW = NC * NS
BB = B // NW
NBUF = 4
NOB = 2
QV = EMB // L


def _body(x_hbm, tab_hbm, pos_hbm, out_hbm,
          xblk, posv,
          buf0, buf1, buf2, buf3, tb0, tb1,
          gs0, gs1, gs2, gs3, os0, os1):
    bufs = (buf0, buf1, buf2, buf3)
    tbufs = (tb0, tb1)
    gsems = (gs0, gs1, gs2, gs3)
    osems = (os0, os1)

    w = lax.axis_index("s") * NC + lax.axis_index("c")

    pltpu.sync_copy(x_hbm.at[w], xblk)
    pltpu.sync_copy(pos_hbm, posv)

    iota = lax.iota(jnp.int32, L)
    colv = iota * BB

    def gather_start(t, b):
        pltpu.async_copy(tab_hbm.at[xblk.at[t]], bufs[b], gsems[b])

    def gather_wait(t, b):
        pltpu.make_async_copy(tab_hbm.at[xblk.at[t]], bufs[b],
                              gsems[b]).wait()

    def out_start(t, tb):
        for cg in range(8):
            pltpu.async_copy(tbufs[tb].at[pl.ds(cg * 8 * BB, 8 * BB)],
                             out_hbm.at[t, cg, w], osems[tb])

    def out_wait(t, tb):
        for cg in range(8):
            pltpu.make_async_copy(tbufs[tb].at[pl.ds(cg * 8 * BB, 8 * BB)],
                                  out_hbm.at[t, cg, w], osems[tb]).wait()

    for b in range(NBUF):
        gather_start(b, b)

    def group(g, _):
        for b in range(NBUF):
            t = g * NBUF + b
            tb = b % NOB
            gather_wait(t, b)

            pq = [posv[t, pl.ds(q * L, L)] for q in range(QV)]

            if b < NOB:
                @pl.when(g > 0)
                def _():
                    out_wait(t, tb)
            else:
                out_wait(t, tb)

            @plsc.parallel_loop(0, BB, 1, unroll=4)
            def _row(r, _b=b, _tb=tb, _pq=pq):
                for q in range(QV):
                    v = bufs[_b][r, pl.ds(q * L, L)] + _pq[q]
                    plsc.store_scatter(tbufs[_tb],
                                       [colv + (q * (L * BB) + r)], v)

            out_start(t, tb)

            @pl.when(g < (T // NBUF) - 1)
            def _():
                gather_start(t + NBUF, b)
        return 0

    lax.fori_loop(0, T // NBUF, group, 0)

    for b in range(NOB):
        out_wait(T - NOB + b, b % NOB)


@jax.jit
def kernel(x, table, pos_emb):
    xw = x.T.reshape(T, NW, BB).transpose(1, 0, 2)
    trow = table
    post = pos_emb[:T]

    kfn = pl.kernel(
        _body,
        out_type=jax.ShapeDtypeStruct((T, 8, NW, 8 * BB), jnp.float32),
        compiler_params=pltpu.CompilerParams(use_tc_tiling_on_sc=False,
                                             needs_layout_passes=False),
        mesh=plsc.VectorSubcoreMesh(
            core_axis_name="c", subcore_axis_name="s",
            num_cores=NC, num_subcores=NS),
        scratch_types=[
            pltpu.VMEM((T, BB), jnp.int32),
            pltpu.VMEM((T, EMB), jnp.float32),
            pltpu.VMEM((BB, EMB), jnp.float32),
            pltpu.VMEM((BB, EMB), jnp.float32),
            pltpu.VMEM((BB, EMB), jnp.float32),
            pltpu.VMEM((BB, EMB), jnp.float32),
            pltpu.VMEM((EMB * BB,), jnp.float32),
            pltpu.VMEM((EMB * BB,), jnp.float32),
        ] + [pltpu.SemaphoreType.DMA] * (NBUF + NOB),
    )
    out = kfn(xw, trow, post)
    out = out.reshape(T, 8, NW, 8, BB)
    return out.transpose(2, 4, 0, 1, 3).reshape(B, T, EMB)

# --- scband reference (transcript-rebuilt; emitter-appended) ---
"""Pipeline reference for scband-token-embedding-31233002176832 (READ-ONLY COPY).

The authoritative reference and input builder live on the scoring server;
editing this copy changes nothing except your own understanding.
"""

import jax, jax.numpy as jnp
import numpy as np

VOCAB = 1000000
EMB = 64
MAX_LEN = 512
B, T = 4096, 200

def _make_pos_emb():
    pos = jnp.arange(0, MAX_LEN, dtype=jnp.float32)[:, None]
    _2i = jnp.arange(0, EMB, 2, dtype=jnp.float32)
    angle = pos / (10000.0 ** (_2i / EMB))
    pe = jnp.zeros((MAX_LEN, EMB), dtype=jnp.float32)
    pe = pe.at[:, 0::2].set(jnp.sin(angle))
    pe = pe.at[:, 1::2].set(jnp.cos(angle))
    return pe

def setup_inputs(seed: int = 0) -> dict:
    key = jax.random.key(seed)
    k1, k2 = jax.random.split(key)
    x = jax.random.randint(k1, (B, T), 0, VOCAB, dtype=jnp.int64) if jax.config.jax_enable_x64 else jax.random.randint(k1, (B, T), 0, VOCAB, dtype=jnp.int32)
    table = jax.random.normal(k2, (VOCAB, EMB), dtype=jnp.float32)
    pos_emb = _make_pos_emb()
    return {"x": x, "table": table, "pos_emb": pos_emb}

def reference(x, table, pos_emb):
    Bx, Tx = x.shape
    tok = jnp.take(table, x, axis=0)
    pe = pos_emb[:Tx, :]
    return tok + pe[None, :, :]

if __name__ == "__main__":
    import jax
    _d = setup_inputs()
    print(jax.jit(kernel)(*tuple(_d.values())))

</pallas_src>

<mosaic_0001>
#map = affine_map<(d0, d1) -> (0, 0, 0)>
#map1 = affine_map<(d0, d1) -> (0, 0)>
#map2 = affine_map<(d0, d1) -> (0, 0, 0, 0)>
module attributes {stable_mosaic.version = 14 : i64} {
  func.func @_body(%arg0: i32, %arg1: i32, %arg2: memref<32x200x128xi32, #tpu.memory_space<hbm>>, %arg3: memref<1000000x64xf32, #tpu.memory_space<hbm>>, %arg4: memref<200x64xf32, #tpu.memory_space<hbm>>, %arg5: memref<200x8x32x1024xf32, #tpu.memory_space<hbm>>, %arg6: memref<200x128xi32, #tpu.memory_space<vmem>>, %arg7: memref<200x64xf32, #tpu.memory_space<vmem>>, %arg8: memref<128x64xf32, #tpu.memory_space<vmem>>, %arg9: memref<128x64xf32, #tpu.memory_space<vmem>>, %arg10: memref<128x64xf32, #tpu.memory_space<vmem>>, %arg11: memref<128x64xf32, #tpu.memory_space<vmem>>, %arg12: memref<8192xf32, #tpu.memory_space<vmem>>, %arg13: memref<8192xf32, #tpu.memory_space<vmem>>, %arg14: memref<!tpu.dma_semaphore, #tpu.memory_space<semaphore_mem>>, %arg15: memref<!tpu.dma_semaphore, #tpu.memory_space<semaphore_mem>>, %arg16: memref<!tpu.dma_semaphore, #tpu.memory_space<semaphore_mem>>, %arg17: memref<!tpu.dma_semaphore, #tpu.memory_space<semaphore_mem>>, %arg18: memref<!tpu.dma_semaphore, #tpu.memory_space<semaphore_mem>>, %arg19: memref<!tpu.dma_semaphore, #tpu.memory_space<semaphore_mem>>) attributes {dimension_semantics = [#tpu.dimension_semantics<core_parallel>, #tpu.dimension_semantics<subcore_parallel>], iteration_bounds = array<i64: 2, 16>, scalar_prefetch = 0 : i64, scratch_operands = 14 : i64, tpu.core_type = #tpu.core_type<sc_vector_subcore>, window_params = [{transform_indices = #map}, {transform_indices = #map1}, {transform_indices = #map1}, {transform_indices = #map2}]} {
    %mul3A = arith.constant 2 : i32
    %mul3A_0 = arith.muli %arg1, %mul3A : i32
    %add3A = arith.addi %mul3A_0, %arg0 : i32
    "tpu.region"() ({
      %run_scoped3A = tpu.sem_alloc : memref<!tpu.dma_semaphore, #tpu.memory_space<semaphore_mem>>
      %dma_start3A_228 = arith.constant 0 : i32
      %dma_start3A_229 = arith.constant 0 : i32
      %dma_start3A_230 = tpu.memref_slice %arg2[%add3A, %dma_start3A_228, %dma_start3A_229] : memref<32x200x128xi32, #tpu.memory_space<hbm>> -> memref<1x200x128xi32, #tpu.memory_space<hbm>>
      %dma_start3A_231 = tpu.memref_squeeze %dma_start3A_230 : memref<1x200x128xi32, #tpu.memory_space<hbm>> -> memref<200x128xi32, #tpu.memory_space<hbm>>
      %dma_start3A_232 = arith.constant 0 : i32
      %dma_start3A_233 = arith.constant 0 : i32
      %dma_start3A_234 = tpu.memref_slice %arg2[%add3A, %dma_start3A_232, %dma_start3A_233] : memref<32x200x128xi32, #tpu.memory_space<hbm>> -> memref<1x200x128xi32, #tpu.memory_space<hbm>>
      %dma_start3A_235 = tpu.memref_squeeze %dma_start3A_234 : memref<1x200x128xi32, #tpu.memory_space<hbm>> -> memref<200x128xi32, #tpu.memory_space<hbm>>
      tpu.enqueue_dma source(%dma_start3A_235 : memref<200x128xi32, #tpu.memory_space<hbm>>) target(%arg6 : memref<200x128xi32, #tpu.memory_space<vmem>>) target_semaphore(%run_scoped3A : memref<!tpu.dma_semaphore, #tpu.memory_space<semaphore_mem>>)
      %dma_wait3A_236 = arith.constant 0 : i32
      %dma_wait3A_237 = arith.constant 0 : i32
      %dma_wait3A_238 = tpu.memref_slice %arg2[%add3A, %dma_wait3A_236, %dma_wait3A_237] : memref<32x200x128xi32, #tpu.memory_space<hbm>> -> memref<1x200x128xi32, #tpu.memory_space<hbm>>
      %dma_wait3A_239 = tpu.memref_squeeze %dma_wait3A_238 : memref<1x200x128xi32, #tpu.memory_space<hbm>> -> memref<200x128xi32, #tpu.memory_space<hbm>>
      %dma_wait3A_240 = arith.constant 0 : i32
      %dma_wait3A_241 = arith.constant 0 : i32
      %dma_wait3A_242 = tpu.memref_slice %arg2[%add3A, %dma_wait3A_240, %dma_wait3A_241] : memref<32x200x128xi32, #tpu.memory_space<hbm>> -> memref<1x200x128xi32, #tpu.memory_space<hbm>>
      %dma_wait3A_243 = tpu.memref_squeeze %dma_wait3A_242 : memref<1x200x128xi32, #tpu.memory_space<hbm>> -> memref<200x128xi32, #tpu.memory_space<hbm>>
      tpu.wait_dma2 semaphore(%run_scoped3A : memref<!tpu.dma_semaphore, #tpu.memory_space<semaphore_mem>>) src(%dma_wait3A_243 : memref<200x128xi32, #tpu.memory_space<hbm>>) dst(%arg6 : memref<200x128xi32, #tpu.memory_space<vmem>>)
      tpu.yield
    }) : () -> ()
    "tpu.region"() ({
      %run_scoped3A = tpu.sem_alloc : memref<!tpu.dma_semaphore, #tpu.memory_space<semaphore_mem>>
      tpu.enqueue_dma source(%arg4 : memref<200x64xf32, #tpu.memory_space<hbm>>) target(%arg7 : memref<200x64xf32, #tpu.memory_space<vmem>>) target_semaphore(%run_scoped3A : memref<!tpu.dma_semaphore, #tpu.memory_space<semaphore_mem>>)
      tpu.wait_dma2 semaphore(%run_scoped3A : memref<!tpu.dma_semaphore, #tpu.memory_space<semaphore_mem>>) src(%arg4 : memref<200x64xf32, #tpu.memory_space<hbm>>) dst(%arg7 : memref<200x64xf32, #tpu.memory_space<vmem>>)
      tpu.yield
    }) : () -> ()
    %iota3A = tpu.iota {dimensions = array<i32: 0>} : vector<16xi32>
    %mul3A_1 = arith.constant 128 : i32
    %mul3A_2 = vector.broadcast %mul3A_1 : i32 to vector<16xi32>
    %mul3A_3 = arith.muli %iota3A, %mul3A_2 : vector<16xi32>
    %dma_start3A = arith.constant 0 : i32
    %dma_start3A_4 = arith.constant 0 : i32
    %dma_start3A_5 = tpu.memref_slice %arg6[%dma_start3A, %dma_start3A_4] : memref<200x128xi32, #tpu.memory_space<vmem>> -> memref<1x128xi32, #tpu.memory_space<vmem>>
    %dma_start3A_6 = tpu.memref_squeeze %dma_start3A_5 : memref<1x128xi32, #tpu.memory_space<vmem>> -> memref<128xi32, #tpu.memory_space<vmem>>
    %dma_start3A_7 = arith.constant 0 : i32
    %dma_start3A_8 = arith.constant 0 : i32
    %dma_start3A_9 = tpu.memref_slice %arg3[%dma_start3A_7, %dma_start3A_8] : memref<1000000x64xf32, #tpu.memory_space<hbm>> -> memref<1000000x64xf32, #tpu.memory_space<hbm>>
    tpu.enqueue_indirect_dma source(%dma_start3A_9 : memref<1000000x64xf32, #tpu.memory_space<hbm>>) target(%arg8 : memref<128x64xf32, #tpu.memory_space<vmem>>) offsets(%dma_start3A_6 : memref<128xi32, #tpu.memory_space<vmem>>) semaphore(%arg14 : memref<!tpu.dma_semaphore, #tpu.memory_space<semaphore_mem>>)
    %dma_start3A_10 = arith.constant 1 : i32
    %dma_start3A_11 = arith.constant 0 : i32
    %dma_start3A_12 = tpu.memref_slice %arg6[%dma_start3A_10, %dma_start3A_11] : memref<200x128xi32, #tpu.memory_space<vmem>> -> memref<1x128xi32, #tpu.memory_space<vmem>>
    %dma_start3A_13 = tpu.memref_squeeze %dma_start3A_12 : memref<1x128xi32, #tpu.memory_space<vmem>> -> memref<128xi32, #tpu.memory_space<vmem>>
    %dma_start3A_14 = arith.constant 0 : i32
    %dma_start3A_15 = arith.constant 0 : i32
    %dma_start3A_16 = tpu.memref_slice %arg3[%dma_start3A_14, %dma_start3A_15] : memref<1000000x64xf32, #tpu.memory_space<hbm>> -> memref<1000000x64xf32, #tpu.memory_space<hbm>>
    tpu.enqueue_indirect_dma source(%dma_start3A_16 : memref<1000000x64xf32, #tpu.memory_space<hbm>>) target(%arg9 : memref<128x64xf32, #tpu.memory_space<vmem>>) offsets(%dma_start3A_13 : memref<128xi32, #tpu.memory_space<vmem>>) semaphore(%arg15 : memref<!tpu.dma_semaphore, #tpu.memory_space<semaphore_mem>>)
    %dma_start3A_17 = arith.constant 2 : i32
    %dma_start3A_18 = arith.constant 0 : i32
    %dma_start3A_19 = tpu.memref_slice %arg6[%dma_start3A_17, %dma_start3A_18] : memref<200x128xi32, #tpu.memory_space<vmem>> -> memref<1x128xi32, #tpu.memory_space<vmem>>
    %dma_start3A_20 = tpu.memref_squeeze %dma_start3A_19 : memref<1x128xi32, #tpu.memory_space<vmem>> -> memref<128xi32, #tpu.memory_space<vmem>>
    %dma_start3A_21 = arith.constant 0 : i32
    %dma_start3A_22 = arith.constant 0 : i32
    %dma_start3A_23 = tpu.memref_slice %arg3[%dma_start3A_21, %dma_start3A_22] : memref<1000000x64xf32, #tpu.memory_space<hbm>> -> memref<1000000x64xf32, #tpu.memory_space<hbm>>
    tpu.enqueue_indirect_dma source(%dma_start3A_23 : memref<1000000x64xf32, #tpu.memory_space<hbm>>) target(%arg10 : memref<128x64xf32, #tpu.memory_space<vmem>>) offsets(%dma_start3A_20 : memref<128xi32, #tpu.memory_space<vmem>>) semaphore(%arg16 : memref<!tpu.dma_semaphore, #tpu.memory_space<semaphore_mem>>)
    %dma_start3A_24 = arith.constant 3 : i32
    %dma_start3A_25 = arith.constant 0 : i32
    %dma_start3A_26 = tpu.memref_slice %arg6[%dma_start3A_24, %dma_start3A_25] : memref<200x128xi32, #tpu.memory_space<vmem>> -> memref<1x128xi32, #tpu.memory_space<vmem>>
    %dma_start3A_27 = tpu.memref_squeeze %dma_start3A_26 : memref<1x128xi32, #tpu.memory_space<vmem>> -> memref<128xi32, #tpu.memory_space<vmem>>
    %dma_start3A_28 = arith.constant 0 : i32
    %dma_start3A_29 = arith.constant 0 : i32
    %dma_start3A_30 = tpu.memref_slice %arg3[%dma_start3A_28, %dma_start3A_29] : memref<1000000x64xf32, #tpu.memory_space<hbm>> -> memref<1000000x64xf32, #tpu.memory_space<hbm>>
    tpu.enqueue_indirect_dma source(%dma_start3A_30 : memref<1000000x64xf32, #tpu.memory_space<hbm>>) target(%arg11 : memref<128x64xf32, #tpu.memory_space<vmem>>) offsets(%dma_start3A_27 : memref<128xi32, #tpu.memory_space<vmem>>) semaphore(%arg17 : memref<!tpu.dma_semaphore, #tpu.memory_space<semaphore_mem>>)
    %scan3A = arith.constant 0 : i32
    %scan3A_31 = arith.constant 0 : i32
    %scan3A_32 = arith.constant 50 : i32
    %scan3A_33 = arith.addi %scan3A_31, %scan3A_32 : i32
    %scan3A_34 = arith.constant 1 : i32
    %scan3A_35 = scf.for %scan3A_228 = %scan3A_31 to %scan3A_33 step %scan3A_34 iter_args(%scan3A_229 = %scan3A) -> (i32)  : i32 {
      %mul3A_230 = arith.constant 4 : i32
      %mul3A_231 = arith.muli %scan3A_228, %mul3A_230 : i32
      %add3A_232 = arith.constant 0 : i32
      %add3A_233 = arith.addi %mul3A_231, %add3A_232 : i32
      %dma_wait3A_234 = arith.constant 0 : i32
      %dma_wait3A_235 = tpu.memref_slice %arg6[%add3A_233, %dma_wait3A_234] : memref<200x128xi32, #tpu.memory_space<vmem>> -> memref<1x128xi32, #tpu.memory_space<vmem>>
      %dma_wait3A_236 = tpu.memref_squeeze %dma_wait3A_235 : memref<1x128xi32, #tpu.memory_space<vmem>> -> memref<128xi32, #tpu.memory_space<vmem>>
      %dma_wait3A_237 = arith.constant 0 : i32
      %dma_wait3A_238 = arith.constant 0 : i32
      %dma_wait3A_239 = tpu.memref_slice %arg3[%dma_wait3A_237, %dma_wait3A_238] : memref<1000000x64xf32, #tpu.memory_space<hbm>> -> memref<1000000x64xf32, #tpu.memory_space<hbm>>
      tpu.wait_indirect_dma semaphore(%arg14 : memref<!tpu.dma_semaphore, #tpu.memory_space<semaphore_mem>>) src(%dma_wait3A_239 : memref<1000000x64xf32, #tpu.memory_space<hbm>>) dst(%arg8 : memref<128x64xf32, #tpu.memory_space<vmem>>)
      %get3A = arith.index_cast %add3A_233 : i32 to index
      %get3A_240 = arith.constant 0 : index
      %get3A_241 = tpu.vector_load %arg7[%get3A, %get3A_240] {strides = array<i32>} : memref<200x64xf32, #tpu.memory_space<vmem>>, vector<16xf32>,
      %get3A_242 = arith.index_cast %add3A_233 : i32 to index
      %get3A_243 = arith.constant 16 : index
      %get3A_244 = tpu.vector_load %arg7[%get3A_242, %get3A_243] {strides = array<i32>} : memref<200x64xf32, #tpu.memory_space<vmem>>, vector<16xf32>,
      %get3A_245 = arith.index_cast %add3A_233 : i32 to index
      %get3A_246 = arith.constant 32 : index
      %get3A_247 = tpu.vector_load %arg7[%get3A_245, %get3A_246] {strides = array<i32>} : memref<200x64xf32, #tpu.memory_space<vmem>>, vector<16xf32>,
      %get3A_248 = arith.index_cast %add3A_233 : i32 to index
      %get3A_249 = arith.constant 48 : index
      %get3A_250 = tpu.vector_load %arg7[%get3A_248, %get3A_249] {strides = array<i32>} : memref<200x64xf32, #tpu.memory_space<vmem>>, vector<16xf32>,
      %gt3A = arith.constant 0 : i32
      %gt3A_251 = arith.cmpi sgt, %scan3A_228, %gt3A : i32
      %convert_element_type3A = arith.extui %gt3A_251 : i1 to i32
      %cond3A = arith.constant 0 : i32
      %cond3A_252 = arith.cmpi ne, %convert_element_type3A, %cond3A : i32
      scf.if %cond3A_252 {
        %dma_wait3A_883 = arith.constant 0 : i32
        %dma_wait3A_884 = arith.constant 0 : i32
        %dma_wait3A_885 = tpu.memref_slice %arg12[%dma_wait3A_884] : memref<8192xf32, #tpu.memory_space<vmem>> -> memref<1024xf32, #tpu.memory_space<vmem>>
        %dma_wait3A_886 = arith.constant 0 : i32
        %dma_wait3A_887 = tpu.memref_slice %arg5[%add3A_233, %dma_wait3A_883, %add3A, %dma_wait3A_886] : memref<200x8x32x1024xf32, #tpu.memory_space<hbm>> -> memref<1x1x1x1024xf32, #tpu.memory_space<hbm>>
        %dma_wait3A_888 = tpu.memref_squeeze %dma_wait3A_887 : memref<1x1x1x1024xf32, #tpu.memory_space<hbm>> -> memref<1024xf32, #tpu.memory_space<hbm>>
        %dma_wait3A_889 = arith.constant 0 : i32
        %dma_wait3A_890 = tpu.memref_slice %arg5[%add3A_233, %dma_wait3A_883, %add3A, %dma_wait3A_889] : memref<200x8x32x1024xf32, #tpu.memory_space<hbm>> -> memref<1x1x1x1024xf32, #tpu.memory_space<hbm>>
        %dma_wait3A_891 = tpu.memref_squeeze %dma_wait3A_890 : memref<1x1x1x1024xf32, #tpu.memory_space<hbm>> -> memref<1024xf32, #tpu.memory_space<hbm>>
        %dma_wait3A_892 = arith.constant 0 : i32
        %dma_wait3A_893 = tpu.memref_slice %arg12[%dma_wait3A_892] : memref<8192xf32, #tpu.memory_space<vmem>> -> memref<1024xf32, #tpu.memory_space<vmem>>
        tpu.wait_dma2 semaphore(%arg18 : memref<!tpu.dma_semaphore, #tpu.memory_space<semaphore_mem>>) src(%dma_wait3A_893 : memref<1024xf32, #tpu.memory_space<vmem>>) dst(%dma_wait3A_891 : memref<1024xf32, #tpu.memory_space<hbm>>)
        %dma_wait3A_894 = arith.constant 1 : i32
        %dma_wait3A_895 = arith.constant 1024 : i32
        %dma_wait3A_896 = tpu.memref_slice %arg12[%dma_wait3A_895] : memref<8192xf32, #tpu.memory_space<vmem>> -> memref<1024xf32, #tpu.memory_space<vmem>>
        %dma_wait3A_897 = arith.constant 0 : i32
        %dma_wait3A_898 = tpu.memref_slice %arg5[%add3A_233, %dma_wait3A_894, %add3A, %dma_wait3A_897] : memref<200x8x32x1024xf32, #tpu.memory_space<hbm>> -> memref<1x1x1x1024xf32, #tpu.memory_space<hbm>>
        %dma_wait3A_899 = tpu.memref_squeeze %dma_wait3A_898 : memref<1x1x1x1024xf32, #tpu.memory_space<hbm>> -> memref<1024xf32, #tpu.memory_space<hbm>>
        %dma_wait3A_900 = arith.constant 0 : i32
        %dma_wait3A_901 = tpu.memref_slice %arg5[%add3A_233, %dma_wait3A_894, %add3A, %dma_wait3A_900] : memref<200x8x32x1024xf32, #tpu.memory_space<hbm>> -> memref<1x1x1x1024xf32, #tpu.memory_space<hbm>>
        %dma_wait3A_902 = tpu.memref_squeeze %dma_wait3A_901 : memref<1x1x1x1024xf32, #tpu.memory_space<hbm>> -> memref<1024xf32, #tpu.memory_space<hbm>>
        %dma_wait3A_903 = arith.constant 1024 : i32
        %dma_wait3A_904 = tpu.memref_slice %arg12[%dma_wait3A_903] : memref<8192xf32, #tpu.memory_space<vmem>> -> memref<1024xf32, #tpu.memory_space<vmem>>
        tpu.wait_dma2 semaphore(%arg18 : memref<!tpu.dma_semaphore, #tpu.memory_space<semaphore_mem>>) src(%dma_wait3A_904 : memref<1024xf32, #tpu.memory_space<vmem>>) dst(%dma_wait3A_902 : memref<1024xf32, #tpu.memory_space<hbm>>)
        %dma_wait3A_905 = arith.constant 2 : i32
        %dma_wait3A_906 = arith.constant 2048 : i32
        %dma_wait3A_907 = tpu.memref_slice %arg12[%dma_wait3A_906] : memref<8192xf32, #tpu.memory_space<vmem>> -> memref<1024xf32, #tpu.memory_space<vmem>>
        %dma_wait3A_908 = arith.constant 0 : i32
        %dma_wait3A_909 = tpu.memref_slice %arg5[%add3A_233, %dma_wait3A_905, %add3A, %dma_wait3A_908] : memref<200x8x32x1024xf32, #tpu.memory_space<hbm>> -> memref<1x1x1x1024xf32, #tpu.memory_space<hbm>>
        %dma_wait3A_910 = tpu.memref_squeeze %dma_wait3A_909 : memref<1x1x1x1024xf32, #tpu.memory_space<hbm>> -> memref<1024xf32, #tpu.memory_space<hbm>>
        %dma_wait3A_911 = arith.constant 0 : i32
        %dma_wait3A_912 = tpu.memref_slice %arg5[%add3A_233, %dma_wait3A_905, %add3A, %dma_wait3A_911] : memref<200x8x32x1024xf32, #tpu.memory_space<hbm>> -> memref<1x1x1x1024xf32, #tpu.memory_space<hbm>>
        %dma_wait3A_913 = tpu.memref_squeeze %dma_wait3A_912 : memref<1x1x1x1024xf32, #tpu.memory_space<hbm>> -> memref<1024xf32, #tpu.memory_space<hbm>>
        %dma_wait3A_914 = arith.constant 2048 : i32
        %dma_wait3A_915 = tpu.memref_slice %arg12[%dma_wait3A_914] : memref<8192xf32, #tpu.memory_space<vmem>> -> memref<1024xf32, #tpu.memory_space<vmem>>
        tpu.wait_dma2 semaphore(%arg18 : memref<!tpu.dma_semaphore, #tpu.memory_space<semaphore_mem>>) src(%dma_wait3A_915 : memref<1024xf32, #tpu.memory_space<vmem>>) dst(%dma_wait3A_913 : memref<1024xf32, #tpu.memory_space<hbm>>)
        %dma_wait3A_916 = arith.constant 3 : i32
        %dma_wait3A_917 = arith.constant 3072 : i32
        %dma_wait3A_918 = tpu.memref_slice %arg12[%dma_wait3A_917] : memref<8192xf32, #tpu.memory_space<vmem>> -> memref<1024xf32, #tpu.memory_space<vmem>>
        %dma_wait3A_919 = arith.constant 0 : i32
        %dma_wait3A_920 = tpu.memref_slice %arg5[%add3A_233, %dma_wait3A_916, %add3A, %dma_wait3A_919] : memref<200x8x32x1024xf32, #tpu.memory_space<hbm>> -> memref<1x1x1x1024xf32, #tpu.memory_space<hbm>>
        %dma_wait3A_921 = tpu.memref_squeeze %dma_wait3A_920 : memref<1x1x1x1024xf32, #tpu.memory_space<hbm>> -> memref<1024xf32, #tpu.memory_space<hbm>>
        %dma_wait3A_922 = arith.constant 0 : i32
        %dma_wait3A_923 = tpu.memref_slice %arg5[%add3A_233, %dma_wait3A_916, %add3A, %dma_wait3A_922] : memref<200x8x32x1024xf32, #tpu.memory_space<hbm>> -> memref<1x1x1x1024xf32, #tpu.memory_space<hbm>>
        %dma_wait3A_924 = tpu.memref_squeeze %dma_wait3A_923 : memref<1x1x1x1024xf32, #tpu.memory_space<hbm>> -> memref<1024xf32, #tpu.memory_space<hbm>>
        %dma_wait3A_925 = arith.constant 3072 : i32
        %dma_wait3A_926 = tpu.memref_slice %arg12[%dma_wait3A_925] : memref<8192xf32, #tpu.memory_space<vmem>> -> memref<1024xf32, #tpu.memory_space<vmem>>
        tpu.wait_dma2 semaphore(%arg18 : memref<!tpu.dma_semaphore, #tpu.memory_space<semaphore_mem>>) src(%dma_wait3A_926 : memref<1024xf32, #tpu.memory_space<vmem>>) dst(%dma_wait3A_924 : memref<1024xf32, #tpu.memory_space<hbm>>)
        %dma_wait3A_927 = arith.constant 4 : i32
        %dma_wait3A_928 = arith.constant 4096 : i32
        %dma_wait3A_929 = tpu.memref_slice %arg12[%dma_wait3A_928] : memref<8192xf32, #tpu.memory_space<vmem>> -> memref<1024xf32, #tpu.memory_space<vmem>>
        %dma_wait3A_930 = arith.constant 0 : i32
        %dma_wait3A_931 = tpu.memref_slice %arg5[%add3A_233, %dma_wait3A_927, %add3A, %dma_wait3A_930] : memref<200x8x32x1024xf32, #tpu.memory_space<hbm>> -> memref<1x1x1x1024xf32, #tpu.memory_space<hbm>>
        %dma_wait3A_932 = tpu.memref_squeeze %dma_wait3A_931 : memref<1x1x1x1024xf32, #tpu.memory_space<hbm>> -> memref<1024xf32, #tpu.memory_space<hbm>>
        %dma_wait3A_933 = arith.constant 0 : i32
        %dma_wait3A_934 = tpu.memref_slice %arg5[%add3A_233, %dma_wait3A_927, %add3A, %dma_wait3A_933] : memref<200x8x32x1024xf32, #tpu.memory_space<hbm>> -> memref<1x1x1x1024xf32, #tpu.memory_space<hbm>>
        %dma_wait3A_935 = tpu.memref_squeeze %dma_wait3A_934 : memref<1x1x1x1024xf32, #tpu.memory_space<hbm>> -> memref<1024xf32, #tpu.memory_space<hbm>>
        %dma_wait3A_936 = arith.constant 4096 : i32
        %dma_wait3A_937 = tpu.memref_slice %arg12[%dma_wait3A_936] : memref<8192xf32, #tpu.memory_space<vmem>> -> memref<1024xf32, #tpu.memory_space<vmem>>
        tpu.wait_dma2 semaphore(%arg18 : memref<!tpu.dma_semaphore, #tpu.memory_space<semaphore_mem>>) src(%dma_wait3A_937 : memref<1024xf32, #tpu.memory_space<vmem>>) dst(%dma_wait3A_935 : memref<1024xf32, #tpu.memory_space<hbm>>)
        %dma_wait3A_938 = arith.constant 5 : i32
        %dma_wait3A_939 = arith.constant 5120 : i32
        %dma_wait3A_940 = tpu.memref_slice %arg12[%dma_wait3A_939] : memref<8192xf32, #tpu.memory_space<vmem>> -> memref<1024xf32, #tpu.memory_space<vmem>>
        %dma_wait3A_941 = arith.constant 0 : i32
        %dma_wait3A_942 = tpu.memref_slice %arg5[%add3A_233, %dma_wait3A_938, %add3A, %dma_wait3A_941] : memref<200x8x32x1024xf32, #tpu.memory_space<hbm>> -> memref<1x1x1x1024xf32, #tpu.memory_space<hbm>>
        %dma_wait3A_943 = tpu.memref_squeeze %dma_wait3A_942 : memref<1x1x1x1024xf32, #tpu.memory_space<hbm>> -> memref<1024xf32, #tpu.memory_space<hbm>>
        %dma_wait3A_944 = arith.constant 0 : i32
        %dma_wait3A_945 = tpu.memref_slice %arg5[%add3A_233, %dma_wait3A_938, %add3A, %dma_wait3A_944] : memref<200x8x32x1024xf32, #tpu.memory_space<hbm>> -> memref<1x1x1x1024xf32, #tpu.memory_space<hbm>>
        %dma_wait3A_946 = tpu.memref_squeeze %dma_wait3A_945 : memref<1x1x1x1024xf32, #tpu.memory_space<hbm>> -> memref<1024xf32, #tpu.memory_space<hbm>>
        %dma_wait3A_947 = arith.constant 5120 : i32
        %dma_wait3A_948 = tpu.memref_slice %arg12[%dma_wait3A_947] : memref<8192xf32, #tpu.memory_space<vmem>> -> memref<1024xf32, #tpu.memory_space<vmem>>
        tpu.wait_dma2 semaphore(%arg18 : memref<!tpu.dma_semaphore, #tpu.memory_space<semaphore_mem>>) src(%dma_wait3A_948 : memref<1024xf32, #tpu.memory_space<vmem>>) dst(%dma_wait3A_946 : memref<1024xf32, #tpu.memory_space<hbm>>)
        %dma_wait3A_949 = arith.constant 6 : i32
        %dma_wait3A_950 = arith.constant 6144 : i32
        %dma_wait3A_951 = tpu.memref_slice %arg12[%dma_wait3A_950] : memref<8192xf32, #tpu.memory_space<vmem>> -> memref<1024xf32, #tpu.memory_space<vmem>>
        %dma_wait3A_952 = arith.constant 0 : i32
        %dma_wait3A_953 = tpu.memref_slice %arg5[%add3A_233, %dma_wait3A_949, %add3A, %dma_wait3A_952] : memref<200x8x32x1024xf32, #tpu.memory_space<hbm>> -> memref<1x1x1x1024xf32, #tpu.memory_space<hbm>>
        %dma_wait3A_954 = tpu.memref_squeeze %dma_wait3A_953 : memref<1x1x1x1024xf32, #tpu.memory_space<hbm>> -> memref<1024xf32, #tpu.memory_space<hbm>>
        %dma_wait3A_955 = arith.constant 0 : i32
        %dma_wait3A_956 = tpu.memref_slice %arg5[%add3A_233, %dma_wait3A_949, %add3A, %dma_wait3A_955] : memref<200x8x32x1024xf32, #tpu.memory_space<hbm>> -> memref<1x1x1x1024xf32, #tpu.memory_space<hbm>>
        %dma_wait3A_957 = tpu.memref_squeeze %dma_wait3A_956 : memref<1x1x1x1024xf32, #tpu.memory_space<hbm>> -> memref<1024xf32, #tpu.memory_space<hbm>>
        %dma_wait3A_958 = arith.constant 6144 : i32
        %dma_wait3A_959 = tpu.memref_slice %arg12[%dma_wait3A_958] : memref<8192xf32, #tpu.memory_space<vmem>> -> memref<1024xf32, #tpu.memory_space<vmem>>
        tpu.wait_dma2 semaphore(%arg18 : memref<!tpu.dma_semaphore, #tpu.memory_space<semaphore_mem>>) src(%dma_wait3A_959 : memref<1024xf32, #tpu.memory_space<vmem>>) dst(%dma_wait3A_957 : memref<1024xf32, #tpu.memory_space<hbm>>)
        %dma_wait3A_960 = arith.constant 7 : i32
        %dma_wait3A_961 = arith.constant 7168 : i32
        %dma_wait3A_962 = tpu.memref_slice %arg12[%dma_wait3A_961] : memref<8192xf32, #tpu.memory_space<vmem>> -> memref<1024xf32, #tpu.memory_space<vmem>>
        %dma_wait3A_963 = arith.constant 0 : i32
        %dma_wait3A_964 = tpu.memref_slice %arg5[%add3A_233, %dma_wait3A_960, %add3A, %dma_wait3A_963] : memref<200x8x32x1024xf32, #tpu.memory_space<hbm>> -> memref<1x1x1x1024xf32, #tpu.memory_space<hbm>>
        %dma_wait3A_965 = tpu.memref_squeeze %dma_wait3A_964 : memref<1x1x1x1024xf32, #tpu.memory_space<hbm>> -> memref<1024xf32, #tpu.memory_space<hbm>>
        %dma_wait3A_966 = arith.constant 0 : i32
        %dma_wait3A_967 = tpu.memref_slice %arg5[%add3A_233, %dma_wait3A_960, %add3A, %dma_wait3A_966] : memref<200x8x32x1024xf32, #tpu.memory_space<hbm>> -> memref<1x1x1x1024xf32, #tpu.memory_space<hbm>>
        %dma_wait3A_968 = tpu.memref_squeeze %dma_wait3A_967 : memref<1x1x1x1024xf32, #tpu.memory_space<hbm>> -> memref<1024xf32, #tpu.memory_space<hbm>>
        %dma_wait3A_969 = arith.constant 7168 : i32
        %dma_wait3A_970 = tpu.memref_slice %arg12[%dma_wait3A_969] : memref<8192xf32, #tpu.memory_space<vmem>> -> memref<1024xf32, #tpu.memory_space<vmem>>
        tpu.wait_dma2 semaphore(%arg18 : memref<!tpu.dma_semaphore, #tpu.memory_space<semaphore_mem>>) src(%dma_wait3A_970 : memref<1024xf32, #tpu.memory_space<vmem>>) dst(%dma_wait3A_968 : memref<1024xf32, #tpu.memory_space<hbm>>)
      } else {
      }
      %parallel_loop3A = arith.constant 0 : i32
      %parallel_loop3A_253 = arith.constant 128 : i32
      %parallel_loop3A_254 = arith.constant 1 : i32
      scf.for %parallel_loop3A_883 = %parallel_loop3A to %parallel_loop3A_253 step %parallel_loop3A_254  : i32 {
        %parallel_loop3A_884 = arith.index_cast %parallel_loop3A_883 : i32 to index
        %parallel_loop3A_885 = arith.constant 0 : index
        %parallel_loop3A_886 = tpu.vector_load %arg8[%parallel_loop3A_884, %parallel_loop3A_885] {strides = array<i32>} : memref<128x64xf32, #tpu.memory_space<vmem>>, vector<16xf32>,
        %parallel_loop3A_887 = arith.addf %parallel_loop3A_886, %get3A_241 : vector<16xf32>
        %parallel_loop3A_888 = arith.constant 0 : i32
        %parallel_loop3A_889 = arith.addi %parallel_loop3A_888, %parallel_loop3A_883 : i32
        %parallel_loop3A_890 = vector.broadcast %parallel_loop3A_889 : i32 to vector<16xi32>
        %parallel_loop3A_891 = arith.addi %mul3A_3, %parallel_loop3A_890 : vector<16xi32>
        tpu.vector_store_idx %arg12[%parallel_loop3A_891], %parallel_loop3A_887 : memref<8192xf32, #tpu.memory_space<vmem>>[vector<16xi32>], vector<16xf32>,
        %parallel_loop3A_892 = arith.index_cast %parallel_loop3A_883 : i32 to index
        %parallel_loop3A_893 = arith.constant 16 : index
        %parallel_loop3A_894 = tpu.vector_load %arg8[%parallel_loop3A_892, %parallel_loop3A_893] {strides = array<i32>} : memref<128x64xf32, #tpu.memory_space<vmem>>, vector<16xf32>,
        %parallel_loop3A_895 = arith.addf %parallel_loop3A_894, %get3A_244 : vector<16xf32>
        %parallel_loop3A_896 = arith.constant 2048 : i32
        %parallel_loop3A_897 = arith.addi %parallel_loop3A_896, %parallel_loop3A_883 : i32
        %parallel_loop3A_898 = vector.broadcast %parallel_loop3A_897 : i32 to vector<16xi32>
        %parallel_loop3A_899 = arith.addi %mul3A_3, %parallel_loop3A_898 : vector<16xi32>
        tpu.vector_store_idx %arg12[%parallel_loop3A_899], %parallel_loop3A_895 : memref<8192xf32, #tpu.memory_space<vmem>>[vector<16xi32>], vector<16xf32>,
        %parallel_loop3A_900 = arith.index_cast %parallel_loop3A_883 : i32 to index
        %parallel_loop3A_901 = arith.constant 32 : index
        %parallel_loop3A_902 = tpu.vector_load %arg8[%parallel_loop3A_900, %parallel_loop3A_901] {strides = array<i32>} : memref<128x64xf32, #tpu.memory_space<vmem>>, vector<16xf32>,
        %parallel_loop3A_903 = arith.addf %parallel_loop3A_902, %get3A_247 : vector<16xf32>
        %parallel_loop3A_904 = arith.constant 4096 : i32
        %parallel_loop3A_905 = arith.addi %parallel_loop3A_904, %parallel_loop3A_883 : i32
        %parallel_loop3A_906 = vector.broadcast %parallel_loop3A_905 : i32 to vector<16xi32>
        %parallel_loop3A_907 = arith.addi %mul3A_3, %parallel_loop3A_906 : vector<16xi32>
        tpu.vector_store_idx %arg12[%parallel_loop3A_907], %parallel_loop3A_903 : memref<8192xf32, #tpu.memory_space<vmem>>[vector<16xi32>], vector<16xf32>,
        %parallel_loop3A_908 = arith.index_cast %parallel_loop3A_883 : i32 to index
        %parallel_loop3A_909 = arith.constant 48 : index
        %parallel_loop3A_910 = tpu.vector_load %arg8[%parallel_loop3A_908, %parallel_loop3A_909] {strides = array<i32>} : memref<128x64xf32, #tpu.memory_space<vmem>>, vector<16xf32>,
        %parallel_loop3A_911 = arith.addf %parallel_loop3A_910, %get3A_250 : vector<16xf32>
        %parallel_loop3A_912 = arith.constant 6144 : i32
        %parallel_loop3A_913 = arith.addi %parallel_loop3A_912, %parallel_loop3A_883 : i32
        %parallel_loop3A_914 = vector.broadcast %parallel_loop3A_913 : i32 to vector<16xi32>
        %parallel_loop3A_915 = arith.addi %mul3A_3, %parallel_loop3A_914 : vector<16xi32>
        tpu.vector_store_idx %arg12[%parallel_loop3A_915], %parallel_loop3A_911 : memref<8192xf32, #tpu.memory_space<vmem>>[vector<16xi32>], vector<16xf32>,
      } {sc.loop_unroll_factor = 4 : i64, sc.parallel_access}
      %dma_start3A_255 = arith.constant 0 : i32
      %dma_start3A_256 = arith.constant 0 : i32
      %dma_start3A_257 = tpu.memref_slice %arg12[%dma_start3A_256] : memref<8192xf32, #tpu.memory_space<vmem>> -> memref<1024xf32, #tpu.memory_space<vmem>>
      %dma_start3A_258 = arith.constant 0 : i32
      %dma_start3A_259 = tpu.memref_slice %arg5[%add3A_233, %dma_start3A_255, %add3A, %dma_start3A_258] : memref<200x8x32x1024xf32, #tpu.memory_space<hbm>> -> memref<1x1x1x1024xf32, #tpu.memory_space<hbm>>
      %dma_start3A_260 = tpu.memref_squeeze %dma_start3A_259 : memref<1x1x1x1024xf32, #tpu.memory_space<hbm>> -> memref<1024xf32, #tpu.memory_space<hbm>>
      %dma_start3A_261 = arith.constant 0 : i32
      %dma_start3A_262 = tpu.memref_slice %arg5[%add3A_233, %dma_start3A_255, %add3A, %dma_start3A_261] : memref<200x8x32x1024xf32, #tpu.memory_space<hbm>> -> memref<1x1x1x1024xf32, #tpu.memory_space<hbm>>
      %dma_start3A_263 = tpu.memref_squeeze %dma_start3A_262 : memref<1x1x1x1024xf32, #tpu.memory_space<hbm>> -> memref<1024xf32, #tpu.memory_space<hbm>>
      %dma_start3A_264 = arith.constant 0 : i32
      %dma_start3A_265 = tpu.memref_slice %arg12[%dma_start3A_264] : memref<8192xf32, #tpu.memory_space<vmem>> -> memref<1024xf32, #tpu.memory_space<vmem>>
      tpu.enqueue_dma source(%dma_start3A_265 : memref<1024xf32, #tpu.memory_space<vmem>>) target(%dma_start3A_263 : memref<1024xf32, #tpu.memory_space<hbm>>) target_semaphore(%arg18 : memref<!tpu.dma_semaphore, #tpu.memory_space<semaphore_mem>>)
      %dma_start3A_266 = arith.constant 1 : i32
      %dma_start3A_267 = arith.constant 1024 : i32
      %dma_start3A_268 = tpu.memref_slice %arg12[%dma_start3A_267] : memref<8192xf32, #tpu.memory_space<vmem>> -> memref<1024xf32, #tpu.memory_space<vmem>>
      %dma_start3A_269 = arith.constant 0 : i32
      %dma_start3A_270 = tpu.memref_slice %arg5[%add3A_233, %dma_start3A_266, %add3A, %dma_start3A_269] : memref<200x8x32x1024xf32, #tpu.memory_space<hbm>> -> memref<1x1x1x1024xf32, #tpu.memory_space<hbm>>
      %dma_start3A_271 = tpu.memref_squeeze %dma_start3A_270 : memref<1x1x1x1024xf32, #tpu.memory_space<hbm>> -> memref<1024xf32, #tpu.memory_space<hbm>>
      %dma_start3A_272 = arith.constant 0 : i32
      %dma_start3A_273 = tpu.memref_slice %arg5[%add3A_233, %dma_start3A_266, %add3A, %dma_start3A_272] : memref<200x8x32x1024xf32, #tpu.memory_space<hbm>> -> memref<1x1x1x1024xf32, #tpu.memory_space<hbm>>
      %dma_start3A_274 = tpu.memref_squeeze %dma_start3A_273 : memref<1x1x1x1024xf32, #tpu.memory_space<hbm>> -> memref<1024xf32, #tpu.memory_space<hbm>>
      %dma_start3A_275 = arith.constant 1024 : i32
      %dma_start3A_276 = tpu.memref_slice %arg12[%dma_start3A_275] : memref<8192xf32, #tpu.memory_space<vmem>> -> memref<1024xf32, #tpu.memory_space<vmem>>
      tpu.enqueue_dma source(%dma_start3A_276 : memref<1024xf32, #tpu.memory_space<vmem>>) target(%dma_start3A_274 : memref<1024xf32, #tpu.memory_space<hbm>>) target_semaphore(%arg18 : memref<!tpu.dma_semaphore, #tpu.memory_space<semaphore_mem>>)
      %dma_start3A_277 = arith.constant 2 : i32
      %dma_start3A_278 = arith.constant 2048 : i32
      %dma_start3A_279 = tpu.memref_slice %arg12[%dma_start3A_278] : memref<8192xf32, #tpu.memory_space<vmem>> -> memref<1024xf32, #tpu.memory_space<vmem>>
      %dma_start3A_280 = arith.constant 0 : i32
      %dma_start3A_281 = tpu.memref_slice %arg5[%add3A_233, %dma_start3A_277, %add3A, %dma_start3A_280] : memref<200x8x32x1024xf32, #tpu.memory_space<hbm>> -> memref<1x1x1x1024xf32, #tpu.memory_space<hbm>>
      %dma_start3A_282 = tpu.memref_squeeze %dma_start3A_281 : memref<1x1x1x1024xf32, #tpu.memory_space<hbm>> -> memref<1024xf32, #tpu.memory_space<hbm>>
      %dma_start3A_283 = arith.constant 0 : i32
      %dma_start3A_284 = tpu.memref_slice %arg5[%add3A_233, %dma_start3A_277, %add3A, %dma_start3A_283] : memref<200x8x32x1024xf32, #tpu.memory_space<hbm>> -> memref<1x1x1x1024xf32, #tpu.memory_space<hbm>>
      %dma_start3A_285 = tpu.memref_squeeze %dma_start3A_284 : memref<1x1x1x1024xf32, #tpu.memory_space<hbm>> -> memref<1024xf32, #tpu.memory_space<hbm>>
      %dma_start3A_286 = arith.constant 2048 : i32
      %dma_start3A_287 = tpu.memref_slice %arg12[%dma_start3A_286] : memref<8192xf32, #tpu.memory_space<vmem>> -> memref<1024xf32, #tpu.memory_space<vmem>>
      tpu.enqueue_dma source(%dma_start3A_287 : memref<1024xf32, #tpu.memory_space<vmem>>) target(%dma_start3A_285 : memref<1024xf32, #tpu.memory_space<hbm>>) target_semaphore(%arg18 : memref<!tpu.dma_semaphore, #tpu.memory_space<semaphore_mem>>)
      %dma_start3A_288 = arith.constant 3 : i32
      %dma_start3A_289 = arith.constant 3072 : i32
      %dma_start3A_290 = tpu.memref_slice %arg12[%dma_start3A_289] : memref<8192xf32, #tpu.memory_space<vmem>> -> memref<1024xf32, #tpu.memory_space<vmem>>
      %dma_start3A_291 = arith.constant 0 : i32
      %dma_start3A_292 = tpu.memref_slice %arg5[%add3A_233, %dma_start3A_288, %add3A, %dma_start3A_291] : memref<200x8x32x1024xf32, #tpu.memory_space<hbm>> -> memref<1x1x1x1024xf32, #tpu.memory_space<hbm>>
      %dma_start3A_293 = tpu.memref_squeeze %dma_start3A_292 : memref<1x1x1x1024xf32, #tpu.memory_space<hbm>> -> memref<1024xf32, #tpu.memory_space<hbm>>
      %dma_start3A_294 = arith.constant 0 : i32
      %dma_start3A_295 = tpu.memref_slice %arg5[%add3A_233, %dma_start3A_288, %add3A, %dma_start3A_294] : memref<200x8x32x1024xf32, #tpu.memory_space<hbm>> -> memref<1x1x1x1024xf32, #tpu.memory_space<hbm>>
      %dma_start3A_296 = tpu.memref_squeeze %dma_start3A_295 : memref<1x1x1x1024xf32, #tpu.memory_space<hbm>> -> memref<1024xf32, #tpu.memory_space<hbm>>
      %dma_start3A_297 = arith.constant 3072 : i32
      %dma_start3A_298 = tpu.memref_slice %arg12[%dma_start3A_297] : memref<8192xf32, #tpu.memory_space<vmem>> -> memref<1024xf32, #tpu.memory_space<vmem>>
      tpu.enqueue_dma source(%dma_start3A_298 : memref<1024xf32, #tpu.memory_space<vmem>>) target(%dma_start3A_296 : memref<1024xf32, #tpu.memory_space<hbm>>) target_semaphore(%arg18 : memref<!tpu.dma_semaphore, #tpu.memory_space<semaphore_mem>>)
      %dma_start3A_299 = arith.constant 4 : i32
      %dma_start3A_300 = arith.constant 4096 : i32
      %dma_start3A_301 = tpu.memref_slice %arg12[%dma_start3A_300] : memref<8192xf32, #tpu.memory_space<vmem>> -> memref<1024xf32, #tpu.memory_space<vmem>>
      %dma_start3A_302 = arith.constant 0 : i32
      %dma_start3A_303 = tpu.memref_slice %arg5[%add3A_233, %dma_start3A_299, %add3A, %dma_start3A_302] : memref<200x8x32x1024xf32, #tpu.memory_space<hbm>> -> memref<1x1x1x1024xf32, #tpu.memory_space<hbm>>
      %dma_start3A_304 = tpu.memref_squeeze %dma_start3A_303 : memref<1x1x1x1024xf32, #tpu.memory_space<hbm>> -> memref<1024xf32, #tpu.memory_space<hbm>>
      %dma_start3A_305 = arith.constant 0 : i32
      %dma_start3A_306 = tpu.memref_slice %arg5[%add3A_233, %dma_start3A_299, %add3A, %dma_start3A_305] : memref<200x8x32x1024xf32, #tpu.memory_space<hbm>> -> memref<1x1x1x1024xf32, #tpu.memory_space<hbm>>
      %dma_start3A_307 = tpu.memref_squeeze %dma_start3A_306 : memref<1x1x1x1024xf32, #tpu.memory_space<hbm>> -> memref<1024xf32, #tpu.memory_space<hbm>>
      %dma_start3A_308 = arith.constant 4096 : i32
      %dma_start3A_309 = tpu.memref_slice %arg12[%dma_start3A_308] : memref<8192xf32, #tpu.memory_space<vmem>> -> memref<1024xf32, #tpu.memory_space<vmem>>
      tpu.enqueue_dma source(%dma_start3A_309 : memref<1024xf32, #tpu.memory_space<vmem>>) target(%dma_start3A_307 : memref<1024xf32, #tpu.memory_space<hbm>>) target_semaphore(%arg18 : memref<!tpu.dma_semaphore, #tpu.memory_space<semaphore_mem>>)
      %dma_start3A_310 = arith.constant 5 : i32
      %dma_start3A_311 = arith.constant 5120 : i32
      %dma_start3A_312 = tpu.memref_slice %arg12[%dma_start3A_311] : memref<8192xf32, #tpu.memory_space<vmem>> -> memref<1024xf32, #tpu.memory_space<vmem>>
      %dma_start3A_313 = arith.constant 0 : i32
      %dma_start3A_314 = tpu.memref_slice %arg5[%add3A_233, %dma_start3A_310, %add3A, %dma_start3A_313] : memref<200x8x32x1024xf32, #tpu.memory_space<hbm>> -> memref<1x1x1x1024xf32, #tpu.memory_space<hbm>>
      %dma_start3A_315 = tpu.memref_squeeze %dma_start3A_314 : memref<1x1x1x1024xf32, #tpu.memory_space<hbm>> -> memref<1024xf32, #tpu.memory_space<hbm>>
      %dma_start3A_316 = arith.constant 0 : i32
      %dma_start3A_317 = tpu.memref_slice %arg5[%add3A_233, %dma_start3A_310, %add3A, %dma_start3A_316] : memref<200x8x32x1024xf32, #tpu.memory_space<hbm>> -> memref<1x1x1x1024xf32, #tpu.memory_space<hbm>>
      %dma_start3A_318 = tpu.memref_squeeze %dma_start3A_317 : memref<1x1x1x1024xf32, #tpu.memory_space<hbm>> -> memref<1024xf32, #tpu.memory_space<hbm>>
      %dma_start3A_319 = arith.constant 5120 : i32
      %dma_start3A_320 = tpu.memref_slice %arg12[%dma_start3A_319] : memref<8192xf32, #tpu.memory_space<vmem>> -> memref<1024xf32, #tpu.memory_space<vmem>>
      tpu.enqueue_dma source(%dma_start3A_320 : memref<1024xf32, #tpu.memory_space<vmem>>) target(%dma_start3A_318 : memref<1024xf32, #tpu.memory_space<hbm>>) target_semaphore(%arg18 : memref<!tpu.dma_semaphore, #tpu.memory_space<semaphore_mem>>)
      %dma_start3A_321 = arith.constant 6 : i32
      %dma_start3A_322 = arith.constant 6144 : i32
      %dma_start3A_323 = tpu.memref_slice %arg12[%dma_start3A_322] : memref<8192xf32, #tpu.memory_space<vmem>> -> memref<1024xf32, #tpu.memory_space<vmem>>
      %dma_start3A_324 = arith.constant 0 : i32
      %dma_start3A_325 = tpu.memref_slice %arg5[%add3A_233, %dma_start3A_321, %add3A, %dma_start3A_324] : memref<200x8x32x1024xf32, #tpu.memory_space<hbm>> -> memref<1x1x1x1024xf32, #tpu.memory_space<hbm>>
      %dma_start3A_326 = tpu.memref_squeeze %dma_start3A_325 : memref<1x1x1x1024xf32, #tpu.memory_space<hbm>> -> memref<1024xf32, #tpu.memory_space<hbm>>
      %dma_start3A_327 = arith.constant 0 : i32
      %dma_start3A_328 = tpu.memref_slice %arg5[%add3A_233, %dma_start3A_321, %add3A, %dma_start3A_327] : memref<200x8x32x1024xf32, #tpu.memory_space<hbm>> -> memref<1x1x1x1024xf32, #tpu.memory_space<hbm>>
      %dma_start3A_329 = tpu.memref_squeeze %dma_start3A_328 : memref<1x1x1x1024xf32, #tpu.memory_space<hbm>> -> memref<1024xf32, #tpu.memory_space<hbm>>
      %dma_start3A_330 = arith.constant 6144 : i32
      %dma_start3A_331 = tpu.memref_slice %arg12[%dma_start3A_330] : memref<8192xf32, #tpu.memory_space<vmem>> -> memref<1024xf32, #tpu.memory_space<vmem>>
      tpu.enqueue_dma source(%dma_start3A_331 : memref<1024xf32, #tpu.memory_space<vmem>>) target(%dma_start3A_329 : memref<1024xf32, #tpu.memory_space<hbm>>) target_semaphore(%arg18 : memref<!tpu.dma_semaphore, #tpu.memory_space<semaphore_mem>>)
      %dma_start3A_332 = arith.constant 7 : i32
      %dma_start3A_333 = arith.constant 7168 : i32
      %dma_start3A_334 = tpu.memref_slice %arg12[%dma_start3A_333] : memref<8192xf32, #tpu.memory_space<vmem>> -> memref<1024xf32, #tpu.memory_space<vmem>>
      %dma_start3A_335 = arith.constant 0 : i32
      %dma_start3A_336 = tpu.memref_slice %arg5[%add3A_233, %dma_start3A_332, %add3A, %dma_start3A_335] : memref<200x8x32x1024xf32, #tpu.memory_space<hbm>> -> memref<1x1x1x1024xf32, #tpu.memory_space<hbm>>
      %dma_start3A_337 = tpu.memref_squeeze %dma_start3A_336 : memref<1x1x1x1024xf32, #tpu.memory_space<hbm>> -> memref<1024xf32, #tpu.memory_space<hbm>>
      %dma_start3A_338 = arith.constant 0 : i32
      %dma_start3A_339 = tpu.memref_slice %arg5[%add3A_233, %dma_start3A_332, %add3A, %dma_start3A_338] : memref<200x8x32x1024xf32, #tpu.memory_space<hbm>> -> memref<1x1x1x1024xf32, #tpu.memory_space<hbm>>
      %dma_start3A_340 = tpu.memref_squeeze %dma_start3A_339 : memref<1x1x1x1024xf32, #tpu.memory_space<hbm>> -> memref<1024xf32, #tpu.memory_space<hbm>>
      %dma_start3A_341 = arith.constant 7168 : i32
      %dma_start3A_342 = tpu.memref_slice %arg12[%dma_start3A_341] : memref<8192xf32, #tpu.memory_space<vmem>> -> memref<1024xf32, #tpu.memory_space<vmem>>
      tpu.enqueue_dma source(%dma_start3A_342 : memref<1024xf32, #tpu.memory_space<vmem>>) target(%dma_start3A_340 : memref<1024xf32, #tpu.memory_space<hbm>>) target_semaphore(%arg18 : memref<!tpu.dma_semaphore, #tpu.memory_space<semaphore_mem>>)
      %lt3A = arith.constant 49 : i32
      %lt3A_343 = arith.cmpi slt, %scan3A_228, %lt3A : i32
      %convert_element_type3A_344 = arith.extui %lt3A_343 : i1 to i32
      %cond3A_345 = arith.constant 0 : i32
      %cond3A_346 = arith.cmpi ne, %convert_element_type3A_344, %cond3A_345 : i32
      scf.if %cond3A_346 {
        %add3A_883 = arith.constant 4 : i32
        %add3A_884 = arith.addi %add3A_233, %add3A_883 : i32
        %dma_start3A_885 = arith.constant 0 : i32
        %dma_start3A_886 = tpu.memref_slice %arg6[%add3A_884, %dma_start3A_885] : memref<200x128xi32, #tpu.memory_space<vmem>> -> memref<1x128xi32, #tpu.memory_space<vmem>>
        %dma_start3A_887 = tpu.memref_squeeze %dma_start3A_886 : memref<1x128xi32, #tpu.memory_space<vmem>> -> memref<128xi32, #tpu.memory_space<vmem>>
        %dma_start3A_888 = arith.constant 0 : i32
        %dma_start3A_889 = arith.constant 0 : i32
        %dma_start3A_890 = tpu.memref_slice %arg3[%dma_start3A_888, %dma_start3A_889] : memref<1000000x64xf32, #tpu.memory_space<hbm>> -> memref<1000000x64xf32, #tpu.memory_space<hbm>>
        tpu.enqueue_indirect_dma source(%dma_start3A_890 : memref<1000000x64xf32, #tpu.memory_space<hbm>>) target(%arg8 : memref<128x64xf32, #tpu.memory_space<vmem>>) offsets(%dma_start3A_887 : memref<128xi32, #tpu.memory_space<vmem>>) semaphore(%arg14 : memref<!tpu.dma_semaphore, #tpu.memory_space<semaphore_mem>>)
      } else {
      }
      %mul3A_347 = arith.constant 4 : i32
      %mul3A_348 = arith.muli %scan3A_228, %mul3A_347 : i32
      %add3A_349 = arith.constant 1 : i32
      %add3A_350 = arith.addi %mul3A_348, %add3A_349 : i32
      %dma_wait3A_351 = arith.constant 0 : i32
      %dma_wait3A_352 = tpu.memref_slice %arg6[%add3A_350, %dma_wait3A_351] : memref<200x128xi32, #tpu.memory_space<vmem>> -> memref<1x128xi32, #tpu.memory_space<vmem>>
      %dma_wait3A_353 = tpu.memref_squeeze %dma_wait3A_352 : memref<1x128xi32, #tpu.memory_space<vmem>> -> memref<128xi32, #tpu.memory_space<vmem>>
      %dma_wait3A_354 = arith.constant 0 : i32
      %dma_wait3A_355 = arith.constant 0 : i32
      %dma_wait3A_356 = tpu.memref_slice %arg3[%dma_wait3A_354, %dma_wait3A_355] : memref<1000000x64xf32, #tpu.memory_space<hbm>> -> memref<1000000x64xf32, #tpu.memory_space<hbm>>
      tpu.wait_indirect_dma semaphore(%arg15 : memref<!tpu.dma_semaphore, #tpu.memory_space<semaphore_mem>>) src(%dma_wait3A_356 : memref<1000000x64xf32, #tpu.memory_space<hbm>>) dst(%arg9 : memref<128x64xf32, #tpu.memory_space<vmem>>)
      %get3A_357 = arith.index_cast %add3A_350 : i32 to index
      %get3A_358 = arith.constant 0 : index
      %get3A_359 = tpu.vector_load %arg7[%get3A_357, %get3A_358] {strides = array<i32>} : memref<200x64xf32, #tpu.memory_space<vmem>>, vector<16xf32>,
      %get3A_360 = arith.index_cast %add3A_350 : i32 to index
      %get3A_361 = arith.constant 16 : index
      %get3A_362 = tpu.vector_load %arg7[%get3A_360, %get3A_361] {strides = array<i32>} : memref<200x64xf32, #tpu.memory_space<vmem>>, vector<16xf32>,
      %get3A_363 = arith.index_cast %add3A_350 : i32 to index
      %get3A_364 = arith.constant 32 : index
      %get3A_365 = tpu.vector_load %arg7[%get3A_363, %get3A_364] {strides = array<i32>} : memref<200x64xf32, #tpu.memory_space<vmem>>, vector<16xf32>,
      %get3A_366 = arith.index_cast %add3A_350 : i32 to index
      %get3A_367 = arith.constant 48 : index
      %get3A_368 = tpu.vector_load %arg7[%get3A_366, %get3A_367] {strides = array<i32>} : memref<200x64xf32, #tpu.memory_space<vmem>>, vector<16xf32>,
      %gt3A_369 = arith.constant 0 : i32
      %gt3A_370 = arith.cmpi sgt, %scan3A_228, %gt3A_369 : i32
      %convert_element_type3A_371 = arith.extui %gt3A_370 : i1 to i32
      %cond3A_372 = arith.constant 0 : i32
      %cond3A_373 = arith.cmpi ne, %convert_element_type3A_371, %cond3A_372 : i32
      scf.if %cond3A_373 {
        %dma_wait3A_883 = arith.constant 0 : i32
        %dma_wait3A_884 = arith.constant 0 : i32
        %dma_wait3A_885 = tpu.memref_slice %arg13[%dma_wait3A_884] : memref<8192xf32, #tpu.memory_space<vmem>> -> memref<1024xf32, #tpu.memory_space<vmem>>
        %dma_wait3A_886 = arith.constant 0 : i32
        %dma_wait3A_887 = tpu.memref_slice %arg5[%add3A_350, %dma_wait3A_883, %add3A, %dma_wait3A_886] : memref<200x8x32x1024xf32, #tpu.memory_space<hbm>> -> memref<1x1x1x1024xf32, #tpu.memory_space<hbm>>
        %dma_wait3A_888 = tpu.memref_squeeze %dma_wait3A_887 : memref<1x1x1x1024xf32, #tpu.memory_space<hbm>> -> memref<1024xf32, #tpu.memory_space<hbm>>
        %dma_wait3A_889 = arith.constant 0 : i32
        %dma_wait3A_890 = tpu.memref_slice %arg5[%add3A_350, %dma_wait3A_883, %add3A, %dma_wait3A_889] : memref<200x8x32x1024xf32, #tpu.memory_space<hbm>> -> memref<1x1x1x1024xf32, #tpu.memory_space<hbm>>
        %dma_wait3A_891 = tpu.memref_squeeze %dma_wait3A_890 : memref<1x1x1x1024xf32, #tpu.memory_space<hbm>> -> memref<1024xf32, #tpu.memory_space<hbm>>
        %dma_wait3A_892 = arith.constant 0 : i32
        %dma_wait3A_893 = tpu.memref_slice %arg13[%dma_wait3A_892] : memref<8192xf32, #tpu.memory_space<vmem>> -> memref<1024xf32, #tpu.memory_space<vmem>>
        tpu.wait_dma2 semaphore(%arg19 : memref<!tpu.dma_semaphore, #tpu.memory_space<semaphore_mem>>) src(%dma_wait3A_893 : memref<1024xf32, #tpu.memory_space<vmem>>) dst(%dma_wait3A_891 : memref<1024xf32, #tpu.memory_space<hbm>>)
        %dma_wait3A_894 = arith.constant 1 : i32
        %dma_wait3A_895 = arith.constant 1024 : i32
        %dma_wait3A_896 = tpu.memref_slice %arg13[%dma_wait3A_895] : memref<8192xf32, #tpu.memory_space<vmem>> -> memref<1024xf32, #tpu.memory_space<vmem>>
        %dma_wait3A_897 = arith.constant 0 : i32
        %dma_wait3A_898 = tpu.memref_slice %arg5[%add3A_350, %dma_wait3A_894, %add3A, %dma_wait3A_897] : memref<200x8x32x1024xf32, #tpu.memory_space<hbm>> -> memref<1x1x1x1024xf32, #tpu.memory_space<hbm>>
        %dma_wait3A_899 = tpu.memref_squeeze %dma_wait3A_898 : memref<1x1x1x1024xf32, #tpu.memory_space<hbm>> -> memref<1024xf32, #tpu.memory_space<hbm>>
        %dma_wait3A_900 = arith.constant 0 : i32
        %dma_wait3A_901 = tpu.memref_slice %arg5[%add3A_350, %dma_wait3A_894, %add3A, %dma_wait3A_900] : memref<200x8x32x1024xf32, #tpu.memory_space<hbm>> -> memref<1x1x1x1024xf32, #tpu.memory_space<hbm>>
        %dma_wait3A_902 = tpu.memref_squeeze %dma_wait3A_901 : memref<1x1x1x1024xf32, #tpu.memory_space<hbm>> -> memref<1024xf32, #tpu.memory_space<hbm>>
        %dma_wait3A_903 = arith.constant 1024 : i32
        %dma_wait3A_904 = tpu.memref_slice %arg13[%dma_wait3A_903] : memref<8192xf32, #tpu.memory_space<vmem>> -> memref<1024xf32, #tpu.memory_space<vmem>>
        tpu.wait_dma2 semaphore(%arg19 : memref<!tpu.dma_semaphore, #tpu.memory_space<semaphore_mem>>) src(%dma_wait3A_904 : memref<1024xf32, #tpu.memory_space<vmem>>) dst(%dma_wait3A_902 : memref<1024xf32, #tpu.memory_space<hbm>>)
        %dma_wait3A_905 = arith.constant 2 : i32
        %dma_wait3A_906 = arith.constant 2048 : i32
        %dma_wait3A_907 = tpu.memref_slice %arg13[%dma_wait3A_906] : memref<8192xf32, #tpu.memory_space<vmem>> -> memref<1024xf32, #tpu.memory_space<vmem>>
        %dma_wait3A_908 = arith.constant 0 : i32
        %dma_wait3A_909 = tpu.memref_slice %arg5[%add3A_350, %dma_wait3A_905, %add3A, %dma_wait3A_908] : memref<200x8x32x1024xf32, #tpu.memory_space<hbm>> -> memref<1x1x1x1024xf32, #tpu.memory_space<hbm>>
        %dma_wait3A_910 = tpu.memref_squeeze %dma_wait3A_909 : memref<1x1x1x1024xf32, #tpu.memory_space<hbm>> -> memref<1024xf32, #tpu.memory_space<hbm>>
        %dma_wait3A_911 = arith.constant 0 : i32
        %dma_wait3A_912 = tpu.memref_slice %arg5[%add3A_350, %dma_wait3A_905, %add3A, %dma_wait3A_911] : memref<200x8x32x1024xf32, #tpu.memory_space<hbm>> -> memref<1x1x1x1024xf32, #tpu.memory_space<hbm>>
        %dma_wait3A_913 = tpu.memref_squeeze %dma_wait3A_912 : memref<1x1x1x1024xf32, #tpu.memory_space<hbm>> -> memref<1024xf32, #tpu.memory_space<hbm>>
        %dma_wait3A_914 = arith.constant 2048 : i32
        %dma_wait3A_915 = tpu.memref_slice %arg13[%dma_wait3A_914] : memref<8192xf32, #tpu.memory_space<vmem>> -> memref<1024xf32, #tpu.memory_space<vmem>>
        tpu.wait_dma2 semaphore(%arg19 : memref<!tpu.dma_semaphore, #tpu.memory_space<semaphore_mem>>) src(%dma_wait3A_915 : memref<1024xf32, #tpu.memory_space<vmem>>) dst(%dma_wait3A_913 : memref<1024xf32, #tpu.memory_space<hbm>>)
        %dma_wait3A_916 = arith.constant 3 : i32
        %dma_wait3A_917 = arith.constant 3072 : i32
        %dma_wait3A_918 = tpu.memref_slice %arg13[%dma_wait3A_917] : memref<8192xf32, #tpu.memory_space<vmem>> -> memref<1024xf32, #tpu.memory_space<vmem>>
        %dma_wait3A_919 = arith.constant 0 : i32
        %dma_wait3A_920 = tpu.memref_slice %arg5[%add3A_350, %dma_wait3A_916, %add3A, %dma_wait3A_919] : memref<200x8x32x1024xf32, #tpu.memory_space<hbm>> -> memref<1x1x1x1024xf32, #tpu.memory_space<hbm>>
        %dma_wait3A_921 = tpu.memref_squeeze %dma_wait3A_920 : memref<1x1x1x1024xf32, #tpu.memory_space<hbm>> -> memref<1024xf32, #tpu.memory_space<hbm>>
        %dma_wait3A_922 = arith.constant 0 : i32
        %dma_wait3A_923 = tpu.memref_slice %arg5[%add3A_350, %dma_wait3A_916, %add3A, %dma_wait3A_922] : memref<200x8x32x1024xf32, #tpu.memory_space<hbm>> -> memref<1x1x1x1024xf32, #tpu.memory_space<hbm>>
        %dma_wait3A_924 = tpu.memref_squeeze %dma_wait3A_923 : memref<1x1x1x1024xf32, #tpu.memory_space<hbm>> -> memref<1024xf32, #tpu.memory_space<hbm>>
        %dma_wait3A_925 = arith.constant 3072 : i32
        %dma_wait3A_926 = tpu.memref_slice %arg13[%dma_wait3A_925] : memref<8192xf32, #tpu.memory_space<vmem>> -> memref<1024xf32, #tpu.memory_space<vmem>>
        tpu.wait_dma2 semaphore(%arg19 : memref<!tpu.dma_semaphore, #tpu.memory_space<semaphore_mem>>) src(%dma_wait3A_926 : memref<1024xf32, #tpu.memory_space<vmem>>) dst(%dma_wait3A_924 : memref<1024xf32, #tpu.memory_space<hbm>>)
        %dma_wait3A_927 = arith.constant 4 : i32
        %dma_wait3A_928 = arith.constant 4096 : i32
        %dma_wait3A_929 = tpu.memref_slice %arg13[%dma_wait3A_928] : memref<8192xf32, #tpu.memory_space<vmem>> -> memref<1024xf32, #tpu.memory_space<vmem>>
        %dma_wait3A_930 = arith.constant 0 : i32
        %dma_wait3A_931 = tpu.memref_slice %arg5[%add3A_350, %dma_wait3A_927, %add3A, %dma_wait3A_930] : memref<200x8x32x1024xf32, #tpu.memory_space<hbm>> -> memref<1x1x1x1024xf32, #tpu.memory_space<hbm>>
        %dma_wait3A_932 = tpu.memref_squeeze %dma_wait3A_931 : memref<1x1x1x1024xf32, #tpu.memory_space<hbm>> -> memref<1024xf32, #tpu.memory_space<hbm>>
        %dma_wait3A_933 = arith.constant 0 : i32
        %dma_wait3A_934 = tpu.memref_slice %arg5[%add3A_350, %dma_wait3A_927, %add3A, %dma_wait3A_933] : memref<200x8x32x1024xf32, #tpu.memory_space<hbm>> -> memref<1x1x1x1024xf32, #tpu.memory_space<hbm>>
        %dma_wait3A_935 = tpu.memref_squeeze %dma_wait3A_934 : memref<1x1x1x1024xf32, #tpu.memory_space<hbm>> -> memref<1024xf32, #tpu.memory_space<hbm>>
        %dma_wait3A_936 = arith.constant 4096 : i32
        %dma_wait3A_937 = tpu.memref_slice %arg13[%dma_wait3A_936] : memref<8192xf32, #tpu.memory_space<vmem>> -> memref<1024xf32, #tpu.memory_space<vmem>>
        tpu.wait_dma2 semaphore(%arg19 : memref<!tpu.dma_semaphore, #tpu.memory_space<semaphore_mem>>) src(%dma_wait3A_937 : memref<1024xf32, #tpu.memory_space<vmem>>) dst(%dma_wait3A_935 : memref<1024xf32, #tpu.memory_space<hbm>>)
        %dma_wait3A_938 = arith.constant 5 : i32
        %dma_wait3A_939 = arith.constant 5120 : i32
        %dma_wait3A_940 = tpu.memref_slice %arg13[%dma_wait3A_939] : memref<8192xf32, #tpu.memory_space<vmem>> -> memref<1024xf32, #tpu.memory_space<vmem>>
        %dma_wait3A_941 = arith.constant 0 : i32
        %dma_wait3A_942 = tpu.memref_slice %arg5[%add3A_350, %dma_wait3A_938, %add3A, %dma_wait3A_941] : memref<200x8x32x1024xf32, #tpu.memory_space<hbm>> -> memref<1x1x1x1024xf32, #tpu.memory_space<hbm>>
        %dma_wait3A_943 = tpu.memref_squeeze %dma_wait3A_942 : memref<1x1x1x1024xf32, #tpu.memory_space<hbm>> -> memref<1024xf32, #tpu.memory_space<hbm>>
        %dma_wait3A_944 = arith.constant 0 : i32
        %dma_wait3A_945 = tpu.memref_slice %arg5[%add3A_350, %dma_wait3A_938, %add3A, %dma_wait3A_944] : memref<200x8x32x1024xf32, #tpu.memory_space<hbm>> -> memref<1x1x1x1024xf32, #tpu.memory_space<hbm>>
        %dma_wait3A_946 = tpu.memref_squeeze %dma_wait3A_945 : memref<1x1x1x1024xf32, #tpu.memory_space<hbm>> -> memref<1024xf32, #tpu.memory_space<hbm>>
        %dma_wait3A_947 = arith.constant 5120 : i32
        %dma_wait3A_948 = tpu.memref_slice %arg13[%dma_wait3A_947] : memref<8192xf32, #tpu.memory_space<vmem>> -> memref<1024xf32, #tpu.memory_space<vmem>>
        tpu.wait_dma2 semaphore(%arg19 : memref<!tpu.dma_semaphore, #tpu.memory_space<semaphore_mem>>) src(%dma_wait3A_948 : memref<1024xf32, #tpu.memory_space<vmem>>) dst(%dma_wait3A_946 : memref<1024xf32, #tpu.memory_space<hbm>>)
        %dma_wait3A_949 = arith.constant 6 : i32
        %dma_wait3A_950 = arith.constant 6144 : i32
        %dma_wait3A_951 = tpu.memref_slice %arg13[%dma_wait3A_950] : memref<8192xf32, #tpu.memory_space<vmem>> -> memref<1024xf32, #tpu.memory_space<vmem>>
        %dma_wait3A_952 = arith.constant 0 : i32
        %dma_wait3A_953 = tpu.memref_slice %arg5[%add3A_350, %dma_wait3A_949, %add3A, %dma_wait3A_952] : memref<200x8x32x1024xf32, #tpu.memory_space<hbm>> -> memref<1x1x1x1024xf32, #tpu.memory_space<hbm>>
        %dma_wait3A_954 = tpu.memref_squeeze %dma_wait3A_953 : memref<1x1x1x1024xf32, #tpu.memory_space<hbm>> -> memref<1024xf32, #tpu.memory_space<hbm>>
        %dma_wait3A_955 = arith.constant 0 : i32
        %dma_wait3A_956 = tpu.memref_slice %arg5[%add3A_350, %dma_wait3A_949, %add3A, %dma_wait3A_955] : memref<200x8x32x1024xf32, #tpu.memory_space<hbm>> -> memref<1x1x1x1024xf32, #tpu.memory_space<hbm>>
        %dma_wait3A_957 = tpu.memref_squeeze %dma_wait3A_956 : memref<1x1x1x1024xf32, #tpu.memory_space<hbm>> -> memref<1024xf32, #tpu.memory_space<hbm>>
        %dma_wait3A_958 = arith.constant 6144 : i32
        %dma_wait3A_959 = tpu.memref_slice %arg13[%dma_wait3A_958] : memref<8192xf32, #tpu.memory_space<vmem>> -> memref<1024xf32, #tpu.memory_space<vmem>>
        tpu.wait_dma2 semaphore(%arg19 : memref<!tpu.dma_semaphore, #tpu.memory_space<semaphore_mem>>) src(%dma_wait3A_959 : memref<1024xf32, #tpu.memory_space<vmem>>) dst(%dma_wait3A_957 : memref<1024xf32, #tpu.memory_space<hbm>>)
        %dma_wait3A_960 = arith.constant 7 : i32
        %dma_wait3A_961 = arith.constant 7168 : i32
        %dma_wait3A_962 = tpu.memref_slice %arg13[%dma_wait3A_961] : memref<8192xf32, #tpu.memory_space<vmem>> -> memref<1024xf32, #tpu.memory_space<vmem>>
        %dma_wait3A_963 = arith.constant 0 : i32
        %dma_wait3A_964 = tpu.memref_slice %arg5[%add3A_350, %dma_wait3A_960, %add3A, %dma_wait3A_963] : memref<200x8x32x1024xf32, #tpu.memory_space<hbm>> -> memref<1x1x1x1024xf32, #tpu.memory_space<hbm>>
        %dma_wait3A_965 = tpu.memref_squeeze %dma_wait3A_964 : memref<1x1x1x1024xf32, #tpu.memory_space<hbm>> -> memref<1024xf32, #tpu.memory_space<hbm>>
        %dma_wait3A_966 = arith.constant 0 : i32
        %dma_wait3A_967 = tpu.memref_slice %arg5[%add3A_350, %dma_wait3A_960, %add3A, %dma_wait3A_966] : memref<200x8x32x1024xf32, #tpu.memory_space<hbm>> -> memref<1x1x1x1024xf32, #tpu.memory_space<hbm>>
        %dma_wait3A_968 = tpu.memref_squeeze %dma_wait3A_967 : memref<1x1x1x1024xf32, #tpu.memory_space<hbm>> -> memref<1024xf32, #tpu.memory_space<hbm>>
        %dma_wait3A_969 = arith.constant 7168 : i32
        %dma_wait3A_970 = tpu.memref_slice %arg13[%dma_wait3A_969] : memref<8192xf32, #tpu.memory_space<vmem>> -> memref<1024xf32, #tpu.memory_space<vmem>>
        tpu.wait_dma2 semaphore(%arg19 : memref<!tpu.dma_semaphore, #tpu.memory_space<semaphore_mem>>) src(%dma_wait3A_970 : memref<1024xf32, #tpu.memory_space<vmem>>) dst(%dma_wait3A_968 : memref<1024xf32, #tpu.memory_space<hbm>>)
      } else {
      }
      %parallel_loop3A_374 = arith.constant 0 : i32
      %parallel_loop3A_375 = arith.constant 128 : i32
      %parallel_loop3A_376 = arith.constant 1 : i32
      scf.for %parallel_loop3A_883 = %parallel_loop3A_374 to %parallel_loop3A_375 step %parallel_loop3A_376  : i32 {
        %parallel_loop3A_884 = arith.index_cast %parallel_loop3A_883 : i32 to index
        %parallel_loop3A_885 = arith.constant 0 : index
        %parallel_loop3A_886 = tpu.vector_load %arg9[%parallel_loop3A_884, %parallel_loop3A_885] {strides = array<i32>} : memref<128x64xf32, #tpu.memory_space<vmem>>, vector<16xf32>,
        %parallel_loop3A_887 = arith.addf %parallel_loop3A_886, %get3A_359 : vector<16xf32>
        %parallel_loop3A_888 = arith.constant 0 : i32
        %parallel_loop3A_889 = arith.addi %parallel_loop3A_888, %parallel_loop3A_883 : i32
        %parallel_loop3A_890 = vector.broadcast %parallel_loop3A_889 : i32 to vector<16xi32>
        %parallel_loop3A_891 = arith.addi %mul3A_3, %parallel_loop3A_890 : vector<16xi32>
        tpu.vector_store_idx %arg13[%parallel_loop3A_891], %parallel_loop3A_887 : memref<8192xf32, #tpu.memory_space<vmem>>[vector<16xi32>], vector<16xf32>,
        %parallel_loop3A_892 = arith.index_cast %parallel_loop3A_883 : i32 to index
        %parallel_loop3A_893 = arith.constant 16 : index
        %parallel_loop3A_894 = tpu.vector_load %arg9[%parallel_loop3A_892, %parallel_loop3A_893] {strides = array<i32>} : memref<128x64xf32, #tpu.memory_space<vmem>>, vector<16xf32>,
        %parallel_loop3A_895 = arith.addf %parallel_loop3A_894, %get3A_362 : vector<16xf32>
        %parallel_loop3A_896 = arith.constant 2048 : i32
        %parallel_loop3A_897 = arith.addi %parallel_loop3A_896, %parallel_loop3A_883 : i32
        %parallel_loop3A_898 = vector.broadcast %parallel_loop3A_897 : i32 to vector<16xi32>
        %parallel_loop3A_899 = arith.addi %mul3A_3, %parallel_loop3A_898 : vector<16xi32>
        tpu.vector_store_idx %arg13[%parallel_loop3A_899], %parallel_loop3A_895 : memref<8192xf32, #tpu.memory_space<vmem>>[vector<16xi32>], vector<16xf32>,
        %parallel_loop3A_900 = arith.index_cast %parallel_loop3A_883 : i32 to index
        %parallel_loop3A_901 = arith.constant 32 : index
        %parallel_loop3A_902 = tpu.vector_load %arg9[%parallel_loop3A_900, %parallel_loop3A_901] {strides = array<i32>} : memref<128x64xf32, #tpu.memory_space<vmem>>, vector<16xf32>,
        %parallel_loop3A_903 = arith.addf %parallel_loop3A_902, %get3A_365 : vector<16xf32>
        %parallel_loop3A_904 = arith.constant 4096 : i32
        %parallel_loop3A_905 = arith.addi %parallel_loop3A_904, %parallel_loop3A_883 : i32
        %parallel_loop3A_906 = vector.broadcast %parallel_loop3A_905 : i32 to vector<16xi32>
        %parallel_loop3A_907 = arith.addi %mul3A_3, %parallel_loop3A_906 : vector<16xi32>
        tpu.vector_store_idx %arg13[%parallel_loop3A_907], %parallel_loop3A_903 : memref<8192xf32, #tpu.memory_space<vmem>>[vector<16xi32>], vector<16xf32>,
        %parallel_loop3A_908 = arith.index_cast %parallel_loop3A_883 : i32 to index
        %parallel_loop3A_909 = arith.constant 48 : index
        %parallel_loop3A_910 = tpu.vector_load %arg9[%parallel_loop3A_908, %parallel_loop3A_909] {strides = array<i32>} : memref<128x64xf32, #tpu.memory_space<vmem>>, vector<16xf32>,
        %parallel_loop3A_911 = arith.addf %parallel_loop3A_910, %get3A_368 : vector<16xf32>
        %parallel_loop3A_912 = arith.constant 6144 : i32
        %parallel_loop3A_913 = arith.addi %parallel_loop3A_912, %parallel_loop3A_883 : i32
        %parallel_loop3A_914 = vector.broadcast %parallel_loop3A_913 : i32 to vector<16xi32>
        %parallel_loop3A_915 = arith.addi %mul3A_3, %parallel_loop3A_914 : vector<16xi32>
        tpu.vector_store_idx %arg13[%parallel_loop3A_915], %parallel_loop3A_911 : memref<8192xf32, #tpu.memory_space<vmem>>[vector<16xi32>], vector<16xf32>,
      } {sc.loop_unroll_factor = 4 : i64, sc.parallel_access}
      %dma_start3A_377 = arith.constant 0 : i32
      %dma_start3A_378 = arith.constant 0 : i32
      %dma_start3A_379 = tpu.memref_slice %arg13[%dma_start3A_378] : memref<8192xf32, #tpu.memory_space<vmem>> -> memref<1024xf32, #tpu.memory_space<vmem>>
      %dma_start3A_380 = arith.constant 0 : i32
      %dma_start3A_381 = tpu.memref_slice %arg5[%add3A_350, %dma_start3A_377, %add3A, %dma_start3A_380] : memref<200x8x32x1024xf32, #tpu.memory_space<hbm>> -> memref<1x1x1x1024xf32, #tpu.memory_space<hbm>>
      %dma_start3A_382 = tpu.memref_squeeze %dma_start3A_381 : memref<1x1x1x1024xf32, #tpu.memory_space<hbm>> -> memref<1024xf32, #tpu.memory_space<hbm>>
      %dma_start3A_383 = arith.constant 0 : i32
      %dma_start3A_384 = tpu.memref_slice %arg5[%add3A_350, %dma_start3A_377, %add3A, %dma_start3A_383] : memref<200x8x32x1024xf32, #tpu.memory_space<hbm>> -> memref<1x1x1x1024xf32, #tpu.memory_space<hbm>>
      %dma_start3A_385 = tpu.memref_squeeze %dma_start3A_384 : memref<1x1x1x1024xf32, #tpu.memory_space<hbm>> -> memref<1024xf32, #tpu.memory_space<hbm>>
      %dma_start3A_386 = arith.constant 0 : i32
      %dma_start3A_387 = tpu.memref_slice %arg13[%dma_start3A_386] : memref<8192xf32, #tpu.memory_space<vmem>> -> memref<1024xf32, #tpu.memory_space<vmem>>
      tpu.enqueue_dma source(%dma_start3A_387 : memref<1024xf32, #tpu.memory_space<vmem>>) target(%dma_start3A_385 : memref<1024xf32, #tpu.memory_space<hbm>>) target_semaphore(%arg19 : memref<!tpu.dma_semaphore, #tpu.memory_space<semaphore_mem>>)
      %dma_start3A_388 = arith.constant 1 : i32
      %dma_start3A_389 = arith.constant 1024 : i32
      %dma_start3A_390 = tpu.memref_slice %arg13[%dma_start3A_389] : memref<8192xf32, #tpu.memory_space<vmem>> -> memref<1024xf32, #tpu.memory_space<vmem>>
      %dma_start3A_391 = arith.constant 0 : i32
      %dma_start3A_392 = tpu.memref_slice %arg5[%add3A_350, %dma_start3A_388, %add3A, %dma_start3A_391] : memref<200x8x32x1024xf32, #tpu.memory_space<hbm>> -> memref<1x1x1x1024xf32, #tpu.memory_space<hbm>>
      %dma_start3A_393 = tpu.memref_squeeze %dma_start3A_392 : memref<1x1x1x1024xf32, #tpu.memory_space<hbm>> -> memref<1024xf32, #tpu.memory_space<hbm>>
      %dma_start3A_394 = arith.constant 0 : i32
      %dma_start3A_395 = tpu.memref_slice %arg5[%add3A_350, %dma_start3A_388, %add3A, %dma_start3A_394] : memref<200x8x32x1024xf32, #tpu.memory_space<hbm>> -> memref<1x1x1x1024xf32, #tpu.memory_space<hbm>>
      %dma_start3A_396 = tpu.memref_squeeze %dma_start3A_395 : memref<1x1x1x1024xf32, #tpu.memory_space<hbm>> -> memref<1024xf32, #tpu.memory_space<hbm>>
      %dma_start3A_397 = arith.constant 1024 : i32
      %dma_start3A_398 = tpu.memref_slice %arg13[%dma_start3A_397] : memref<8192xf32, #tpu.memory_space<vmem>> -> memref<1024xf32, #tpu.memory_space<vmem>>
      tpu.enqueue_dma source(%dma_start3A_398 : memref<1024xf32, #tpu.memory_space<vmem>>) target(%dma_start3A_396 : memref<1024xf32, #tpu.memory_space<hbm>>) target_semaphore(%arg19 : memref<!tpu.dma_semaphore, #tpu.memory_space<semaphore_mem>>)
      %dma_start3A_399 = arith.constant 2 : i32
      %dma_start3A_400 = arith.constant 2048 : i32
      %dma_start3A_401 = tpu.memref_slice %arg13[%dma_start3A_400] : memref<8192xf32, #tpu.memory_space<vmem>> -> memref<1024xf32, #tpu.memory_space<vmem>>
      %dma_start3A_402 = arith.constant 0 : i32
      %dma_start3A_403 = tpu.memref_slice %arg5[%add3A_350, %dma_start3A_399, %add3A, %dma_start3A_402] : memref<200x8x32x1024xf32, #tpu.memory_space<hbm>> -> memref<1x1x1x1024xf32, #tpu.memory_space<hbm>>
      %dma_start3A_404 = tpu.memref_squeeze %dma_start3A_403 : memref<1x1x1x1024xf32, #tpu.memory_space<hbm>> -> memref<1024xf32, #tpu.memory_space<hbm>>
      %dma_start3A_405 = arith.constant 0 : i32
      %dma_start3A_406 = tpu.memref_slice %arg5[%add3A_350, %dma_start3A_399, %add3A, %dma_start3A_405] : memref<200x8x32x1024xf32, #tpu.memory_space<hbm>> -> memref<1x1x1x1024xf32, #tpu.memory_space<hbm>>
      %dma_start3A_407 = tpu.memref_squeeze %dma_start3A_406 : memref<1x1x1x1024xf32, #tpu.memory_space<hbm>> -> memref<1024xf32, #tpu.memory_space<hbm>>
      %dma_start3A_408 = arith.constant 2048 : i32
      %dma_start3A_409 = tpu.memref_slice %arg13[%dma_start3A_408] : memref<8192xf32, #tpu.memory_space<vmem>> -> memref<1024xf32, #tpu.memory_space<vmem>>
      tpu.enqueue_dma source(%dma_start3A_409 : memref<1024xf32, #tpu.memory_space<vmem>>) target(%dma_start3A_407 : memref<1024xf32, #tpu.memory_space<hbm>>) target_semaphore(%arg19 : memref<!tpu.dma_semaphore, #tpu.memory_space<semaphore_mem>>)
      %dma_start3A_410 = arith.constant 3 : i32
      %dma_start3A_411 = arith.constant 3072 : i32
      %dma_start3A_412 = tpu.memref_slice %arg13[%dma_start3A_411] : memref<8192xf32, #tpu.memory_space<vmem>> -> memref<1024xf32, #tpu.memory_space<vmem>>
      %dma_start3A_413 = arith.constant 0 : i32
      %dma_start3A_414 = tpu.memref_slice %arg5[%add3A_350, %dma_start3A_410, %add3A, %dma_start3A_413] : memref<200x8x32x1024xf32, #tpu.memory_space<hbm>> -> memref<1x1x1x1024xf32, #tpu.memory_space<hbm>>
      %dma_start3A_415 = tpu.memref_squeeze %dma_start3A_414 : memref<1x1x1x1024xf32, #tpu.memory_space<hbm>> -> memref<1024xf32, #tpu.memory_space<hbm>>
      %dma_start3A_416 = arith.constant 0 : i32
      %dma_start3A_417 = tpu.memref_slice %arg5[%add3A_350, %dma_start3A_410, %add3A, %dma_start3A_416] : memref<200x8x32x1024xf32, #tpu.memory_space<hbm>> -> memref<1x1x1x1024xf32, #tpu.memory_space<hbm>>
      %dma_start3A_418 = tpu.memref_squeeze %dma_start3A_417 : memref<1x1x1x1024xf32, #tpu.memory_space<hbm>> -> memref<1024xf32, #tpu.memory_space<hbm>>
      %dma_start3A_419 = arith.constant 3072 : i32
      %dma_start3A_420 = tpu.memref_slice %arg13[%dma_start3A_419] : memref<8192xf32, #tpu.memory_space<vmem>> -> memref<1024xf32, #tpu.memory_space<vmem>>
      tpu.enqueue_dma source(%dma_start3A_420 : memref<1024xf32, #tpu.memory_space<vmem>>) target(%dma_start3A_418 : memref<1024xf32, #tpu.memory_space<hbm>>) target_semaphore(%arg19 : memref<!tpu.dma_semaphore, #tpu.memory_space<semaphore_mem>>)
      %dma_start3A_421 = arith.constant 4 : i32
      %dma_start3A_422 = arith.constant 4096 : i32
      %dma_start3A_423 = tpu.memref_slice %arg13[%dma_start3A_422] : memref<8192xf32, #tpu.memory_space<vmem>> -> memref<1024xf32, #tpu.memory_space<vmem>>
      %dma_start3A_424 = arith.constant 0 : i32
      %dma_start3A_425 = tpu.memref_slice %arg5[%add3A_350, %dma_start3A_421, %add3A, %dma_start3A_424] : memref<200x8x32x1024xf32, #tpu.memory_space<hbm>> -> memref<1x1x1x1024xf32, #tpu.memory_space<hbm>>
      %dma_start3A_426 = tpu.memref_squeeze %dma_start3A_425 : memref<1x1x1x1024xf32, #tpu.memory_space<hbm>> -> memref<1024xf32, #tpu.memory_space<hbm>>
      %dma_start3A_427 = arith.constant 0 : i32
      %dma_start3A_428 = tpu.memref_slice %arg5[%add3A_350, %dma_start3A_421, %add3A, %dma_start3A_427] : memref<200x8x32x1024xf32, #tpu.memory_space<hbm>> -> memref<1x1x1x1024xf32, #tpu.memory_space<hbm>>
      %dma_start3A_429 = tpu.memref_squeeze %dma_start3A_428 : memref<1x1x1x1024xf32, #tpu.memory_space<hbm>> -> memref<1024xf32, #tpu.memory_space<hbm>>
      %dma_start3A_430 = arith.constant 4096 : i32
      %dma_start3A_431 = tpu.memref_slice %arg13[%dma_start3A_430] : memref<8192xf32, #tpu.memory_space<vmem>> -> memref<1024xf32, #tpu.memory_space<vmem>>
      tpu.enqueue_dma source(%dma_start3A_431 : memref<1024xf32, #tpu.memory_space<vmem>>) target(%dma_start3A_429 : memref<1024xf32, #tpu.memory_space<hbm>>) target_semaphore(%arg19 : memref<!tpu.dma_semaphore, #tpu.memory_space<semaphore_mem>>)
      %dma_start3A_432 = arith.constant 5 : i32
      %dma_start3A_433 = arith.constant 5120 : i32
      %dma_start3A_434 = tpu.memref_slice %arg13[%dma_start3A_433] : memref<8192xf32, #tpu.memory_space<vmem>> -> memref<1024xf32, #tpu.memory_space<vmem>>
      %dma_start3A_435 = arith.constant 0 : i32
      %dma_start3A_436 = tpu.memref_slice %arg5[%add3A_350, %dma_start3A_432, %add3A, %dma_start3A_435] : memref<200x8x32x1024xf32, #tpu.memory_space<hbm>> -> memref<1x1x1x1024xf32, #tpu.memory_space<hbm>>
      %dma_start3A_437 = tpu.memref_squeeze %dma_start3A_436 : memref<1x1x1x1024xf32, #tpu.memory_space<hbm>> -> memref<1024xf32, #tpu.memory_space<hbm>>
      %dma_start3A_438 = arith.constant 0 : i32
      %dma_start3A_439 = tpu.memref_slice %arg5[%add3A_350, %dma_start3A_432, %add3A, %dma_start3A_438] : memref<200x8x32x1024xf32, #tpu.memory_space<hbm>> -> memref<1x1x1x1024xf32, #tpu.memory_space<hbm>>
      %dma_start3A_440 = tpu.memref_squeeze %dma_start3A_439 : memref<1x1x1x1024xf32, #tpu.memory_space<hbm>> -> memref<1024xf32, #tpu.memory_space<hbm>>
      %dma_start3A_441 = arith.constant 5120 : i32
      %dma_start3A_442 = tpu.memref_slice %arg13[%dma_start3A_441] : memref<8192xf32, #tpu.memory_space<vmem>> -> memref<1024xf32, #tpu.memory_space<vmem>>
      tpu.enqueue_dma source(%dma_start3A_442 : memref<1024xf32, #tpu.memory_space<vmem>>) target(%dma_start3A_440 : memref<1024xf32, #tpu.memory_space<hbm>>) target_semaphore(%arg19 : memref<!tpu.dma_semaphore, #tpu.memory_space<semaphore_mem>>)
      %dma_start3A_443 = arith.constant 6 : i32
      %dma_start3A_444 = arith.constant 6144 : i32
      %dma_start3A_445 = tpu.memref_slice %arg13[%dma_start3A_444] : memref<8192xf32, #tpu.memory_space<vmem>> -> memref<1024xf32, #tpu.memory_space<vmem>>
      %dma_start3A_446 = arith.constant 0 : i32
      %dma_start3A_447 = tpu.memref_slice %arg5[%add3A_350, %dma_start3A_443, %add3A, %dma_start3A_446] : memref<200x8x32x1024xf32, #tpu.memory_space<hbm>> -> memref<1x1x1x1024xf32, #tpu.memory_space<hbm>>
      %dma_start3A_448 = tpu.memref_squeeze %dma_start3A_447 : memref<1x1x1x1024xf32, #tpu.memory_space<hbm>> -> memref<1024xf32, #tpu.memory_space<hbm>>
      %dma_start3A_449 = arith.constant 0 : i32
      %dma_start3A_450 = tpu.memref_slice %arg5[%add3A_350, %dma_start3A_443, %add3A, %dma_start3A_449] : memref<200x8x32x1024xf32, #tpu.memory_space<hbm>> -> memref<1x1x1x1024xf32, #tpu.memory_space<hbm>>
      %dma_start3A_451 = tpu.memref_squeeze %dma_start3A_450 : memref<1x1x1x1024xf32, #tpu.memory_space<hbm>> -> memref<1024xf32, #tpu.memory_space<hbm>>
      %dma_start3A_452 = arith.constant 6144 : i32
      %dma_start3A_453 = tpu.memref_slice %arg13[%dma_start3A_452] : memref<8192xf32, #tpu.memory_space<vmem>> -> memref<1024xf32, #tpu.memory_space<vmem>>
      tpu.enqueue_dma source(%dma_start3A_453 : memref<1024xf32, #tpu.memory_space<vmem>>) target(%dma_start3A_451 : memref<1024xf32, #tpu.memory_space<hbm>>) target_semaphore(%arg19 : memref<!tpu.dma_semaphore, #tpu.memory_space<semaphore_mem>>)
      %dma_start3A_454 = arith.constant 7 : i32
      %dma_start3A_455 = arith.constant 7168 : i32
      %dma_start3A_456 = tpu.memref_slice %arg13[%dma_start3A_455] : memref<8192xf32, #tpu.memory_space<vmem>> -> memref<1024xf32, #tpu.memory_space<vmem>>
      %dma_start3A_457 = arith.constant 0 : i32
      %dma_start3A_458 = tpu.memref_slice %arg5[%add3A_350, %dma_start3A_454, %add3A, %dma_start3A_457] : memref<200x8x32x1024xf32, #tpu.memory_space<hbm>> -> memref<1x1x1x1024xf32, #tpu.memory_space<hbm>>
      %dma_start3A_459 = tpu.memref_squeeze %dma_start3A_458 : memref<1x1x1x1024xf32, #tpu.memory_space<hbm>> -> memref<1024xf32, #tpu.memory_space<hbm>>
      %dma_start3A_460 = arith.constant 0 : i32
      %dma_start3A_461 = tpu.memref_slice %arg5[%add3A_350, %dma_start3A_454, %add3A, %dma_start3A_460] : memref<200x8x32x1024xf32, #tpu.memory_space<hbm>> -> memref<1x1x1x1024xf32, #tpu.memory_space<hbm>>
      %dma_start3A_462 = tpu.memref_squeeze %dma_start3A_461 : memref<1x1x1x1024xf32, #tpu.memory_space<hbm>> -> memref<1024xf32, #tpu.memory_space<hbm>>
      %dma_start3A_463 = arith.constant 7168 : i32
      %dma_start3A_464 = tpu.memref_slice %arg13[%dma_start3A_463] : memref<8192xf32, #tpu.memory_space<vmem>> -> memref<1024xf32, #tpu.memory_space<vmem>>
      tpu.enqueue_dma source(%dma_start3A_464 : memref<1024xf32, #tpu.memory_space<vmem>>) target(%dma_start3A_462 : memref<1024xf32, #tpu.memory_space<hbm>>) target_semaphore(%arg19 : memref<!tpu.dma_semaphore, #tpu.memory_space<semaphore_mem>>)
      %lt3A_465 = arith.constant 49 : i32
      %lt3A_466 = arith.cmpi slt, %scan3A_228, %lt3A_465 : i32
      %convert_element_type3A_467 = arith.extui %lt3A_466 : i1 to i32
      %cond3A_468 = arith.constant 0 : i32
      %cond3A_469 = arith.cmpi ne, %convert_element_type3A_467, %cond3A_468 : i32
      scf.if %cond3A_469 {
        %add3A_883 = arith.constant 4 : i32
        %add3A_884 = arith.addi %add3A_350, %add3A_883 : i32
        %dma_start3A_885 = arith.constant 0 : i32
        %dma_start3A_886 = tpu.memref_slice %arg6[%add3A_884, %dma_start3A_885] : memref<200x128xi32, #tpu.memory_space<vmem>> -> memref<1x128xi32, #tpu.memory_space<vmem>>
        %dma_start3A_887 = tpu.memref_squeeze %dma_start3A_886 : memref<1x128xi32, #tpu.memory_space<vmem>> -> memref<128xi32, #tpu.memory_space<vmem>>
        %dma_start3A_888 = arith.constant 0 : i32
        %dma_start3A_889 = arith.constant 0 : i32
        %dma_start3A_890 = tpu.memref_slice %arg3[%dma_start3A_888, %dma_start3A_889] : memref<1000000x64xf32, #tpu.memory_space<hbm>> -> memref<1000000x64xf32, #tpu.memory_space<hbm>>
        tpu.enqueue_indirect_dma source(%dma_start3A_890 : memref<1000000x64xf32, #tpu.memory_space<hbm>>) target(%arg9 : memref<128x64xf32, #tpu.memory_space<vmem>>) offsets(%dma_start3A_887 : memref<128xi32, #tpu.memory_space<vmem>>) semaphore(%arg15 : memref<!tpu.dma_semaphore, #tpu.memory_space<semaphore_mem>>)
      } else {
      }
      %mul3A_470 = arith.constant 4 : i32
      %mul3A_471 = arith.muli %scan3A_228, %mul3A_470 : i32
      %add3A_472 = arith.constant 2 : i32
      %add3A_473 = arith.addi %mul3A_471, %add3A_472 : i32
      %dma_wait3A_474 = arith.constant 0 : i32
      %dma_wait3A_475 = tpu.memref_slice %arg6[%add3A_473, %dma_wait3A_474] : memref<200x128xi32, #tpu.memory_space<vmem>> -> memref<1x128xi32, #tpu.memory_space<vmem>>
      %dma_wait3A_476 = tpu.memref_squeeze %dma_wait3A_475 : memref<1x128xi32, #tpu.memory_space<vmem>> -> memref<128xi32, #tpu.memory_space<vmem>>
      %dma_wait3A_477 = arith.constant 0 : i32
      %dma_wait3A_478 = arith.constant 0 : i32
      %dma_wait3A_479 = tpu.memref_slice %arg3[%dma_wait3A_477, %dma_wait3A_478] : memref<1000000x64xf32, #tpu.memory_space<hbm>> -> memref<1000000x64xf32, #tpu.memory_space<hbm>>
      tpu.wait_indirect_dma semaphore(%arg16 : memref<!tpu.dma_semaphore, #tpu.memory_space<semaphore_mem>>) src(%dma_wait3A_479 : memref<1000000x64xf32, #tpu.memory_space<hbm>>) dst(%arg10 : memref<128x64xf32, #tpu.memory_space<vmem>>)
      %get3A_480 = arith.index_cast %add3A_473 : i32 to index
      %get3A_481 = arith.constant 0 : index
      %get3A_482 = tpu.vector_load %arg7[%get3A_480, %get3A_481] {strides = array<i32>} : memref<200x64xf32, #tpu.memory_space<vmem>>, vector<16xf32>,
      %get3A_483 = arith.index_cast %add3A_473 : i32 to index
      %get3A_484 = arith.constant 16 : index
      %get3A_485 = tpu.vector_load %arg7[%get3A_483, %get3A_484] {strides = array<i32>} : memref<200x64xf32, #tpu.memory_space<vmem>>, vector<16xf32>,
      %get3A_486 = arith.index_cast %add3A_473 : i32 to index
      %get3A_487 = arith.constant 32 : index
      %get3A_488 = tpu.vector_load %arg7[%get3A_486, %get3A_487] {strides = array<i32>} : memref<200x64xf32, #tpu.memory_space<vmem>>, vector<16xf32>,
      %get3A_489 = arith.index_cast %add3A_473 : i32 to index
      %get3A_490 = arith.constant 48 : index
      %get3A_491 = tpu.vector_load %arg7[%get3A_489, %get3A_490] {strides = array<i32>} : memref<200x64xf32, #tpu.memory_space<vmem>>, vector<16xf32>,
      %dma_wait3A_492 = arith.constant 0 : i32
      %dma_wait3A_493 = arith.constant 0 : i32
      %dma_wait3A_494 = tpu.memref_slice %arg12[%dma_wait3A_493] : memref<8192xf32, #tpu.memory_space<vmem>> -> memref<1024xf32, #tpu.memory_space<vmem>>
      %dma_wait3A_495 = arith.constant 0 : i32
      %dma_wait3A_496 = tpu.memref_slice %arg5[%add3A_473, %dma_wait3A_492, %add3A, %dma_wait3A_495] : memref<200x8x32x1024xf32, #tpu.memory_space<hbm>> -> memref<1x1x1x1024xf32, #tpu.memory_space<hbm>>
      %dma_wait3A_497 = tpu.memref_squeeze %dma_wait3A_496 : memref<1x1x1x1024xf32, #tpu.memory_space<hbm>> -> memref<1024xf32, #tpu.memory_space<hbm>>
      %dma_wait3A_498 = arith.constant 0 : i32
      %dma_wait3A_499 = tpu.memref_slice %arg5[%add3A_473, %dma_wait3A_492, %add3A, %dma_wait3A_498] : memref<200x8x32x1024xf32, #tpu.memory_space<hbm>> -> memref<1x1x1x1024xf32, #tpu.memory_space<hbm>>
      %dma_wait3A_500 = tpu.memref_squeeze %dma_wait3A_499 : memref<1x1x1x1024xf32, #tpu.memory_space<hbm>> -> memref<1024xf32, #tpu.memory_space<hbm>>
      %dma_wait3A_501 = arith.constant 0 : i32
      %dma_wait3A_502 = tpu.memref_slice %arg12[%dma_wait3A_501] : memref<8192xf32, #tpu.memory_space<vmem>> -> memref<1024xf32, #tpu.memory_space<vmem>>
      tpu.wait_dma2 semaphore(%arg18 : memref<!tpu.dma_semaphore, #tpu.memory_space<semaphore_mem>>) src(%dma_wait3A_502 : memref<1024xf32, #tpu.memory_space<vmem>>) dst(%dma_wait3A_500 : memref<1024xf32, #tpu.memory_space<hbm>>)
      %dma_wait3A_503 = arith.constant 1 : i32
      %dma_wait3A_504 = arith.constant 1024 : i32
      %dma_wait3A_505 = tpu.memref_slice %arg12[%dma_wait3A_504] : memref<8192xf32, #tpu.memory_space<vmem>> -> memref<1024xf32, #tpu.memory_space<vmem>>
      %dma_wait3A_506 = arith.constant 0 : i32
      %dma_wait3A_507 = tpu.memref_slice %arg5[%add3A_473, %dma_wait3A_503, %add3A, %dma_wait3A_506] : memref<200x8x32x1024xf32, #tpu.memory_space<hbm>> -> memref<1x1x1x1024xf32, #tpu.memory_space<hbm>>
      %dma_wait3A_508 = tpu.memref_squeeze %dma_wait3A_507 : memref<1x1x1x1024xf32, #tpu.memory_space<hbm>> -> memref<1024xf32, #tpu.memory_space<hbm>>
      %dma_wait3A_509 = arith.constant 0 : i32
      %dma_wait3A_510 = tpu.memref_slice %arg5[%add3A_473, %dma_wait3A_503, %add3A, %dma_wait3A_509] : memref<200x8x32x1024xf32, #tpu.memory_space<hbm>> -> memref<1x1x1x1024xf32, #tpu.memory_space<hbm>>
      %dma_wait3A_511 = tpu.memref_squeeze %dma_wait3A_510 : memref<1x1x1x1024xf32, #tpu.memory_space<hbm>> -> memref<1024xf32, #tpu.memory_space<hbm>>
      %dma_wait3A_512 = arith.constant 1024 : i32
      %dma_wait3A_513 = tpu.memref_slice %arg12[%dma_wait3A_512] : memref<8192xf32, #tpu.memory_space<vmem>> -> memref<1024xf32, #tpu.memory_space<vmem>>
      tpu.wait_dma2 semaphore(%arg18 : memref<!tpu.dma_semaphore, #tpu.memory_space<semaphore_mem>>) src(%dma_wait3A_513 : memref<1024xf32, #tpu.memory_space<vmem>>) dst(%dma_wait3A_511 : memref<1024xf32, #tpu.memory_space<hbm>>)
      %dma_wait3A_514 = arith.constant 2 : i32
      %dma_wait3A_515 = arith.constant 2048 : i32
      %dma_wait3A_516 = tpu.memref_slice %arg12[%dma_wait3A_515] : memref<8192xf32, #tpu.memory_space<vmem>> -> memref<1024xf32, #tpu.memory_space<vmem>>
      %dma_wait3A_517 = arith.constant 0 : i32
      %dma_wait3A_518 = tpu.memref_slice %arg5[%add3A_473, %dma_wait3A_514, %add3A, %dma_wait3A_517] : memref<200x8x32x1024xf32, #tpu.memory_space<hbm>> -> memref<1x1x1x1024xf32, #tpu.memory_space<hbm>>
      %dma_wait3A_519 = tpu.memref_squeeze %dma_wait3A_518 : memref<1x1x1x1024xf32, #tpu.memory_space<hbm>> -> memref<1024xf32, #tpu.memory_space<hbm>>
      %dma_wait3A_520 = arith.constant 0 : i32
      %dma_wait3A_521 = tpu.memref_slice %arg5[%add3A_473, %dma_wait3A_514, %add3A, %dma_wait3A_520] : memref<200x8x32x1024xf32, #tpu.memory_space<hbm>> -> memref<1x1x1x1024xf32, #tpu.memory_space<hbm>>
      %dma_wait3A_522 = tpu.memref_squeeze %dma_wait3A_521 : memref<1x1x1x1024xf32, #tpu.memory_space<hbm>> -> memref<1024xf32, #tpu.memory_space<hbm>>
      %dma_wait3A_523 = arith.constant 2048 : i32
      %dma_wait3A_524 = tpu.memref_slice %arg12[%dma_wait3A_523] : memref<8192xf32, #tpu.memory_space<vmem>> -> memref<1024xf32, #tpu.memory_space<vmem>>
      tpu.wait_dma2 semaphore(%arg18 : memref<!tpu.dma_semaphore, #tpu.memory_space<semaphore_mem>>) src(%dma_wait3A_524 : memref<1024xf32, #tpu.memory_space<vmem>>) dst(%dma_wait3A_522 : memref<1024xf32, #tpu.memory_space<hbm>>)
      %dma_wait3A_525 = arith.constant 3 : i32
      %dma_wait3A_526 = arith.constant 3072 : i32
      %dma_wait3A_527 = tpu.memref_slice %arg12[%dma_wait3A_526] : memref<8192xf32, #tpu.memory_space<vmem>> -> memref<1024xf32, #tpu.memory_space<vmem>>
      %dma_wait3A_528 = arith.constant 0 : i32
      %dma_wait3A_529 = tpu.memref_slice %arg5[%add3A_473, %dma_wait3A_525, %add3A, %dma_wait3A_528] : memref<200x8x32x1024xf32, #tpu.memory_space<hbm>> -> memref<1x1x1x1024xf32, #tpu.memory_space<hbm>>
      %dma_wait3A_530 = tpu.memref_squeeze %dma_wait3A_529 : memref<1x1x1x1024xf32, #tpu.memory_space<hbm>> -> memref<1024xf32, #tpu.memory_space<hbm>>
      %dma_wait3A_531 = arith.constant 0 : i32
      %dma_wait3A_532 = tpu.memref_slice %arg5[%add3A_473, %dma_wait3A_525, %add3A, %dma_wait3A_531] : memref<200x8x32x1024xf32, #tpu.memory_space<hbm>> -> memref<1x1x1x1024xf32, #tpu.memory_space<hbm>>
      %dma_wait3A_533 = tpu.memref_squeeze %dma_wait3A_532 : memref<1x1x1x1024xf32, #tpu.memory_space<hbm>> -> memref<1024xf32, #tpu.memory_space<hbm>>
      %dma_wait3A_534 = arith.constant 3072 : i32
      %dma_wait3A_535 = tpu.memref_slice %arg12[%dma_wait3A_534] : memref<8192xf32, #tpu.memory_space<vmem>> -> memref<1024xf32, #tpu.memory_space<vmem>>
      tpu.wait_dma2 semaphore(%arg18 : memref<!tpu.dma_semaphore, #tpu.memory_space<semaphore_mem>>) src(%dma_wait3A_535 : memref<1024xf32, #tpu.memory_space<vmem>>) dst(%dma_wait3A_533 : memref<1024xf32, #tpu.memory_space<hbm>>)
      %dma_wait3A_536 = arith.constant 4 : i32
      %dma_wait3A_537 = arith.constant 4096 : i32
      %dma_wait3A_538 = tpu.memref_slice %arg12[%dma_wait3A_537] : memref<8192xf32, #tpu.memory_space<vmem>> -> memref<1024xf32, #tpu.memory_space<vmem>>
      %dma_wait3A_539 = arith.constant 0 : i32
      %dma_wait3A_540 = tpu.memref_slice %arg5[%add3A_473, %dma_wait3A_536, %add3A, %dma_wait3A_539] : memref<200x8x32x1024xf32, #tpu.memory_space<hbm>> -> memref<1x1x1x1024xf32, #tpu.memory_space<hbm>>
      %dma_wait3A_541 = tpu.memref_squeeze %dma_wait3A_540 : memref<1x1x1x1024xf32, #tpu.memory_space<hbm>> -> memref<1024xf32, #tpu.memory_space<hbm>>
      %dma_wait3A_542 = arith.constant 0 : i32
      %dma_wait3A_543 = tpu.memref_slice %arg5[%add3A_473, %dma_wait3A_536, %add3A, %dma_wait3A_542] : memref<200x8x32x1024xf32, #tpu.memory_space<hbm>> -> memref<1x1x1x1024xf32, #tpu.memory_space<hbm>>
      %dma_wait3A_544 = tpu.memref_squeeze %dma_wait3A_543 : memref<1x1x1x1024xf32, #tpu.memory_space<hbm>> -> memref<1024xf32, #tpu.memory_space<hbm>>
      %dma_wait3A_545 = arith.constant 4096 : i32
      %dma_wait3A_546 = tpu.memref_slice %arg12[%dma_wait3A_545] : memref<8192xf32, #tpu.memory_space<vmem>> -> memref<1024xf32, #tpu.memory_space<vmem>>
      tpu.wait_dma2 semaphore(%arg18 : memref<!tpu.dma_semaphore, #tpu.memory_space<semaphore_mem>>) src(%dma_wait3A_546 : memref<1024xf32, #tpu.memory_space<vmem>>) dst(%dma_wait3A_544 : memref<1024xf32, #tpu.memory_space<hbm>>)
      %dma_wait3A_547 = arith.constant 5 : i32
      %dma_wait3A_548 = arith.constant 5120 : i32
      %dma_wait3A_549 = tpu.memref_slice %arg12[%dma_wait3A_548] : memref<8192xf32, #tpu.memory_space<vmem>> -> memref<1024xf32, #tpu.memory_space<vmem>>
      %dma_wait3A_550 = arith.constant 0 : i32
      %dma_wait3A_551 = tpu.memref_slice %arg5[%add3A_473, %dma_wait3A_547, %add3A, %dma_wait3A_550] : memref<200x8x32x1024xf32, #tpu.memory_space<hbm>> -> memref<1x1x1x1024xf32, #tpu.memory_space<hbm>>
      %dma_wait3A_552 = tpu.memref_squeeze %dma_wait3A_551 : memref<1x1x1x1024xf32, #tpu.memory_space<hbm>> -> memref<1024xf32, #tpu.memory_space<hbm>>
      %dma_wait3A_553 = arith.constant 0 : i32
      %dma_wait3A_554 = tpu.memref_slice %arg5[%add3A_473, %dma_wait3A_547, %add3A, %dma_wait3A_553] : memref<200x8x32x1024xf32, #tpu.memory_space<hbm>> -> memref<1x1x1x1024xf32, #tpu.memory_space<hbm>>
      %dma_wait3A_555 = tpu.memref_squeeze %dma_wait3A_554 : memref<1x1x1x1024xf32, #tpu.memory_space<hbm>> -> memref<1024xf32, #tpu.memory_space<hbm>>
      %dma_wait3A_556 = arith.constant 5120 : i32
      %dma_wait3A_557 = tpu.memref_slice %arg12[%dma_wait3A_556] : memref<8192xf32, #tpu.memory_space<vmem>> -> memref<1024xf32, #tpu.memory_space<vmem>>
      tpu.wait_dma2 semaphore(%arg18 : memref<!tpu.dma_semaphore, #tpu.memory_space<semaphore_mem>>) src(%dma_wait3A_557 : memref<1024xf32, #tpu.memory_space<vmem>>) dst(%dma_wait3A_555 : memref<1024xf32, #tpu.memory_space<hbm>>)
      %dma_wait3A_558 = arith.constant 6 : i32
      %dma_wait3A_559 = arith.constant 6144 : i32
      %dma_wait3A_560 = tpu.memref_slice %arg12[%dma_wait3A_559] : memref<8192xf32, #tpu.memory_space<vmem>> -> memref<1024xf32, #tpu.memory_space<vmem>>
      %dma_wait3A_561 = arith.constant 0 : i32
      %dma_wait3A_562 = tpu.memref_slice %arg5[%add3A_473, %dma_wait3A_558, %add3A, %dma_wait3A_561] : memref<200x8x32x1024xf32, #tpu.memory_space<hbm>> -> memref<1x1x1x1024xf32, #tpu.memory_space<hbm>>
      %dma_wait3A_563 = tpu.memref_squeeze %dma_wait3A_562 : memref<1x1x1x1024xf32, #tpu.memory_space<hbm>> -> memref<1024xf32, #tpu.memory_space<hbm>>
      %dma_wait3A_564 = arith.constant 0 : i32
      %dma_wait3A_565 = tpu.memref_slice %arg5[%add3A_473, %dma_wait3A_558, %add3A, %dma_wait3A_564] : memref<200x8x32x1024xf32, #tpu.memory_space<hbm>> -> memref<1x1x1x1024xf32, #tpu.memory_space<hbm>>
      %dma_wait3A_566 = tpu.memref_squeeze %dma_wait3A_565 : memref<1x1x1x1024xf32, #tpu.memory_space<hbm>> -> memref<1024xf32, #tpu.memory_space<hbm>>
      %dma_wait3A_567 = arith.constant 6144 : i32
      %dma_wait3A_568 = tpu.memref_slice %arg12[%dma_wait3A_567] : memref<8192xf32, #tpu.memory_space<vmem>> -> memref<1024xf32, #tpu.memory_space<vmem>>
      tpu.wait_dma2 semaphore(%arg18 : memref<!tpu.dma_semaphore, #tpu.memory_space<semaphore_mem>>) src(%dma_wait3A_568 : memref<1024xf32, #tpu.memory_space<vmem>>) dst(%dma_wait3A_566 : memref<1024xf32, #tpu.memory_space<hbm>>)
      %dma_wait3A_569 = arith.constant 7 : i32
      %dma_wait3A_570 = arith.constant 7168 : i32
      %dma_wait3A_571 = tpu.memref_slice %arg12[%dma_wait3A_570] : memref<8192xf32, #tpu.memory_space<vmem>> -> memref<1024xf32, #tpu.memory_space<vmem>>
      %dma_wait3A_572 = arith.constant 0 : i32
      %dma_wait3A_573 = tpu.memref_slice %arg5[%add3A_473, %dma_wait3A_569, %add3A, %dma_wait3A_572] : memref<200x8x32x1024xf32, #tpu.memory_space<hbm>> -> memref<1x1x1x1024xf32, #tpu.memory_space<hbm>>
      %dma_wait3A_574 = tpu.memref_squeeze %dma_wait3A_573 : memref<1x1x1x1024xf32, #tpu.memory_space<hbm>> -> memref<1024xf32, #tpu.memory_space<hbm>>
      %dma_wait3A_575 = arith.constant 0 : i32
      %dma_wait3A_576 = tpu.memref_slice %arg5[%add3A_473, %dma_wait3A_569, %add3A, %dma_wait3A_575] : memref<200x8x32x1024xf32, #tpu.memory_space<hbm>> -> memref<1x1x1x1024xf32, #tpu.memory_space<hbm>>
      %dma_wait3A_577 = tpu.memref_squeeze %dma_wait3A_576 : memref<1x1x1x1024xf32, #tpu.memory_space<hbm>> -> memref<1024xf32, #tpu.memory_space<hbm>>
      %dma_wait3A_578 = arith.constant 7168 : i32
      %dma_wait3A_579 = tpu.memref_slice %arg12[%dma_wait3A_578] : memref<8192xf32, #tpu.memory_space<vmem>> -> memref<1024xf32, #tpu.memory_space<vmem>>
      tpu.wait_dma2 semaphore(%arg18 : memref<!tpu.dma_semaphore, #tpu.memory_space<semaphore_mem>>) src(%dma_wait3A_579 : memref<1024xf32, #tpu.memory_space<vmem>>) dst(%dma_wait3A_577 : memref<1024xf32, #tpu.memory_space<hbm>>)
      %parallel_loop3A_580 = arith.constant 0 : i32
      %parallel_loop3A_581 = arith.constant 128 : i32
      %parallel_loop3A_582 = arith.constant 1 : i32
      scf.for %parallel_loop3A_883 = %parallel_loop3A_580 to %parallel_loop3A_581 step %parallel_loop3A_582  : i32 {
        %parallel_loop3A_884 = arith.index_cast %parallel_loop3A_883 : i32 to index
        %parallel_loop3A_885 = arith.constant 0 : index
        %parallel_loop3A_886 = tpu.vector_load %arg10[%parallel_loop3A_884, %parallel_loop3A_885] {strides = array<i32>} : memref<128x64xf32, #tpu.memory_space<vmem>>, vector<16xf32>,
        %parallel_loop3A_887 = arith.addf %parallel_loop3A_886, %get3A_482 : vector<16xf32>
        %parallel_loop3A_888 = arith.constant 0 : i32
        %parallel_loop3A_889 = arith.addi %parallel_loop3A_888, %parallel_loop3A_883 : i32
        %parallel_loop3A_890 = vector.broadcast %parallel_loop3A_889 : i32 to vector<16xi32>
        %parallel_loop3A_891 = arith.addi %mul3A_3, %parallel_loop3A_890 : vector<16xi32>
        tpu.vector_store_idx %arg12[%parallel_loop3A_891], %parallel_loop3A_887 : memref<8192xf32, #tpu.memory_space<vmem>>[vector<16xi32>], vector<16xf32>,
        %parallel_loop3A_892 = arith.index_cast %parallel_loop3A_883 : i32 to index
        %parallel_loop3A_893 = arith.constant 16 : index
        %parallel_loop3A_894 = tpu.vector_load %arg10[%parallel_loop3A_892, %parallel_loop3A_893] {strides = array<i32>} : memref<128x64xf32, #tpu.memory_space<vmem>>, vector<16xf32>,
        %parallel_loop3A_895 = arith.addf %parallel_loop3A_894, %get3A_485 : vector<16xf32>
        %parallel_loop3A_896 = arith.constant 2048 : i32
        %parallel_loop3A_897 = arith.addi %parallel_loop3A_896, %parallel_loop3A_883 : i32
        %parallel_loop3A_898 = vector.broadcast %parallel_loop3A_897 : i32 to vector<16xi32>
        %parallel_loop3A_899 = arith.addi %mul3A_3, %parallel_loop3A_898 : vector<16xi32>
        tpu.vector_store_idx %arg12[%parallel_loop3A_899], %parallel_loop3A_895 : memref<8192xf32, #tpu.memory_space<vmem>>[vector<16xi32>], vector<16xf32>,
        %parallel_loop3A_900 = arith.index_cast %parallel_loop3A_883 : i32 to index
        %parallel_loop3A_901 = arith.constant 32 : index
        %parallel_loop3A_902 = tpu.vector_load %arg10[%parallel_loop3A_900, %parallel_loop3A_901] {strides = array<i32>} : memref<128x64xf32, #tpu.memory_space<vmem>>, vector<16xf32>,
        %parallel_loop3A_903 = arith.addf %parallel_loop3A_902, %get3A_488 : vector<16xf32>
        %parallel_loop3A_904 = arith.constant 4096 : i32
        %parallel_loop3A_905 = arith.addi %parallel_loop3A_904, %parallel_loop3A_883 : i32
        %parallel_loop3A_906 = vector.broadcast %parallel_loop3A_905 : i32 to vector<16xi32>
        %parallel_loop3A_907 = arith.addi %mul3A_3, %parallel_loop3A_906 : vector<16xi32>
        tpu.vector_store_idx %arg12[%parallel_loop3A_907], %parallel_loop3A_903 : memref<8192xf32, #tpu.memory_space<vmem>>[vector<16xi32>], vector<16xf32>,
        %parallel_loop3A_908 = arith.index_cast %parallel_loop3A_883 : i32 to index
        %parallel_loop3A_909 = arith.constant 48 : index
        %parallel_loop3A_910 = tpu.vector_load %arg10[%parallel_loop3A_908, %parallel_loop3A_909] {strides = array<i32>} : memref<128x64xf32, #tpu.memory_space<vmem>>, vector<16xf32>,
        %parallel_loop3A_911 = arith.addf %parallel_loop3A_910, %get3A_491 : vector<16xf32>
        %parallel_loop3A_912 = arith.constant 6144 : i32
        %parallel_loop3A_913 = arith.addi %parallel_loop3A_912, %parallel_loop3A_883 : i32
        %parallel_loop3A_914 = vector.broadcast %parallel_loop3A_913 : i32 to vector<16xi32>
        %parallel_loop3A_915 = arith.addi %mul3A_3, %parallel_loop3A_914 : vector<16xi32>
        tpu.vector_store_idx %arg12[%parallel_loop3A_915], %parallel_loop3A_911 : memref<8192xf32, #tpu.memory_space<vmem>>[vector<16xi32>], vector<16xf32>,
      } {sc.loop_unroll_factor = 4 : i64, sc.parallel_access}
      %dma_start3A_583 = arith.constant 0 : i32
      %dma_start3A_584 = arith.constant 0 : i32
      %dma_start3A_585 = tpu.memref_slice %arg12[%dma_start3A_584] : memref<8192xf32, #tpu.memory_space<vmem>> -> memref<1024xf32, #tpu.memory_space<vmem>>
      %dma_start3A_586 = arith.constant 0 : i32
      %dma_start3A_587 = tpu.memref_slice %arg5[%add3A_473, %dma_start3A_583, %add3A, %dma_start3A_586] : memref<200x8x32x1024xf32, #tpu.memory_space<hbm>> -> memref<1x1x1x1024xf32, #tpu.memory_space<hbm>>
      %dma_start3A_588 = tpu.memref_squeeze %dma_start3A_587 : memref<1x1x1x1024xf32, #tpu.memory_space<hbm>> -> memref<1024xf32, #tpu.memory_space<hbm>>
      %dma_start3A_589 = arith.constant 0 : i32
      %dma_start3A_590 = tpu.memref_slice %arg5[%add3A_473, %dma_start3A_583, %add3A, %dma_start3A_589] : memref<200x8x32x1024xf32, #tpu.memory_space<hbm>> -> memref<1x1x1x1024xf32, #tpu.memory_space<hbm>>
      %dma_start3A_591 = tpu.memref_squeeze %dma_start3A_590 : memref<1x1x1x1024xf32, #tpu.memory_space<hbm>> -> memref<1024xf32, #tpu.memory_space<hbm>>
      %dma_start3A_592 = arith.constant 0 : i32
      %dma_start3A_593 = tpu.memref_slice %arg12[%dma_start3A_592] : memref<8192xf32, #tpu.memory_space<vmem>> -> memref<1024xf32, #tpu.memory_space<vmem>>
      tpu.enqueue_dma source(%dma_start3A_593 : memref<1024xf32, #tpu.memory_space<vmem>>) target(%dma_start3A_591 : memref<1024xf32, #tpu.memory_space<hbm>>) target_semaphore(%arg18 : memref<!tpu.dma_semaphore, #tpu.memory_space<semaphore_mem>>)
      %dma_start3A_594 = arith.constant 1 : i32
      %dma_start3A_595 = arith.constant 1024 : i32
      %dma_start3A_596 = tpu.memref_slice %arg12[%dma_start3A_595] : memref<8192xf32, #tpu.memory_space<vmem>> -> memref<1024xf32, #tpu.memory_space<vmem>>
      %dma_start3A_597 = arith.constant 0 : i32
      %dma_start3A_598 = tpu.memref_slice %arg5[%add3A_473, %dma_start3A_594, %add3A, %dma_start3A_597] : memref<200x8x32x1024xf32, #tpu.memory_space<hbm>> -> memref<1x1x1x1024xf32, #tpu.memory_space<hbm>>
      %dma_start3A_599 = tpu.memref_squeeze %dma_start3A_598 : memref<1x1x1x1024xf32, #tpu.memory_space<hbm>> -> memref<1024xf32, #tpu.memory_space<hbm>>
      %dma_start3A_600 = arith.constant 0 : i32
      %dma_start3A_601 = tpu.memref_slice %arg5[%add3A_473, %dma_start3A_594, %add3A, %dma_start3A_600] : memref<200x8x32x1024xf32, #tpu.memory_space<hbm>> -> memref<1x1x1x1024xf32, #tpu.memory_space<hbm>>
      %dma_start3A_602 = tpu.memref_squeeze %dma_start3A_601 : memref<1x1x1x1024xf32, #tpu.memory_space<hbm>> -> memref<1024xf32, #tpu.memory_space<hbm>>
      %dma_start3A_603 = arith.constant 1024 : i32
      %dma_start3A_604 = tpu.memref_slice %arg12[%dma_start3A_603] : memref<8192xf32, #tpu.memory_space<vmem>> -> memref<1024xf32, #tpu.memory_space<vmem>>
      tpu.enqueue_dma source(%dma_start3A_604 : memref<1024xf32, #tpu.memory_space<vmem>>) target(%dma_start3A_602 : memref<1024xf32, #tpu.memory_space<hbm>>) target_semaphore(%arg18 : memref<!tpu.dma_semaphore, #tpu.memory_space<semaphore_mem>>)
      %dma_start3A_605 = arith.constant 2 : i32
      %dma_start3A_606 = arith.constant 2048 : i32
      %dma_start3A_607 = tpu.memref_slice %arg12[%dma_start3A_606] : memref<8192xf32, #tpu.memory_space<vmem>> -> memref<1024xf32, #tpu.memory_space<vmem>>
      %dma_start3A_608 = arith.constant 0 : i32
      %dma_start3A_609 = tpu.memref_slice %arg5[%add3A_473, %dma_start3A_605, %add3A, %dma_start3A_608] : memref<200x8x32x1024xf32, #tpu.memory_space<hbm>> -> memref<1x1x1x1024xf32, #tpu.memory_space<hbm>>
      %dma_start3A_610 = tpu.memref_squeeze %dma_start3A_609 : memref<1x1x1x1024xf32, #tpu.memory_space<hbm>> -> memref<1024xf32, #tpu.memory_space<hbm>>
      %dma_start3A_611 = arith.constant 0 : i32
      %dma_start3A_612 = tpu.memref_slice %arg5[%add3A_473, %dma_start3A_605, %add3A, %dma_start3A_611] : memref<200x8x32x1024xf32, #tpu.memory_space<hbm>> -> memref<1x1x1x1024xf32, #tpu.memory_space<hbm>>
      %dma_start3A_613 = tpu.memref_squeeze %dma_start3A_612 : memref<1x1x1x1024xf32, #tpu.memory_space<hbm>> -> memref<1024xf32, #tpu.memory_space<hbm>>
      %dma_start3A_614 = arith.constant 2048 : i32
      %dma_start3A_615 = tpu.memref_slice %arg12[%dma_start3A_614] : memref<8192xf32, #tpu.memory_space<vmem>> -> memref<1024xf32, #tpu.memory_space<vmem>>
      tpu.enqueue_dma source(%dma_start3A_615 : memref<1024xf32, #tpu.memory_space<vmem>>) target(%dma_start3A_613 : memref<1024xf32, #tpu.memory_space<hbm>>) target_semaphore(%arg18 : memref<!tpu.dma_semaphore, #tpu.memory_space<semaphore_mem>>)
      %dma_start3A_616 = arith.constant 3 : i32
      %dma_start3A_617 = arith.constant 3072 : i32
      %dma_start3A_618 = tpu.memref_slice %arg12[%dma_start3A_617] : memref<8192xf32, #tpu.memory_space<vmem>> -> memref<1024xf32, #tpu.memory_space<vmem>>
      %dma_start3A_619 = arith.constant 0 : i32
      %dma_start3A_620 = tpu.memref_slice %arg5[%add3A_473, %dma_start3A_616, %add3A, %dma_start3A_619] : memref<200x8x32x1024xf32, #tpu.memory_space<hbm>> -> memref<1x1x1x1024xf32, #tpu.memory_space<hbm>>
      %dma_start3A_621 = tpu.memref_squeeze %dma_start3A_620 : memref<1x1x1x1024xf32, #tpu.memory_space<hbm>> -> memref<1024xf32, #tpu.memory_space<hbm>>
      %dma_start3A_622 = arith.constant 0 : i32
      %dma_start3A_623 = tpu.memref_slice %arg5[%add3A_473, %dma_start3A_616, %add3A, %dma_start3A_622] : memref<200x8x32x1024xf32, #tpu.memory_space<hbm>> -> memref<1x1x1x1024xf32, #tpu.memory_space<hbm>>
      %dma_start3A_624 = tpu.memref_squeeze %dma_start3A_623 : memref<1x1x1x1024xf32, #tpu.memory_space<hbm>> -> memref<1024xf32, #tpu.memory_space<hbm>>
      %dma_start3A_625 = arith.constant 3072 : i32
      %dma_start3A_626 = tpu.memref_slice %arg12[%dma_start3A_625] : memref<8192xf32, #tpu.memory_space<vmem>> -> memref<1024xf32, #tpu.memory_space<vmem>>
      tpu.enqueue_dma source(%dma_start3A_626 : memref<1024xf32, #tpu.memory_space<vmem>>) target(%dma_start3A_624 : memref<1024xf32, #tpu.memory_space<hbm>>) target_semaphore(%arg18 : memref<!tpu.dma_semaphore, #tpu.memory_space<semaphore_mem>>)
      %dma_start3A_627 = arith.constant 4 : i32
      %dma_start3A_628 = arith.constant 4096 : i32
      %dma_start3A_629 = tpu.memref_slice %arg12[%dma_start3A_628] : memref<8192xf32, #tpu.memory_space<vmem>> -> memref<1024xf32, #tpu.memory_space<vmem>>
      %dma_start3A_630 = arith.constant 0 : i32
      %dma_start3A_631 = tpu.memref_slice %arg5[%add3A_473, %dma_start3A_627, %add3A, %dma_start3A_630] : memref<200x8x32x1024xf32, #tpu.memory_space<hbm>> -> memref<1x1x1x1024xf32, #tpu.memory_space<hbm>>
      %dma_start3A_632 = tpu.memref_squeeze %dma_start3A_631 : memref<1x1x1x1024xf32, #tpu.memory_space<hbm>> -> memref<1024xf32, #tpu.memory_space<hbm>>
      %dma_start3A_633 = arith.constant 0 : i32
      %dma_start3A_634 = tpu.memref_slice %arg5[%add3A_473, %dma_start3A_627, %add3A, %dma_start3A_633] : memref<200x8x32x1024xf32, #tpu.memory_space<hbm>> -> memref<1x1x1x1024xf32, #tpu.memory_space<hbm>>
      %dma_start3A_635 = tpu.memref_squeeze %dma_start3A_634 : memref<1x1x1x1024xf32, #tpu.memory_space<hbm>> -> memref<1024xf32, #tpu.memory_space<hbm>>
      %dma_start3A_636 = arith.constant 4096 : i32
      %dma_start3A_637 = tpu.memref_slice %arg12[%dma_start3A_636] : memref<8192xf32, #tpu.memory_space<vmem>> -> memref<1024xf32, #tpu.memory_space<vmem>>
      tpu.enqueue_dma source(%dma_start3A_637 : memref<1024xf32, #tpu.memory_space<vmem>>) target(%dma_start3A_635 : memref<1024xf32, #tpu.memory_space<hbm>>) target_semaphore(%arg18 : memref<!tpu.dma_semaphore, #tpu.memory_space<semaphore_mem>>)
      %dma_start3A_638 = arith.constant 5 : i32
      %dma_start3A_639 = arith.constant 5120 : i32
      %dma_start3A_640 = tpu.memref_slice %arg12[%dma_start3A_639] : memref<8192xf32, #tpu.memory_space<vmem>> -> memref<1024xf32, #tpu.memory_space<vmem>>
      %dma_start3A_641 = arith.constant 0 : i32
      %dma_start3A_642 = tpu.memref_slice %arg5[%add3A_473, %dma_start3A_638, %add3A, %dma_start3A_641] : memref<200x8x32x1024xf32, #tpu.memory_space<hbm>> -> memref<1x1x1x1024xf32, #tpu.memory_space<hbm>>
      %dma_start3A_643 = tpu.memref_squeeze %dma_start3A_642 : memref<1x1x1x1024xf32, #tpu.memory_space<hbm>> -> memref<1024xf32, #tpu.memory_space<hbm>>
      %dma_start3A_644 = arith.constant 0 : i32
      %dma_start3A_645 = tpu.memref_slice %arg5[%add3A_473, %dma_start3A_638, %add3A, %dma_start3A_644] : memref<200x8x32x1024xf32, #tpu.memory_space<hbm>> -> memref<1x1x1x1024xf32, #tpu.memory_space<hbm>>
      %dma_start3A_646 = tpu.memref_squeeze %dma_start3A_645 : memref<1x1x1x1024xf32, #tpu.memory_space<hbm>> -> memref<1024xf32, #tpu.memory_space<hbm>>
      %dma_start3A_647 = arith.constant 5120 : i32
      %dma_start3A_648 = tpu.memref_slice %arg12[%dma_start3A_647] : memref<8192xf32, #tpu.memory_space<vmem>> -> memref<1024xf32, #tpu.memory_space<vmem>>
      tpu.enqueue_dma source(%dma_start3A_648 : memref<1024xf32, #tpu.memory_space<vmem>>) target(%dma_start3A_646 : memref<1024xf32, #tpu.memory_space<hbm>>) target_semaphore(%arg18 : memref<!tpu.dma_semaphore, #tpu.memory_space<semaphore_mem>>)
      %dma_start3A_649 = arith.constant 6 : i32
      %dma_start3A_650 = arith.constant 6144 : i32
      %dma_start3A_651 = tpu.memref_slice %arg12[%dma_start3A_650] : memref<8192xf32, #tpu.memory_space<vmem>> -> memref<1024xf32, #tpu.memory_space<vmem>>
      %dma_start3A_652 = arith.constant 0 : i32
      %dma_start3A_653 = tpu.memref_slice %arg5[%add3A_473, %dma_start3A_649, %add3A, %dma_start3A_652] : memref<200x8x32x1024xf32, #tpu.memory_space<hbm>> -> memref<1x1x1x1024xf32, #tpu.memory_space<hbm>>
      %dma_start3A_654 = tpu.memref_squeeze %dma_start3A_653 : memref<1x1x1x1024xf32, #tpu.memory_space<hbm>> -> memref<1024xf32, #tpu.memory_space<hbm>>
      %dma_start3A_655 = arith.constant 0 : i32
      %dma_start3A_656 = tpu.memref_slice %arg5[%add3A_473, %dma_start3A_649, %add3A, %dma_start3A_655] : memref<200x8x32x1024xf32, #tpu.memory_space<hbm>> -> memref<1x1x1x1024xf32, #tpu.memory_space<hbm>>
      %dma_start3A_657 = tpu.memref_squeeze %dma_start3A_656 : memref<1x1x1x1024xf32, #tpu.memory_space<hbm>> -> memref<1024xf32, #tpu.memory_space<hbm>>
      %dma_start3A_658 = arith.constant 6144 : i32
      %dma_start3A_659 = tpu.memref_slice %arg12[%dma_start3A_658] : memref<8192xf32, #tpu.memory_space<vmem>> -> memref<1024xf32, #tpu.memory_space<vmem>>
      tpu.enqueue_dma source(%dma_start3A_659 : memref<1024xf32, #tpu.memory_space<vmem>>) target(%dma_start3A_657 : memref<1024xf32, #tpu.memory_space<hbm>>) target_semaphore(%arg18 : memref<!tpu.dma_semaphore, #tpu.memory_space<semaphore_mem>>)
      %dma_start3A_660 = arith.constant 7 : i32
      %dma_start3A_661 = arith.constant 7168 : i32
      %dma_start3A_662 = tpu.memref_slice %arg12[%dma_start3A_661] : memref<8192xf32, #tpu.memory_space<vmem>> -> memref<1024xf32, #tpu.memory_space<vmem>>
      %dma_start3A_663 = arith.constant 0 : i32
      %dma_start3A_664 = tpu.memref_slice %arg5[%add3A_473, %dma_start3A_660, %add3A, %dma_start3A_663] : memref<200x8x32x1024xf32, #tpu.memory_space<hbm>> -> memref<1x1x1x1024xf32, #tpu.memory_space<hbm>>
      %dma_start3A_665 = tpu.memref_squeeze %dma_start3A_664 : memref<1x1x1x1024xf32, #tpu.memory_space<hbm>> -> memref<1024xf32, #tpu.memory_space<hbm>>
      %dma_start3A_666 = arith.constant 0 : i32
      %dma_start3A_667 = tpu.memref_slice %arg5[%add3A_473, %dma_start3A_660, %add3A, %dma_start3A_666] : memref<200x8x32x1024xf32, #tpu.memory_space<hbm>> -> memref<1x1x1x1024xf32, #tpu.memory_space<hbm>>
      %dma_start3A_668 = tpu.memref_squeeze %dma_start3A_667 : memref<1x1x1x1024xf32, #tpu.memory_space<hbm>> -> memref<1024xf32, #tpu.memory_space<hbm>>
      %dma_start3A_669 = arith.constant 7168 : i32
      %dma_start3A_670 = tpu.memref_slice %arg12[%dma_start3A_669] : memref<8192xf32, #tpu.memory_space<vmem>> -> memref<1024xf32, #tpu.memory_space<vmem>>
      tpu.enqueue_dma source(%dma_start3A_670 : memref<1024xf32, #tpu.memory_space<vmem>>) target(%dma_start3A_668 : memref<1024xf32, #tpu.memory_space<hbm>>) target_semaphore(%arg18 : memref<!tpu.dma_semaphore, #tpu.memory_space<semaphore_mem>>)
      %lt3A_671 = arith.constant 49 : i32
      %lt3A_672 = arith.cmpi slt, %scan3A_228, %lt3A_671 : i32
      %convert_element_type3A_673 = arith.extui %lt3A_672 : i1 to i32
      %cond3A_674 = arith.constant 0 : i32
      %cond3A_675 = arith.cmpi ne, %convert_element_type3A_673, %cond3A_674 : i32
      scf.if %cond3A_675 {
        %add3A_883 = arith.constant 4 : i32
        %add3A_884 = arith.addi %add3A_473, %add3A_883 : i32
        %dma_start3A_885 = arith.constant 0 : i32
        %dma_start3A_886 = tpu.memref_slice %arg6[%add3A_884, %dma_start3A_885] : memref<200x128xi32, #tpu.memory_space<vmem>> -> memref<1x128xi32, #tpu.memory_space<vmem>>
        %dma_start3A_887 = tpu.memref_squeeze %dma_start3A_886 : memref<1x128xi32, #tpu.memory_space<vmem>> -> memref<128xi32, #tpu.memory_space<vmem>>
        %dma_start3A_888 = arith.constant 0 : i32
        %dma_start3A_889 = arith.constant 0 : i32
        %dma_start3A_890 = tpu.memref_slice %arg3[%dma_start3A_888, %dma_start3A_889] : memref<1000000x64xf32, #tpu.memory_space<hbm>> -> memref<1000000x64xf32, #tpu.memory_space<hbm>>
        tpu.enqueue_indirect_dma source(%dma_start3A_890 : memref<1000000x64xf32, #tpu.memory_space<hbm>>) target(%arg10 : memref<128x64xf32, #tpu.memory_space<vmem>>) offsets(%dma_start3A_887 : memref<128xi32, #tpu.memory_space<vmem>>) semaphore(%arg16 : memref<!tpu.dma_semaphore, #tpu.memory_space<semaphore_mem>>)
      } else {
      }
      %mul3A_676 = arith.constant 4 : i32
      %mul3A_677 = arith.muli %scan3A_228, %mul3A_676 : i32
      %add3A_678 = arith.constant 3 : i32
      %add3A_679 = arith.addi %mul3A_677, %add3A_678 : i32
      %dma_wait3A_680 = arith.constant 0 : i32
      %dma_wait3A_681 = tpu.memref_slice %arg6[%add3A_679, %dma_wait3A_680] : memref<200x128xi32, #tpu.memory_space<vmem>> -> memref<1x128xi32, #tpu.memory_space<vmem>>
      %dma_wait3A_682 = tpu.memref_squeeze %dma_wait3A_681 : memref<1x128xi32, #tpu.memory_space<vmem>> -> memref<128xi32, #tpu.memory_space<vmem>>
      %dma_wait3A_683 = arith.constant 0 : i32
      %dma_wait3A_684 = arith.constant 0 : i32
      %dma_wait3A_685 = tpu.memref_slice %arg3[%dma_wait3A_683, %dma_wait3A_684] : memref<1000000x64xf32, #tpu.memory_space<hbm>> -> memref<1000000x64xf32, #tpu.memory_space<hbm>>
      tpu.wait_indirect_dma semaphore(%arg17 : memref<!tpu.dma_semaphore, #tpu.memory_space<semaphore_mem>>) src(%dma_wait3A_685 : memref<1000000x64xf32, #tpu.memory_space<hbm>>) dst(%arg11 : memref<128x64xf32, #tpu.memory_space<vmem>>)
      %get3A_686 = arith.index_cast %add3A_679 : i32 to index
      %get3A_687 = arith.constant 0 : index
      %get3A_688 = tpu.vector_load %arg7[%get3A_686, %get3A_687] {strides = array<i32>} : memref<200x64xf32, #tpu.memory_space<vmem>>, vector<16xf32>,
      %get3A_689 = arith.index_cast %add3A_679 : i32 to index
      %get3A_690 = arith.constant 16 : index
      %get3A_691 = tpu.vector_load %arg7[%get3A_689, %get3A_690] {strides = array<i32>} : memref<200x64xf32, #tpu.memory_space<vmem>>, vector<16xf32>,
      %get3A_692 = arith.index_cast %add3A_679 : i32 to index
      %get3A_693 = arith.constant 32 : index
      %get3A_694 = tpu.vector_load %arg7[%get3A_692, %get3A_693] {strides = array<i32>} : memref<200x64xf32, #tpu.memory_space<vmem>>, vector<16xf32>,
      %get3A_695 = arith.index_cast %add3A_679 : i32 to index
      %get3A_696 = arith.constant 48 : index
      %get3A_697 = tpu.vector_load %arg7[%get3A_695, %get3A_696] {strides = array<i32>} : memref<200x64xf32, #tpu.memory_space<vmem>>, vector<16xf32>,
      %dma_wait3A_698 = arith.constant 0 : i32
      %dma_wait3A_699 = arith.constant 0 : i32
      %dma_wait3A_700 = tpu.memref_slice %arg13[%dma_wait3A_699] : memref<8192xf32, #tpu.memory_space<vmem>> -> memref<1024xf32, #tpu.memory_space<vmem>>
      %dma_wait3A_701 = arith.constant 0 : i32
      %dma_wait3A_702 = tpu.memref_slice %arg5[%add3A_679, %dma_wait3A_698, %add3A, %dma_wait3A_701] : memref<200x8x32x1024xf32, #tpu.memory_space<hbm>> -> memref<1x1x1x1024xf32, #tpu.memory_space<hbm>>
      %dma_wait3A_703 = tpu.memref_squeeze %dma_wait3A_702 : memref<1x1x1x1024xf32, #tpu.memory_space<hbm>> -> memref<1024xf32, #tpu.memory_space<hbm>>
      %dma_wait3A_704 = arith.constant 0 : i32
      %dma_wait3A_705 = tpu.memref_slice %arg5[%add3A_679, %dma_wait3A_698, %add3A, %dma_wait3A_704] : memref<200x8x32x1024xf32, #tpu.memory_space<hbm>> -> memref<1x1x1x1024xf32, #tpu.memory_space<hbm>>
      %dma_wait3A_706 = tpu.memref_squeeze %dma_wait3A_705 : memref<1x1x1x1024xf32, #tpu.memory_space<hbm>> -> memref<1024xf32, #tpu.memory_space<hbm>>
      %dma_wait3A_707 = arith.constant 0 : i32
      %dma_wait3A_708 = tpu.memref_slice %arg13[%dma_wait3A_707] : memref<8192xf32, #tpu.memory_space<vmem>> -> memref<1024xf32, #tpu.memory_space<vmem>>
      tpu.wait_dma2 semaphore(%arg19 : memref<!tpu.dma_semaphore, #tpu.memory_space<semaphore_mem>>) src(%dma_wait3A_708 : memref<1024xf32, #tpu.memory_space<vmem>>) dst(%dma_wait3A_706 : memref<1024xf32, #tpu.memory_space<hbm>>)
      %dma_wait3A_709 = arith.constant 1 : i32
      %dma_wait3A_710 = arith.constant 1024 : i32
      %dma_wait3A_711 = tpu.memref_slice %arg13[%dma_wait3A_710] : memref<8192xf32, #tpu.memory_space<vmem>> -> memref<1024xf32, #tpu.memory_space<vmem>>
      %dma_wait3A_712 = arith.constant 0 : i32
      %dma_wait3A_713 = tpu.memref_slice %arg5[%add3A_679, %dma_wait3A_709, %add3A, %dma_wait3A_712] : memref<200x8x32x1024xf32, #tpu.memory_space<hbm>> -> memref<1x1x1x1024xf32, #tpu.memory_space<hbm>>
      %dma_wait3A_714 = tpu.memref_squeeze %dma_wait3A_713 : memref<1x1x1x1024xf32, #tpu.memory_space<hbm>> -> memref<1024xf32, #tpu.memory_space<hbm>>
      %dma_wait3A_715 = arith.constant 0 : i32
      %dma_wait3A_716 = tpu.memref_slice %arg5[%add3A_679, %dma_wait3A_709, %add3A, %dma_wait3A_715] : memref<200x8x32x1024xf32, #tpu.memory_space<hbm>> -> memref<1x1x1x1024xf32, #tpu.memory_space<hbm>>
      %dma_wait3A_717 = tpu.memref_squeeze %dma_wait3A_716 : memref<1x1x1x1024xf32, #tpu.memory_space<hbm>> -> memref<1024xf32, #tpu.memory_space<hbm>>
      %dma_wait3A_718 = arith.constant 1024 : i32
      %dma_wait3A_719 = tpu.memref_slice %arg13[%dma_wait3A_718] : memref<8192xf32, #tpu.memory_space<vmem>> -> memref<1024xf32, #tpu.memory_space<vmem>>
      tpu.wait_dma2 semaphore(%arg19 : memref<!tpu.dma_semaphore, #tpu.memory_space<semaphore_mem>>) src(%dma_wait3A_719 : memref<1024xf32, #tpu.memory_space<vmem>>) dst(%dma_wait3A_717 : memref<1024xf32, #tpu.memory_space<hbm>>)
      %dma_wait3A_720 = arith.constant 2 : i32
      %dma_wait3A_721 = arith.constant 2048 : i32
      %dma_wait3A_722 = tpu.memref_slice %arg13[%dma_wait3A_721] : memref<8192xf32, #tpu.memory_space<vmem>> -> memref<1024xf32, #tpu.memory_space<vmem>>
      %dma_wait3A_723 = arith.constant 0 : i32
      %dma_wait3A_724 = tpu.memref_slice %arg5[%add3A_679, %dma_wait3A_720, %add3A, %dma_wait3A_723] : memref<200x8x32x1024xf32, #tpu.memory_space<hbm>> -> memref<1x1x1x1024xf32, #tpu.memory_space<hbm>>
      %dma_wait3A_725 = tpu.memref_squeeze %dma_wait3A_724 : memref<1x1x1x1024xf32, #tpu.memory_space<hbm>> -> memref<1024xf32, #tpu.memory_space<hbm>>
      %dma_wait3A_726 = arith.constant 0 : i32
      %dma_wait3A_727 = tpu.memref_slice %arg5[%add3A_679, %dma_wait3A_720, %add3A, %dma_wait3A_726] : memref<200x8x32x1024xf32, #tpu.memory_space<hbm>> -> memref<1x1x1x1024xf32, #tpu.memory_space<hbm>>
      %dma_wait3A_728 = tpu.memref_squeeze %dma_wait3A_727 : memref<1x1x1x1024xf32, #tpu.memory_space<hbm>> -> memref<1024xf32, #tpu.memory_space<hbm>>
      %dma_wait3A_729 = arith.constant 2048 : i32
      %dma_wait3A_730 = tpu.memref_slice %arg13[%dma_wait3A_729] : memref<8192xf32, #tpu.memory_space<vmem>> -> memref<1024xf32, #tpu.memory_space<vmem>>
      tpu.wait_dma2 semaphore(%arg19 : memref<!tpu.dma_semaphore, #tpu.memory_space<semaphore_mem>>) src(%dma_wait3A_730 : memref<1024xf32, #tpu.memory_space<vmem>>) dst(%dma_wait3A_728 : memref<1024xf32, #tpu.memory_space<hbm>>)
      %dma_wait3A_731 = arith.constant 3 : i32
      %dma_wait3A_732 = arith.constant 3072 : i32
      %dma_wait3A_733 = tpu.memref_slice %arg13[%dma_wait3A_732] : memref<8192xf32, #tpu.memory_space<vmem>> -> memref<1024xf32, #tpu.memory_space<vmem>>
      %dma_wait3A_734 = arith.constant 0 : i32
      %dma_wait3A_735 = tpu.memref_slice %arg5[%add3A_679, %dma_wait3A_731, %add3A, %dma_wait3A_734] : memref<200x8x32x1024xf32, #tpu.memory_space<hbm>> -> memref<1x1x1x1024xf32, #tpu.memory_space<hbm>>
      %dma_wait3A_736 = tpu.memref_squeeze %dma_wait3A_735 : memref<1x1x1x1024xf32, #tpu.memory_space<hbm>> -> memref<1024xf32, #tpu.memory_space<hbm>>
      %dma_wait3A_737 = arith.constant 0 : i32
      %dma_wait3A_738 = tpu.memref_slice %arg5[%add3A_679, %dma_wait3A_731, %add3A, %dma_wait3A_737] : memref<200x8x32x1024xf32, #tpu.memory_space<hbm>> -> memref<1x1x1x1024xf32, #tpu.memory_space<hbm>>
      %dma_wait3A_739 = tpu.memref_squeeze %dma_wait3A_738 : memref<1x1x1x1024xf32, #tpu.memory_space<hbm>> -> memref<1024xf32, #tpu.memory_space<hbm>>
      %dma_wait3A_740 = arith.constant 3072 : i32
      %dma_wait3A_741 = tpu.memref_slice %arg13[%dma_wait3A_740] : memref<8192xf32, #tpu.memory_space<vmem>> -> memref<1024xf32, #tpu.memory_space<vmem>>
      tpu.wait_dma2 semaphore(%arg19 : memref<!tpu.dma_semaphore, #tpu.memory_space<semaphore_mem>>) src(%dma_wait3A_741 : memref<1024xf32, #tpu.memory_space<vmem>>) dst(%dma_wait3A_739 : memref<1024xf32, #tpu.memory_space<hbm>>)
      %dma_wait3A_742 = arith.constant 4 : i32
      %dma_wait3A_743 = arith.constant 4096 : i32
      %dma_wait3A_744 = tpu.memref_slice %arg13[%dma_wait3A_743] : memref<8192xf32, #tpu.memory_space<vmem>> -> memref<1024xf32, #tpu.memory_space<vmem>>
      %dma_wait3A_745 = arith.constant 0 : i32
      %dma_wait3A_746 = tpu.memref_slice %arg5[%add3A_679, %dma_wait3A_742, %add3A, %dma_wait3A_745] : memref<200x8x32x1024xf32, #tpu.memory_space<hbm>> -> memref<1x1x1x1024xf32, #tpu.memory_space<hbm>>
      %dma_wait3A_747 = tpu.memref_squeeze %dma_wait3A_746 : memref<1x1x1x1024xf32, #tpu.memory_space<hbm>> -> memref<1024xf32, #tpu.memory_space<hbm>>
      %dma_wait3A_748 = arith.constant 0 : i32
      %dma_wait3A_749 = tpu.memref_slice %arg5[%add3A_679, %dma_wait3A_742, %add3A, %dma_wait3A_748] : memref<200x8x32x1024xf32, #tpu.memory_space<hbm>> -> memref<1x1x1x1024xf32, #tpu.memory_space<hbm>>
      %dma_wait3A_750 = tpu.memref_squeeze %dma_wait3A_749 : memref<1x1x1x1024xf32, #tpu.memory_space<hbm>> -> memref<1024xf32, #tpu.memory_space<hbm>>
      %dma_wait3A_751 = arith.constant 4096 : i32
      %dma_wait3A_752 = tpu.memref_slice %arg13[%dma_wait3A_751] : memref<8192xf32, #tpu.memory_space<vmem>> -> memref<1024xf32, #tpu.memory_space<vmem>>
      tpu.wait_dma2 semaphore(%arg19 : memref<!tpu.dma_semaphore, #tpu.memory_space<semaphore_mem>>) src(%dma_wait3A_752 : memref<1024xf32, #tpu.memory_space<vmem>>) dst(%dma_wait3A_750 : memref<1024xf32, #tpu.memory_space<hbm>>)
      %dma_wait3A_753 = arith.constant 5 : i32
      %dma_wait3A_754 = arith.constant 5120 : i32
      %dma_wait3A_755 = tpu.memref_slice %arg13[%dma_wait3A_754] : memref<8192xf32, #tpu.memory_space<vmem>> -> memref<1024xf32, #tpu.memory_space<vmem>>
      %dma_wait3A_756 = arith.constant 0 : i32
      %dma_wait3A_757 = tpu.memref_slice %arg5[%add3A_679, %dma_wait3A_753, %add3A, %dma_wait3A_756] : memref<200x8x32x1024xf32, #tpu.memory_space<hbm>> -> memref<1x1x1x1024xf32, #tpu.memory_space<hbm>>
      %dma_wait3A_758 = tpu.memref_squeeze %dma_wait3A_757 : memref<1x1x1x1024xf32, #tpu.memory_space<hbm>> -> memref<1024xf32, #tpu.memory_space<hbm>>
      %dma_wait3A_759 = arith.constant 0 : i32
      %dma_wait3A_760 = tpu.memref_slice %arg5[%add3A_679, %dma_wait3A_753, %add3A, %dma_wait3A_759] : memref<200x8x32x1024xf32, #tpu.memory_space<hbm>> -> memref<1x1x1x1024xf32, #tpu.memory_space<hbm>>
      %dma_wait3A_761 = tpu.memref_squeeze %dma_wait3A_760 : memref<1x1x1x1024xf32, #tpu.memory_space<hbm>> -> memref<1024xf32, #tpu.memory_space<hbm>>
      %dma_wait3A_762 = arith.constant 5120 : i32
      %dma_wait3A_763 = tpu.memref_slice %arg13[%dma_wait3A_762] : memref<8192xf32, #tpu.memory_space<vmem>> -> memref<1024xf32, #tpu.memory_space<vmem>>
      tpu.wait_dma2 semaphore(%arg19 : memref<!tpu.dma_semaphore, #tpu.memory_space<semaphore_mem>>) src(%dma_wait3A_763 : memref<1024xf32, #tpu.memory_space<vmem>>) dst(%dma_wait3A_761 : memref<1024xf32, #tpu.memory_space<hbm>>)
      %dma_wait3A_764 = arith.constant 6 : i32
      %dma_wait3A_765 = arith.constant 6144 : i32
      %dma_wait3A_766 = tpu.memref_slice %arg13[%dma_wait3A_765] : memref<8192xf32, #tpu.memory_space<vmem>> -> memref<1024xf32, #tpu.memory_space<vmem>>
      %dma_wait3A_767 = arith.constant 0 : i32
      %dma_wait3A_768 = tpu.memref_slice %arg5[%add3A_679, %dma_wait3A_764, %add3A, %dma_wait3A_767] : memref<200x8x32x1024xf32, #tpu.memory_space<hbm>> -> memref<1x1x1x1024xf32, #tpu.memory_space<hbm>>
      %dma_wait3A_769 = tpu.memref_squeeze %dma_wait3A_768 : memref<1x1x1x1024xf32, #tpu.memory_space<hbm>> -> memref<1024xf32, #tpu.memory_space<hbm>>
      %dma_wait3A_770 = arith.constant 0 : i32
      %dma_wait3A_771 = tpu.memref_slice %arg5[%add3A_679, %dma_wait3A_764, %add3A, %dma_wait3A_770] : memref<200x8x32x1024xf32, #tpu.memory_space<hbm>> -> memref<1x1x1x1024xf32, #tpu.memory_space<hbm>>
      %dma_wait3A_772 = tpu.memref_squeeze %dma_wait3A_771 : memref<1x1x1x1024xf32, #tpu.memory_space<hbm>> -> memref<1024xf32, #tpu.memory_space<hbm>>
      %dma_wait3A_773 = arith.constant 6144 : i32
      %dma_wait3A_774 = tpu.memref_slice %arg13[%dma_wait3A_773] : memref<8192xf32, #tpu.memory_space<vmem>> -> memref<1024xf32, #tpu.memory_space<vmem>>
      tpu.wait_dma2 semaphore(%arg19 : memref<!tpu.dma_semaphore, #tpu.memory_space<semaphore_mem>>) src(%dma_wait3A_774 : memref<1024xf32, #tpu.memory_space<vmem>>) dst(%dma_wait3A_772 : memref<1024xf32, #tpu.memory_space<hbm>>)
      %dma_wait3A_775 = arith.constant 7 : i32
      %dma_wait3A_776 = arith.constant 7168 : i32
      %dma_wait3A_777 = tpu.memref_slice %arg13[%dma_wait3A_776] : memref<8192xf32, #tpu.memory_space<vmem>> -> memref<1024xf32, #tpu.memory_space<vmem>>
      %dma_wait3A_778 = arith.constant 0 : i32
      %dma_wait3A_779 = tpu.memref_slice %arg5[%add3A_679, %dma_wait3A_775, %add3A, %dma_wait3A_778] : memref<200x8x32x1024xf32, #tpu.memory_space<hbm>> -> memref<1x1x1x1024xf32, #tpu.memory_space<hbm>>
      %dma_wait3A_780 = tpu.memref_squeeze %dma_wait3A_779 : memref<1x1x1x1024xf32, #tpu.memory_space<hbm>> -> memref<1024xf32, #tpu.memory_space<hbm>>
      %dma_wait3A_781 = arith.constant 0 : i32
      %dma_wait3A_782 = tpu.memref_slice %arg5[%add3A_679, %dma_wait3A_775, %add3A, %dma_wait3A_781] : memref<200x8x32x1024xf32, #tpu.memory_space<hbm>> -> memref<1x1x1x1024xf32, #tpu.memory_space<hbm>>
      %dma_wait3A_783 = tpu.memref_squeeze %dma_wait3A_782 : memref<1x1x1x1024xf32, #tpu.memory_space<hbm>> -> memref<1024xf32, #tpu.memory_space<hbm>>
      %dma_wait3A_784 = arith.constant 7168 : i32
      %dma_wait3A_785 = tpu.memref_slice %arg13[%dma_wait3A_784] : memref<8192xf32, #tpu.memory_space<vmem>> -> memref<1024xf32, #tpu.memory_space<vmem>>
      tpu.wait_dma2 semaphore(%arg19 : memref<!tpu.dma_semaphore, #tpu.memory_space<semaphore_mem>>) src(%dma_wait3A_785 : memref<1024xf32, #tpu.memory_space<vmem>>) dst(%dma_wait3A_783 : memref<1024xf32, #tpu.memory_space<hbm>>)
      %parallel_loop3A_786 = arith.constant 0 : i32
      %parallel_loop3A_787 = arith.constant 128 : i32
      %parallel_loop3A_788 = arith.constant 1 : i32
      scf.for %parallel_loop3A_883 = %parallel_loop3A_786 to %parallel_loop3A_787 step %parallel_loop3A_788  : i32 {
        %parallel_loop3A_884 = arith.index_cast %parallel_loop3A_883 : i32 to index
        %parallel_loop3A_885 = arith.constant 0 : index
        %parallel_loop3A_886 = tpu.vector_load %arg11[%parallel_loop3A_884, %parallel_loop3A_885] {strides = array<i32>} : memref<128x64xf32, #tpu.memory_space<vmem>>, vector<16xf32>,
        %parallel_loop3A_887 = arith.addf %parallel_loop3A_886, %get3A_688 : vector<16xf32>
        %parallel_loop3A_888 = arith.constant 0 : i32
        %parallel_loop3A_889 = arith.addi %parallel_loop3A_888, %parallel_loop3A_883 : i32
        %parallel_loop3A_890 = vector.broadcast %parallel_loop3A_889 : i32 to vector<16xi32>
        %parallel_loop3A_891 = arith.addi %mul3A_3, %parallel_loop3A_890 : vector<16xi32>
        tpu.vector_store_idx %arg13[%parallel_loop3A_891], %parallel_loop3A_887 : memref<8192xf32, #tpu.memory_space<vmem>>[vector<16xi32>], vector<16xf32>,
        %parallel_loop3A_892 = arith.index_cast %parallel_loop3A_883 : i32 to index
        %parallel_loop3A_893 = arith.constant 16 : index
        %parallel_loop3A_894 = tpu.vector_load %arg11[%parallel_loop3A_892, %parallel_loop3A_893] {strides = array<i32>} : memref<128x64xf32, #tpu.memory_space<vmem>>, vector<16xf32>,
        %parallel_loop3A_895 = arith.addf %parallel_loop3A_894, %get3A_691 : vector<16xf32>
        %parallel_loop3A_896 = arith.constant 2048 : i32
        %parallel_loop3A_897 = arith.addi %parallel_loop3A_896, %parallel_loop3A_883 : i32
        %parallel_loop3A_898 = vector.broadcast %parallel_loop3A_897 : i32 to vector<16xi32>
        %parallel_loop3A_899 = arith.addi %mul3A_3, %parallel_loop3A_898 : vector<16xi32>
        tpu.vector_store_idx %arg13[%parallel_loop3A_899], %parallel_loop3A_895 : memref<8192xf32, #tpu.memory_space<vmem>>[vector<16xi32>], vector<16xf32>,
        %parallel_loop3A_900 = arith.index_cast %parallel_loop3A_883 : i32 to index
        %parallel_loop3A_901 = arith.constant 32 : index
        %parallel_loop3A_902 = tpu.vector_load %arg11[%parallel_loop3A_900, %parallel_loop3A_901] {strides = array<i32>} : memref<128x64xf32, #tpu.memory_space<vmem>>, vector<16xf32>,
        %parallel_loop3A_903 = arith.addf %parallel_loop3A_902, %get3A_694 : vector<16xf32>
        %parallel_loop3A_904 = arith.constant 4096 : i32
        %parallel_loop3A_905 = arith.addi %parallel_loop3A_904, %parallel_loop3A_883 : i32
        %parallel_loop3A_906 = vector.broadcast %parallel_loop3A_905 : i32 to vector<16xi32>
        %parallel_loop3A_907 = arith.addi %mul3A_3, %parallel_loop3A_906 : vector<16xi32>
        tpu.vector_store_idx %arg13[%parallel_loop3A_907], %parallel_loop3A_903 : memref<8192xf32, #tpu.memory_space<vmem>>[vector<16xi32>], vector<16xf32>,
        %parallel_loop3A_908 = arith.index_cast %parallel_loop3A_883 : i32 to index
        %parallel_loop3A_909 = arith.constant 48 : index
        %parallel_loop3A_910 = tpu.vector_load %arg11[%parallel_loop3A_908, %parallel_loop3A_909] {strides = array<i32>} : memref<128x64xf32, #tpu.memory_space<vmem>>, vector<16xf32>,
        %parallel_loop3A_911 = arith.addf %parallel_loop3A_910, %get3A_697 : vector<16xf32>
        %parallel_loop3A_912 = arith.constant 6144 : i32
        %parallel_loop3A_913 = arith.addi %parallel_loop3A_912, %parallel_loop3A_883 : i32
        %parallel_loop3A_914 = vector.broadcast %parallel_loop3A_913 : i32 to vector<16xi32>
        %parallel_loop3A_915 = arith.addi %mul3A_3, %parallel_loop3A_914 : vector<16xi32>
        tpu.vector_store_idx %arg13[%parallel_loop3A_915], %parallel_loop3A_911 : memref<8192xf32, #tpu.memory_space<vmem>>[vector<16xi32>], vector<16xf32>,
      } {sc.loop_unroll_factor = 4 : i64, sc.parallel_access}
      %dma_start3A_789 = arith.constant 0 : i32
      %dma_start3A_790 = arith.constant 0 : i32
      %dma_start3A_791 = tpu.memref_slice %arg13[%dma_start3A_790] : memref<8192xf32, #tpu.memory_space<vmem>> -> memref<1024xf32, #tpu.memory_space<vmem>>
      %dma_start3A_792 = arith.constant 0 : i32
      %dma_start3A_793 = tpu.memref_slice %arg5[%add3A_679, %dma_start3A_789, %add3A, %dma_start3A_792] : memref<200x8x32x1024xf32, #tpu.memory_space<hbm>> -> memref<1x1x1x1024xf32, #tpu.memory_space<hbm>>
      %dma_start3A_794 = tpu.memref_squeeze %dma_start3A_793 : memref<1x1x1x1024xf32, #tpu.memory_space<hbm>> -> memref<1024xf32, #tpu.memory_space<hbm>>
      %dma_start3A_795 = arith.constant 0 : i32
      %dma_start3A_796 = tpu.memref_slice %arg5[%add3A_679, %dma_start3A_789, %add3A, %dma_start3A_795] : memref<200x8x32x1024xf32, #tpu.memory_space<hbm>> -> memref<1x1x1x1024xf32, #tpu.memory_space<hbm>>
      %dma_start3A_797 = tpu.memref_squeeze %dma_start3A_796 : memref<1x1x1x1024xf32, #tpu.memory_space<hbm>> -> memref<1024xf32, #tpu.memory_space<hbm>>
      %dma_start3A_798 = arith.constant 0 : i32
      %dma_start3A_799 = tpu.memref_slice %arg13[%dma_start3A_798] : memref<8192xf32, #tpu.memory_space<vmem>> -> memref<1024xf32, #tpu.memory_space<vmem>>
      tpu.enqueue_dma source(%dma_start3A_799 : memref<1024xf32, #tpu.memory_space<vmem>>) target(%dma_start3A_797 : memref<1024xf32, #tpu.memory_space<hbm>>) target_semaphore(%arg19 : memref<!tpu.dma_semaphore, #tpu.memory_space<semaphore_mem>>)
      %dma_start3A_800 = arith.constant 1 : i32
      %dma_start3A_801 = arith.constant 1024 : i32
      %dma_start3A_802 = tpu.memref_slice %arg13[%dma_start3A_801] : memref<8192xf32, #tpu.memory_space<vmem>> -> memref<1024xf32, #tpu.memory_space<vmem>>
      %dma_start3A_803 = arith.constant 0 : i32
      %dma_start3A_804 = tpu.memref_slice %arg5[%add3A_679, %dma_start3A_800, %add3A, %dma_start3A_803] : memref<200x8x32x1024xf32, #tpu.memory_space<hbm>> -> memref<1x1x1x1024xf32, #tpu.memory_space<hbm>>
      %dma_start3A_805 = tpu.memref_squeeze %dma_start3A_804 : memref<1x1x1x1024xf32, #tpu.memory_space<hbm>> -> memref<1024xf32, #tpu.memory_space<hbm>>
      %dma_start3A_806 = arith.constant 0 : i32
      %dma_start3A_807 = tpu.memref_slice %arg5[%add3A_679, %dma_start3A_800, %add3A, %dma_start3A_806] : memref<200x8x32x1024xf32, #tpu.memory_space<hbm>> -> memref<1x1x1x1024xf32, #tpu.memory_space<hbm>>
      %dma_start3A_808 = tpu.memref_squeeze %dma_start3A_807 : memref<1x1x1x1024xf32, #tpu.memory_space<hbm>> -> memref<1024xf32, #tpu.memory_space<hbm>>
      %dma_start3A_809 = arith.constant 1024 : i32
      %dma_start3A_810 = tpu.memref_slice %arg13[%dma_start3A_809] : memref<8192xf32, #tpu.memory_space<vmem>> -> memref<1024xf32, #tpu.memory_space<vmem>>
      tpu.enqueue_dma source(%dma_start3A_810 : memref<1024xf32, #tpu.memory_space<vmem>>) target(%dma_start3A_808 : memref<1024xf32, #tpu.memory_space<hbm>>) target_semaphore(%arg19 : memref<!tpu.dma_semaphore, #tpu.memory_space<semaphore_mem>>)
      %dma_start3A_811 = arith.constant 2 : i32
      %dma_start3A_812 = arith.constant 2048 : i32
      %dma_start3A_813 = tpu.memref_slice %arg13[%dma_start3A_812] : memref<8192xf32, #tpu.memory_space<vmem>> -> memref<1024xf32, #tpu.memory_space<vmem>>
      %dma_start3A_814 = arith.constant 0 : i32
      %dma_start3A_815 = tpu.memref_slice %arg5[%add3A_679, %dma_start3A_811, %add3A, %dma_start3A_814] : memref<200x8x32x1024xf32, #tpu.memory_space<hbm>> -> memref<1x1x1x1024xf32, #tpu.memory_space<hbm>>
      %dma_start3A_816 = tpu.memref_squeeze %dma_start3A_815 : memref<1x1x1x1024xf32, #tpu.memory_space<hbm>> -> memref<1024xf32, #tpu.memory_space<hbm>>
      %dma_start3A_817 = arith.constant 0 : i32
      %dma_start3A_818 = tpu.memref_slice %arg5[%add3A_679, %dma_start3A_811, %add3A, %dma_start3A_817] : memref<200x8x32x1024xf32, #tpu.memory_space<hbm>> -> memref<1x1x1x1024xf32, #tpu.memory_space<hbm>>
      %dma_start3A_819 = tpu.memref_squeeze %dma_start3A_818 : memref<1x1x1x1024xf32, #tpu.memory_space<hbm>> -> memref<1024xf32, #tpu.memory_space<hbm>>
      %dma_start3A_820 = arith.constant 2048 : i32
      %dma_start3A_821 = tpu.memref_slice %arg13[%dma_start3A_820] : memref<8192xf32, #tpu.memory_space<vmem>> -> memref<1024xf32, #tpu.memory_space<vmem>>
      tpu.enqueue_dma source(%dma_start3A_821 : memref<1024xf32, #tpu.memory_space<vmem>>) target(%dma_start3A_819 : memref<1024xf32, #tpu.memory_space<hbm>>) target_semaphore(%arg19 : memref<!tpu.dma_semaphore, #tpu.memory_space<semaphore_mem>>)
      %dma_start3A_822 = arith.constant 3 : i32
      %dma_start3A_823 = arith.constant 3072 : i32
      %dma_start3A_824 = tpu.memref_slice %arg13[%dma_start3A_823] : memref<8192xf32, #tpu.memory_space<vmem>> -> memref<1024xf32, #tpu.memory_space<vmem>>
      %dma_start3A_825 = arith.constant 0 : i32
      %dma_start3A_826 = tpu.memref_slice %arg5[%add3A_679, %dma_start3A_822, %add3A, %dma_start3A_825] : memref<200x8x32x1024xf32, #tpu.memory_space<hbm>> -> memref<1x1x1x1024xf32, #tpu.memory_space<hbm>>
      %dma_start3A_827 = tpu.memref_squeeze %dma_start3A_826 : memref<1x1x1x1024xf32, #tpu.memory_space<hbm>> -> memref<1024xf32, #tpu.memory_space<hbm>>
      %dma_start3A_828 = arith.constant 0 : i32
      %dma_start3A_829 = tpu.memref_slice %arg5[%add3A_679, %dma_start3A_822, %add3A, %dma_start3A_828] : memref<200x8x32x1024xf32, #tpu.memory_space<hbm>> -> memref<1x1x1x1024xf32, #tpu.memory_space<hbm>>
      %dma_start3A_830 = tpu.memref_squeeze %dma_start3A_829 : memref<1x1x1x1024xf32, #tpu.memory_space<hbm>> -> memref<1024xf32, #tpu.memory_space<hbm>>
      %dma_start3A_831 = arith.constant 3072 : i32
      %dma_start3A_832 = tpu.memref_slice %arg13[%dma_start3A_831] : memref<8192xf32, #tpu.memory_space<vmem>> -> memref<1024xf32, #tpu.memory_space<vmem>>
      tpu.enqueue_dma source(%dma_start3A_832 : memref<1024xf32, #tpu.memory_space<vmem>>) target(%dma_start3A_830 : memref<1024xf32, #tpu.memory_space<hbm>>) target_semaphore(%arg19 : memref<!tpu.dma_semaphore, #tpu.memory_space<semaphore_mem>>)
      %dma_start3A_833 = arith.constant 4 : i32
      %dma_start3A_834 = arith.constant 4096 : i32
      %dma_start3A_835 = tpu.memref_slice %arg13[%dma_start3A_834] : memref<8192xf32, #tpu.memory_space<vmem>> -> memref<1024xf32, #tpu.memory_space<vmem>>
      %dma_start3A_836 = arith.constant 0 : i32
      %dma_start3A_837 = tpu.memref_slice %arg5[%add3A_679, %dma_start3A_833, %add3A, %dma_start3A_836] : memref<200x8x32x1024xf32, #tpu.memory_space<hbm>> -> memref<1x1x1x1024xf32, #tpu.memory_space<hbm>>
      %dma_start3A_838 = tpu.memref_squeeze %dma_start3A_837 : memref<1x1x1x1024xf32, #tpu.memory_space<hbm>> -> memref<1024xf32, #tpu.memory_space<hbm>>
      %dma_start3A_839 = arith.constant 0 : i32
      %dma_start3A_840 = tpu.memref_slice %arg5[%add3A_679, %dma_start3A_833, %add3A, %dma_start3A_839] : memref<200x8x32x1024xf32, #tpu.memory_space<hbm>> -> memref<1x1x1x1024xf32, #tpu.memory_space<hbm>>
      %dma_start3A_841 = tpu.memref_squeeze %dma_start3A_840 : memref<1x1x1x1024xf32, #tpu.memory_space<hbm>> -> memref<1024xf32, #tpu.memory_space<hbm>>
      %dma_start3A_842 = arith.constant 4096 : i32
      %dma_start3A_843 = tpu.memref_slice %arg13[%dma_start3A_842] : memref<8192xf32, #tpu.memory_space<vmem>> -> memref<1024xf32, #tpu.memory_space<vmem>>
      tpu.enqueue_dma source(%dma_start3A_843 : memref<1024xf32, #tpu.memory_space<vmem>>) target(%dma_start3A_841 : memref<1024xf32, #tpu.memory_space<hbm>>) target_semaphore(%arg19 : memref<!tpu.dma_semaphore, #tpu.memory_space<semaphore_mem>>)
      %dma_start3A_844 = arith.constant 5 : i32
      %dma_start3A_845 = arith.constant 5120 : i32
      %dma_start3A_846 = tpu.memref_slice %arg13[%dma_start3A_845] : memref<8192xf32, #tpu.memory_space<vmem>> -> memref<1024xf32, #tpu.memory_space<vmem>>
      %dma_start3A_847 = arith.constant 0 : i32
      %dma_start3A_848 = tpu.memref_slice %arg5[%add3A_679, %dma_start3A_844, %add3A, %dma_start3A_847] : memref<200x8x32x1024xf32, #tpu.memory_space<hbm>> -> memref<1x1x1x1024xf32, #tpu.memory_space<hbm>>
      %dma_start3A_849 = tpu.memref_squeeze %dma_start3A_848 : memref<1x1x1x1024xf32, #tpu.memory_space<hbm>> -> memref<1024xf32, #tpu.memory_space<hbm>>
      %dma_start3A_850 = arith.constant 0 : i32
      %dma_start3A_851 = tpu.memref_slice %arg5[%add3A_679, %dma_start3A_844, %add3A, %dma_start3A_850] : memref<200x8x32x1024xf32, #tpu.memory_space<hbm>> -> memref<1x1x1x1024xf32, #tpu.memory_space<hbm>>
      %dma_start3A_852 = tpu.memref_squeeze %dma_start3A_851 : memref<1x1x1x1024xf32, #tpu.memory_space<hbm>> -> memref<1024xf32, #tpu.memory_space<hbm>>
      %dma_start3A_853 = arith.constant 5120 : i32
      %dma_start3A_854 = tpu.memref_slice %arg13[%dma_start3A_853] : memref<8192xf32, #tpu.memory_space<vmem>> -> memref<1024xf32, #tpu.memory_space<vmem>>
      tpu.enqueue_dma source(%dma_start3A_854 : memref<1024xf32, #tpu.memory_space<vmem>>) target(%dma_start3A_852 : memref<1024xf32, #tpu.memory_space<hbm>>) target_semaphore(%arg19 : memref<!tpu.dma_semaphore, #tpu.memory_space<semaphore_mem>>)
      %dma_start3A_855 = arith.constant 6 : i32
      %dma_start3A_856 = arith.constant 6144 : i32
      %dma_start3A_857 = tpu.memref_slice %arg13[%dma_start3A_856] : memref<8192xf32, #tpu.memory_space<vmem>> -> memref<1024xf32, #tpu.memory_space<vmem>>
      %dma_start3A_858 = arith.constant 0 : i32
      %dma_start3A_859 = tpu.memref_slice %arg5[%add3A_679, %dma_start3A_855, %add3A, %dma_start3A_858] : memref<200x8x32x1024xf32, #tpu.memory_space<hbm>> -> memref<1x1x1x1024xf32, #tpu.memory_space<hbm>>
      %dma_start3A_860 = tpu.memref_squeeze %dma_start3A_859 : memref<1x1x1x1024xf32, #tpu.memory_space<hbm>> -> memref<1024xf32, #tpu.memory_space<hbm>>
      %dma_start3A_861 = arith.constant 0 : i32
      %dma_start3A_862 = tpu.memref_slice %arg5[%add3A_679, %dma_start3A_855, %add3A, %dma_start3A_861] : memref<200x8x32x1024xf32, #tpu.memory_space<hbm>> -> memref<1x1x1x1024xf32, #tpu.memory_space<hbm>>
      %dma_start3A_863 = tpu.memref_squeeze %dma_start3A_862 : memref<1x1x1x1024xf32, #tpu.memory_space<hbm>> -> memref<1024xf32, #tpu.memory_space<hbm>>
      %dma_start3A_864 = arith.constant 6144 : i32
      %dma_start3A_865 = tpu.memref_slice %arg13[%dma_start3A_864] : memref<8192xf32, #tpu.memory_space<vmem>> -> memref<1024xf32, #tpu.memory_space<vmem>>
      tpu.enqueue_dma source(%dma_start3A_865 : memref<1024xf32, #tpu.memory_space<vmem>>) target(%dma_start3A_863 : memref<1024xf32, #tpu.memory_space<hbm>>) target_semaphore(%arg19 : memref<!tpu.dma_semaphore, #tpu.memory_space<semaphore_mem>>)
      %dma_start3A_866 = arith.constant 7 : i32
      %dma_start3A_867 = arith.constant 7168 : i32
      %dma_start3A_868 = tpu.memref_slice %arg13[%dma_start3A_867] : memref<8192xf32, #tpu.memory_space<vmem>> -> memref<1024xf32, #tpu.memory_space<vmem>>
      %dma_start3A_869 = arith.constant 0 : i32
      %dma_start3A_870 = tpu.memref_slice %arg5[%add3A_679, %dma_start3A_866, %add3A, %dma_start3A_869] : memref<200x8x32x1024xf32, #tpu.memory_space<hbm>> -> memref<1x1x1x1024xf32, #tpu.memory_space<hbm>>
      %dma_start3A_871 = tpu.memref_squeeze %dma_start3A_870 : memref<1x1x1x1024xf32, #tpu.memory_space<hbm>> -> memref<1024xf32, #tpu.memory_space<hbm>>
      %dma_start3A_872 = arith.constant 0 : i32
      %dma_start3A_873 = tpu.memref_slice %arg5[%add3A_679, %dma_start3A_866, %add3A, %dma_start3A_872] : memref<200x8x32x1024xf32, #tpu.memory_space<hbm>> -> memref<1x1x1x1024xf32, #tpu.memory_space<hbm>>
      %dma_start3A_874 = tpu.memref_squeeze %dma_start3A_873 : memref<1x1x1x1024xf32, #tpu.memory_space<hbm>> -> memref<1024xf32, #tpu.memory_space<hbm>>
      %dma_start3A_875 = arith.constant 7168 : i32
      %dma_start3A_876 = tpu.memref_slice %arg13[%dma_start3A_875] : memref<8192xf32, #tpu.memory_space<vmem>> -> memref<1024xf32, #tpu.memory_space<vmem>>
      tpu.enqueue_dma source(%dma_start3A_876 : memref<1024xf32, #tpu.memory_space<vmem>>) target(%dma_start3A_874 : memref<1024xf32, #tpu.memory_space<hbm>>) target_semaphore(%arg19 : memref<!tpu.dma_semaphore, #tpu.memory_space<semaphore_mem>>)
      %lt3A_877 = arith.constant 49 : i32
      %lt3A_878 = arith.cmpi slt, %scan3A_228, %lt3A_877 : i32
      %convert_element_type3A_879 = arith.extui %lt3A_878 : i1 to i32
      %cond3A_880 = arith.constant 0 : i32
      %cond3A_881 = arith.cmpi ne, %convert_element_type3A_879, %cond3A_880 : i32
      scf.if %cond3A_881 {
        %add3A_883 = arith.constant 4 : i32
        %add3A_884 = arith.addi %add3A_679, %add3A_883 : i32
        %dma_start3A_885 = arith.constant 0 : i32
        %dma_start3A_886 = tpu.memref_slice %arg6[%add3A_884, %dma_start3A_885] : memref<200x128xi32, #tpu.memory_space<vmem>> -> memref<1x128xi32, #tpu.memory_space<vmem>>
        %dma_start3A_887 = tpu.memref_squeeze %dma_start3A_886 : memref<1x128xi32, #tpu.memory_space<vmem>> -> memref<128xi32, #tpu.memory_space<vmem>>
        %dma_start3A_888 = arith.constant 0 : i32
        %dma_start3A_889 = arith.constant 0 : i32
        %dma_start3A_890 = tpu.memref_slice %arg3[%dma_start3A_888, %dma_start3A_889] : memref<1000000x64xf32, #tpu.memory_space<hbm>> -> memref<1000000x64xf32, #tpu.memory_space<hbm>>
        tpu.enqueue_indirect_dma source(%dma_start3A_890 : memref<1000000x64xf32, #tpu.memory_space<hbm>>) target(%arg11 : memref<128x64xf32, #tpu.memory_space<vmem>>) offsets(%dma_start3A_887 : memref<128xi32, #tpu.memory_space<vmem>>) semaphore(%arg17 : memref<!tpu.dma_semaphore, #tpu.memory_space<semaphore_mem>>)
      } else {
      }
      %scan3A_882 = arith.constant 0 : i32
      scf.yield %scan3A_882 : i32
    }
    %scan3A_36 = arith.constant 50 : i32
    %dma_wait3A = arith.constant 198 : i32
    %dma_wait3A_37 = arith.constant 0 : i32
    %dma_wait3A_38 = arith.constant 0 : i32
    %dma_wait3A_39 = tpu.memref_slice %arg12[%dma_wait3A_38] : memref<8192xf32, #tpu.memory_space<vmem>> -> memref<1024xf32, #tpu.memory_space<vmem>>
    %dma_wait3A_40 = arith.constant 0 : i32
    %dma_wait3A_41 = tpu.memref_slice %arg5[%dma_wait3A, %dma_wait3A_37, %add3A, %dma_wait3A_40] : memref<200x8x32x1024xf32, #tpu.memory_space<hbm>> -> memref<1x1x1x1024xf32, #tpu.memory_space<hbm>>
    %dma_wait3A_42 = tpu.memref_squeeze %dma_wait3A_41 : memref<1x1x1x1024xf32, #tpu.memory_space<hbm>> -> memref<1024xf32, #tpu.memory_space<hbm>>
    %dma_wait3A_43 = arith.constant 0 : i32
    %dma_wait3A_44 = tpu.memref_slice %arg5[%dma_wait3A, %dma_wait3A_37, %add3A, %dma_wait3A_43] : memref<200x8x32x1024xf32, #tpu.memory_space<hbm>> -> memref<1x1x1x1024xf32, #tpu.memory_space<hbm>>
    %dma_wait3A_45 = tpu.memref_squeeze %dma_wait3A_44 : memref<1x1x1x1024xf32, #tpu.memory_space<hbm>> -> memref<1024xf32, #tpu.memory_space<hbm>>
    %dma_wait3A_46 = arith.constant 0 : i32
    %dma_wait3A_47 = tpu.memref_slice %arg12[%dma_wait3A_46] : memref<8192xf32, #tpu.memory_space<vmem>> -> memref<1024xf32, #tpu.memory_space<vmem>>
    tpu.wait_dma2 semaphore(%arg18 : memref<!tpu.dma_semaphore, #tpu.memory_space<semaphore_mem>>) src(%dma_wait3A_47 : memref<1024xf32, #tpu.memory_space<vmem>>) dst(%dma_wait3A_45 : memref<1024xf32, #tpu.memory_space<hbm>>)
    %dma_wait3A_48 = arith.constant 198 : i32
    %dma_wait3A_49 = arith.constant 1 : i32
    %dma_wait3A_50 = arith.constant 1024 : i32
    %dma_wait3A_51 = tpu.memref_slice %arg12[%dma_wait3A_50] : memref<8192xf32, #tpu.memory_space<vmem>> -> memref<1024xf32, #tpu.memory_space<vmem>>
    %dma_wait3A_52 = arith.constant 0 : i32
    %dma_wait3A_53 = tpu.memref_slice %arg5[%dma_wait3A_48, %dma_wait3A_49, %add3A, %dma_wait3A_52] : memref<200x8x32x1024xf32, #tpu.memory_space<hbm>> -> memref<1x1x1x1024xf32, #tpu.memory_space<hbm>>
    %dma_wait3A_54 = tpu.memref_squeeze %dma_wait3A_53 : memref<1x1x1x1024xf32, #tpu.memory_space<hbm>> -> memref<1024xf32, #tpu.memory_space<hbm>>
    %dma_wait3A_55 = arith.constant 0 : i32
    %dma_wait3A_56 = tpu.memref_slice %arg5[%dma_wait3A_48, %dma_wait3A_49, %add3A, %dma_wait3A_55] : memref<200x8x32x1024xf32, #tpu.memory_space<hbm>> -> memref<1x1x1x1024xf32, #tpu.memory_space<hbm>>
    %dma_wait3A_57 = tpu.memref_squeeze %dma_wait3A_56 : memref<1x1x1x1024xf32, #tpu.memory_space<hbm>> -> memref<1024xf32, #tpu.memory_space<hbm>>
    %dma_wait3A_58 = arith.constant 1024 : i32
    %dma_wait3A_59 = tpu.memref_slice %arg12[%dma_wait3A_58] : memref<8192xf32, #tpu.memory_space<vmem>> -> memref<1024xf32, #tpu.memory_space<vmem>>
    tpu.wait_dma2 semaphore(%arg18 : memref<!tpu.dma_semaphore, #tpu.memory_space<semaphore_mem>>) src(%dma_wait3A_59 : memref<1024xf32, #tpu.memory_space<vmem>>) dst(%dma_wait3A_57 : memref<1024xf32, #tpu.memory_space<hbm>>)
    %dma_wait3A_60 = arith.constant 198 : i32
    %dma_wait3A_61 = arith.constant 2 : i32
    %dma_wait3A_62 = arith.constant 2048 : i32
    %dma_wait3A_63 = tpu.memref_slice %arg12[%dma_wait3A_62] : memref<8192xf32, #tpu.memory_space<vmem>> -> memref<1024xf32, #tpu.memory_space<vmem>>
    %dma_wait3A_64 = arith.constant 0 : i32
    %dma_wait3A_65 = tpu.memref_slice %arg5[%dma_wait3A_60, %dma_wait3A_61, %add3A, %dma_wait3A_64] : memref<200x8x32x1024xf32, #tpu.memory_space<hbm>> -> memref<1x1x1x1024xf32, #tpu.memory_space<hbm>>
    %dma_wait3A_66 = tpu.memref_squeeze %dma_wait3A_65 : memref<1x1x1x1024xf32, #tpu.memory_space<hbm>> -> memref<1024xf32, #tpu.memory_space<hbm>>
    %dma_wait3A_67 = arith.constant 0 : i32
    %dma_wait3A_68 = tpu.memref_slice %arg5[%dma_wait3A_60, %dma_wait3A_61, %add3A, %dma_wait3A_67] : memref<200x8x32x1024xf32, #tpu.memory_space<hbm>> -> memref<1x1x1x1024xf32, #tpu.memory_space<hbm>>
    %dma_wait3A_69 = tpu.memref_squeeze %dma_wait3A_68 : memref<1x1x1x1024xf32, #tpu.memory_space<hbm>> -> memref<1024xf32, #tpu.memory_space<hbm>>
    %dma_wait3A_70 = arith.constant 2048 : i32
    %dma_wait3A_71 = tpu.memref_slice %arg12[%dma_wait3A_70] : memref<8192xf32, #tpu.memory_space<vmem>> -> memref<1024xf32, #tpu.memory_space<vmem>>
    tpu.wait_dma2 semaphore(%arg18 : memref<!tpu.dma_semaphore, #tpu.memory_space<semaphore_mem>>) src(%dma_wait3A_71 : memref<1024xf32, #tpu.memory_space<vmem>>) dst(%dma_wait3A_69 : memref<1024xf32, #tpu.memory_space<hbm>>)
    %dma_wait3A_72 = arith.constant 198 : i32
    %dma_wait3A_73 = arith.constant 3 : i32
    %dma_wait3A_74 = arith.constant 3072 : i32
    %dma_wait3A_75 = tpu.memref_slice %arg12[%dma_wait3A_74] : memref<8192xf32, #tpu.memory_space<vmem>> -> memref<1024xf32, #tpu.memory_space<vmem>>
    %dma_wait3A_76 = arith.constant 0 : i32
    %dma_wait3A_77 = tpu.memref_slice %arg5[%dma_wait3A_72, %dma_wait3A_73, %add3A, %dma_wait3A_76] : memref<200x8x32x1024xf32, #tpu.memory_space<hbm>> -> memref<1x1x1x1024xf32, #tpu.memory_space<hbm>>
    %dma_wait3A_78 = tpu.memref_squeeze %dma_wait3A_77 : memref<1x1x1x1024xf32, #tpu.memory_space<hbm>> -> memref<1024xf32, #tpu.memory_space<hbm>>
    %dma_wait3A_79 = arith.constant 0 : i32
    %dma_wait3A_80 = tpu.memref_slice %arg5[%dma_wait3A_72, %dma_wait3A_73, %add3A, %dma_wait3A_79] : memref<200x8x32x1024xf32, #tpu.memory_space<hbm>> -> memref<1x1x1x1024xf32, #tpu.memory_space<hbm>>
    %dma_wait3A_81 = tpu.memref_squeeze %dma_wait3A_80 : memref<1x1x1x1024xf32, #tpu.memory_space<hbm>> -> memref<1024xf32, #tpu.memory_space<hbm>>
    %dma_wait3A_82 = arith.constant 3072 : i32
    %dma_wait3A_83 = tpu.memref_slice %arg12[%dma_wait3A_82] : memref<8192xf32, #tpu.memory_space<vmem>> -> memref<1024xf32, #tpu.memory_space<vmem>>
    tpu.wait_dma2 semaphore(%arg18 : memref<!tpu.dma_semaphore, #tpu.memory_space<semaphore_mem>>) src(%dma_wait3A_83 : memref<1024xf32, #tpu.memory_space<vmem>>) dst(%dma_wait3A_81 : memref<1024xf32, #tpu.memory_space<hbm>>)
    %dma_wait3A_84 = arith.constant 198 : i32
    %dma_wait3A_85 = arith.constant 4 : i32
    %dma_wait3A_86 = arith.constant 4096 : i32
    %dma_wait3A_87 = tpu.memref_slice %arg12[%dma_wait3A_86] : memref<8192xf32, #tpu.memory_space<vmem>> -> memref<1024xf32, #tpu.memory_space<vmem>>
    %dma_wait3A_88 = arith.constant 0 : i32
    %dma_wait3A_89 = tpu.memref_slice %arg5[%dma_wait3A_84, %dma_wait3A_85, %add3A, %dma_wait3A_88] : memref<200x8x32x1024xf32, #tpu.memory_space<hbm>> -> memref<1x1x1x1024xf32, #tpu.memory_space<hbm>>
    %dma_wait3A_90 = tpu.memref_squeeze %dma_wait3A_89 : memref<1x1x1x1024xf32, #tpu.memory_space<hbm>> -> memref<1024xf32, #tpu.memory_space<hbm>>
    %dma_wait3A_91 = arith.constant 0 : i32
    %dma_wait3A_92 = tpu.memref_slice %arg5[%dma_wait3A_84, %dma_wait3A_85, %add3A, %dma_wait3A_91] : memref<200x8x32x1024xf32, #tpu.memory_space<hbm>> -> memref<1x1x1x1024xf32, #tpu.memory_space<hbm>>
    %dma_wait3A_93 = tpu.memref_squeeze %dma_wait3A_92 : memref<1x1x1x1024xf32, #tpu.memory_space<hbm>> -> memref<1024xf32, #tpu.memory_space<hbm>>
    %dma_wait3A_94 = arith.constant 4096 : i32
    %dma_wait3A_95 = tpu.memref_slice %arg12[%dma_wait3A_94] : memref<8192xf32, #tpu.memory_space<vmem>> -> memref<1024xf32, #tpu.memory_space<vmem>>
    tpu.wait_dma2 semaphore(%arg18 : memref<!tpu.dma_semaphore, #tpu.memory_space<semaphore_mem>>) src(%dma_wait3A_95 : memref<1024xf32, #tpu.memory_space<vmem>>) dst(%dma_wait3A_93 : memref<1024xf32, #tpu.memory_space<hbm>>)
    %dma_wait3A_96 = arith.constant 198 : i32
    %dma_wait3A_97 = arith.constant 5 : i32
    %dma_wait3A_98 = arith.constant 5120 : i32
    %dma_wait3A_99 = tpu.memref_slice %arg12[%dma_wait3A_98] : memref<8192xf32, #tpu.memory_space<vmem>> -> memref<1024xf32, #tpu.memory_space<vmem>>
    %dma_wait3A_100 = arith.constant 0 : i32
    %dma_wait3A_101 = tpu.memref_slice %arg5[%dma_wait3A_96, %dma_wait3A_97, %add3A, %dma_wait3A_100] : memref<200x8x32x1024xf32, #tpu.memory_space<hbm>> -> memref<1x1x1x1024xf32, #tpu.memory_space<hbm>>
    %dma_wait3A_102 = tpu.memref_squeeze %dma_wait3A_101 : memref<1x1x1x1024xf32, #tpu.memory_space<hbm>> -> memref<1024xf32, #tpu.memory_space<hbm>>
    %dma_wait3A_103 = arith.constant 0 : i32
    %dma_wait3A_104 = tpu.memref_slice %arg5[%dma_wait3A_96, %dma_wait3A_97, %add3A, %dma_wait3A_103] : memref<200x8x32x1024xf32, #tpu.memory_space<hbm>> -> memref<1x1x1x1024xf32, #tpu.memory_space<hbm>>
    %dma_wait3A_105 = tpu.memref_squeeze %dma_wait3A_104 : memref<1x1x1x1024xf32, #tpu.memory_space<hbm>> -> memref<1024xf32, #tpu.memory_space<hbm>>
    %dma_wait3A_106 = arith.constant 5120 : i32
    %dma_wait3A_107 = tpu.memref_slice %arg12[%dma_wait3A_106] : memref<8192xf32, #tpu.memory_space<vmem>> -> memref<1024xf32, #tpu.memory_space<vmem>>
    tpu.wait_dma2 semaphore(%arg18 : memref<!tpu.dma_semaphore, #tpu.memory_space<semaphore_mem>>) src(%dma_wait3A_107 : memref<1024xf32, #tpu.memory_space<vmem>>) dst(%dma_wait3A_105 : memref<1024xf32, #tpu.memory_space<hbm>>)
    %dma_wait3A_108 = arith.constant 198 : i32
    %dma_wait3A_109 = arith.constant 6 : i32
    %dma_wait3A_110 = arith.constant 6144 : i32
    %dma_wait3A_111 = tpu.memref_slice %arg12[%dma_wait3A_110] : memref<8192xf32, #tpu.memory_space<vmem>> -> memref<1024xf32, #tpu.memory_space<vmem>>
    %dma_wait3A_112 = arith.constant 0 : i32
    %dma_wait3A_113 = tpu.memref_slice %arg5[%dma_wait3A_108, %dma_wait3A_109, %add3A, %dma_wait3A_112] : memref<200x8x32x1024xf32, #tpu.memory_space<hbm>> -> memref<1x1x1x1024xf32, #tpu.memory_space<hbm>>
    %dma_wait3A_114 = tpu.memref_squeeze %dma_wait3A_113 : memref<1x1x1x1024xf32, #tpu.memory_space<hbm>> -> memref<1024xf32, #tpu.memory_space<hbm>>
    %dma_wait3A_115 = arith.constant 0 : i32
    %dma_wait3A_116 = tpu.memref_slice %arg5[%dma_wait3A_108, %dma_wait3A_109, %add3A, %dma_wait3A_115] : memref<200x8x32x1024xf32, #tpu.memory_space<hbm>> -> memref<1x1x1x1024xf32, #tpu.memory_space<hbm>>
    %dma_wait3A_117 = tpu.memref_squeeze %dma_wait3A_116 : memref<1x1x1x1024xf32, #tpu.memory_space<hbm>> -> memref<1024xf32, #tpu.memory_space<hbm>>
    %dma_wait3A_118 = arith.constant 6144 : i32
    %dma_wait3A_119 = tpu.memref_slice %arg12[%dma_wait3A_118] : memref<8192xf32, #tpu.memory_space<vmem>> -> memref<1024xf32, #tpu.memory_space<vmem>>
    tpu.wait_dma2 semaphore(%arg18 : memref<!tpu.dma_semaphore, #tpu.memory_space<semaphore_mem>>) src(%dma_wait3A_119 : memref<1024xf32, #tpu.memory_space<vmem>>) dst(%dma_wait3A_117 : memref<1024xf32, #tpu.memory_space<hbm>>)
    %dma_wait3A_120 = arith.constant 198 : i32
    %dma_wait3A_121 = arith.constant 7 : i32
    %dma_wait3A_122 = arith.constant 7168 : i32
    %dma_wait3A_123 = tpu.memref_slice %arg12[%dma_wait3A_122] : memref<8192xf32, #tpu.memory_space<vmem>> -> memref<1024xf32, #tpu.memory_space<vmem>>
    %dma_wait3A_124 = arith.constant 0 : i32
    %dma_wait3A_125 = tpu.memref_slice %arg5[%dma_wait3A_120, %dma_wait3A_121, %add3A, %dma_wait3A_124] : memref<200x8x32x1024xf32, #tpu.memory_space<hbm>> -> memref<1x1x1x1024xf32, #tpu.memory_space<hbm>>
    %dma_wait3A_126 = tpu.memref_squeeze %dma_wait3A_125 : memref<1x1x1x1024xf32, #tpu.memory_space<hbm>> -> memref<1024xf32, #tpu.memory_space<hbm>>
    %dma_wait3A_127 = arith.constant 0 : i32
    %dma_wait3A_128 = tpu.memref_slice %arg5[%dma_wait3A_120, %dma_wait3A_121, %add3A, %dma_wait3A_127] : memref<200x8x32x1024xf32, #tpu.memory_space<hbm>> -> memref<1x1x1x1024xf32, #tpu.memory_space<hbm>>
    %dma_wait3A_129 = tpu.memref_squeeze %dma_wait3A_128 : memref<1x1x1x1024xf32, #tpu.memory_space<hbm>> -> memref<1024xf32, #tpu.memory_space<hbm>>
    %dma_wait3A_130 = arith.constant 7168 : i32
    %dma_wait3A_131 = tpu.memref_slice %arg12[%dma_wait3A_130] : memref<8192xf32, #tpu.memory_space<vmem>> -> memref<1024xf32, #tpu.memory_space<vmem>>
    tpu.wait_dma2 semaphore(%arg18 : memref<!tpu.dma_semaphore, #tpu.memory_space<semaphore_mem>>) src(%dma_wait3A_131 : memref<1024xf32, #tpu.memory_space<vmem>>) dst(%dma_wait3A_129 : memref<1024xf32, #tpu.memory_space<hbm>>)
    %dma_wait3A_132 = arith.constant 199 : i32
    %dma_wait3A_133 = arith.constant 0 : i32
    %dma_wait3A_134 = arith.constant 0 : i32
    %dma_wait3A_135 = tpu.memref_slice %arg13[%dma_wait3A_134] : memref<8192xf32, #tpu.memory_space<vmem>> -> memref<1024xf32, #tpu.memory_space<vmem>>
    %dma_wait3A_136 = arith.constant 0 : i32
    %dma_wait3A_137 = tpu.memref_slice %arg5[%dma_wait3A_132, %dma_wait3A_133, %add3A, %dma_wait3A_136] : memref<200x8x32x1024xf32, #tpu.memory_space<hbm>> -> memref<1x1x1x1024xf32, #tpu.memory_space<hbm>>
    %dma_wait3A_138 = tpu.memref_squeeze %dma_wait3A_137 : memref<1x1x1x1024xf32, #tpu.memory_space<hbm>> -> memref<1024xf32, #tpu.memory_space<hbm>>
    %dma_wait3A_139 = arith.constant 0 : i32
    %dma_wait3A_140 = tpu.memref_slice %arg5[%dma_wait3A_132, %dma_wait3A_133, %add3A, %dma_wait3A_139] : memref<200x8x32x1024xf32, #tpu.memory_space<hbm>> -> memref<1x1x1x1024xf32, #tpu.memory_space<hbm>>
    %dma_wait3A_141 = tpu.memref_squeeze %dma_wait3A_140 : memref<1x1x1x1024xf32, #tpu.memory_space<hbm>> -> memref<1024xf32, #tpu.memory_space<hbm>>
    %dma_wait3A_142 = arith.constant 0 : i32
    %dma_wait3A_143 = tpu.memref_slice %arg13[%dma_wait3A_142] : memref<8192xf32, #tpu.memory_space<vmem>> -> memref<1024xf32, #tpu.memory_space<vmem>>
    tpu.wait_dma2 semaphore(%arg19 : memref<!tpu.dma_semaphore, #tpu.memory_space<semaphore_mem>>) src(%dma_wait3A_143 : memref<1024xf32, #tpu.memory_space<vmem>>) dst(%dma_wait3A_141 : memref<1024xf32, #tpu.memory_space<hbm>>)
    %dma_wait3A_144 = arith.constant 199 : i32
    %dma_wait3A_145 = arith.constant 1 : i32
    %dma_wait3A_146 = arith.constant 1024 : i32
    %dma_wait3A_147 = tpu.memref_slice %arg13[%dma_wait3A_146] : memref<8192xf32, #tpu.memory_space<vmem>> -> memref<1024xf32, #tpu.memory_space<vmem>>
    %dma_wait3A_148 = arith.constant 0 : i32
    %dma_wait3A_149 = tpu.memref_slice %arg5[%dma_wait3A_144, %dma_wait3A_145, %add3A, %dma_wait3A_148] : memref<200x8x32x1024xf32, #tpu.memory_space<hbm>> -> memref<1x1x1x1024xf32, #tpu.memory_space<hbm>>
    %dma_wait3A_150 = tpu.memref_squeeze %dma_wait3A_149 : memref<1x1x1x1024xf32, #tpu.memory_space<hbm>> -> memref<1024xf32, #tpu.memory_space<hbm>>
    %dma_wait3A_151 = arith.constant 0 : i32
    %dma_wait3A_152 = tpu.memref_slice %arg5[%dma_wait3A_144, %dma_wait3A_145, %add3A, %dma_wait3A_151] : memref<200x8x32x1024xf32, #tpu.memory_space<hbm>> -> memref<1x1x1x1024xf32, #tpu.memory_space<hbm>>
    %dma_wait3A_153 = tpu.memref_squeeze %dma_wait3A_152 : memref<1x1x1x1024xf32, #tpu.memory_space<hbm>> -> memref<1024xf32, #tpu.memory_space<hbm>>
    %dma_wait3A_154 = arith.constant 1024 : i32
    %dma_wait3A_155 = tpu.memref_slice %arg13[%dma_wait3A_154] : memref<8192xf32, #tpu.memory_space<vmem>> -> memref<1024xf32, #tpu.memory_space<vmem>>
    tpu.wait_dma2 semaphore(%arg19 : memref<!tpu.dma_semaphore, #tpu.memory_space<semaphore_mem>>) src(%dma_wait3A_155 : memref<1024xf32, #tpu.memory_space<vmem>>) dst(%dma_wait3A_153 : memref<1024xf32, #tpu.memory_space<hbm>>)
    %dma_wait3A_156 = arith.constant 199 : i32
    %dma_wait3A_157 = arith.constant 2 : i32
    %dma_wait3A_158 = arith.constant 2048 : i32
    %dma_wait3A_159 = tpu.memref_slice %arg13[%dma_wait3A_158] : memref<8192xf32, #tpu.memory_space<vmem>> -> memref<1024xf32, #tpu.memory_space<vmem>>
    %dma_wait3A_160 = arith.constant 0 : i32
    %dma_wait3A_161 = tpu.memref_slice %arg5[%dma_wait3A_156, %dma_wait3A_157, %add3A, %dma_wait3A_160] : memref<200x8x32x1024xf32, #tpu.memory_space<hbm>> -> memref<1x1x1x1024xf32, #tpu.memory_space<hbm>>
    %dma_wait3A_162 = tpu.memref_squeeze %dma_wait3A_161 : memref<1x1x1x1024xf32, #tpu.memory_space<hbm>> -> memref<1024xf32, #tpu.memory_space<hbm>>
    %dma_wait3A_163 = arith.constant 0 : i32
    %dma_wait3A_164 = tpu.memref_slice %arg5[%dma_wait3A_156, %dma_wait3A_157, %add3A, %dma_wait3A_163] : memref<200x8x32x1024xf32, #tpu.memory_space<hbm>> -> memref<1x1x1x1024xf32, #tpu.memory_space<hbm>>
    %dma_wait3A_165 = tpu.memref_squeeze %dma_wait3A_164 : memref<1x1x1x1024xf32, #tpu.memory_space<hbm>> -> memref<1024xf32, #tpu.memory_space<hbm>>
    %dma_wait3A_166 = arith.constant 2048 : i32
    %dma_wait3A_167 = tpu.memref_slice %arg13[%dma_wait3A_166] : memref<8192xf32, #tpu.memory_space<vmem>> -> memref<1024xf32, #tpu.memory_space<vmem>>
    tpu.wait_dma2 semaphore(%arg19 : memref<!tpu.dma_semaphore, #tpu.memory_space<semaphore_mem>>) src(%dma_wait3A_167 : memref<1024xf32, #tpu.memory_space<vmem>>) dst(%dma_wait3A_165 : memref<1024xf32, #tpu.memory_space<hbm>>)
    %dma_wait3A_168 = arith.constant 199 : i32
    %dma_wait3A_169 = arith.constant 3 : i32
    %dma_wait3A_170 = arith.constant 3072 : i32
    %dma_wait3A_171 = tpu.memref_slice %arg13[%dma_wait3A_170] : memref<8192xf32, #tpu.memory_space<vmem>> -> memref<1024xf32, #tpu.memory_space<vmem>>
    %dma_wait3A_172 = arith.constant 0 : i32
    %dma_wait3A_173 = tpu.memref_slice %arg5[%dma_wait3A_168, %dma_wait3A_169, %add3A, %dma_wait3A_172] : memref<200x8x32x1024xf32, #tpu.memory_space<hbm>> -> memref<1x1x1x1024xf32, #tpu.memory_space<hbm>>
    %dma_wait3A_174 = tpu.memref_squeeze %dma_wait3A_173 : memref<1x1x1x1024xf32, #tpu.memory_space<hbm>> -> memref<1024xf32, #tpu.memory_space<hbm>>
    %dma_wait3A_175 = arith.constant 0 : i32
    %dma_wait3A_176 = tpu.memref_slice %arg5[%dma_wait3A_168, %dma_wait3A_169, %add3A, %dma_wait3A_175] : memref<200x8x32x1024xf32, #tpu.memory_space<hbm>> -> memref<1x1x1x1024xf32, #tpu.memory_space<hbm>>
    %dma_wait3A_177 = tpu.memref_squeeze %dma_wait3A_176 : memref<1x1x1x1024xf32, #tpu.memory_space<hbm>> -> memref<1024xf32, #tpu.memory_space<hbm>>
    %dma_wait3A_178 = arith.constant 3072 : i32
    %dma_wait3A_179 = tpu.memref_slice %arg13[%dma_wait3A_178] : memref<8192xf32, #tpu.memory_space<vmem>> -> memref<1024xf32, #tpu.memory_space<vmem>>
    tpu.wait_dma2 semaphore(%arg19 : memref<!tpu.dma_semaphore, #tpu.memory_space<semaphore_mem>>) src(%dma_wait3A_179 : memref<1024xf32, #tpu.memory_space<vmem>>) dst(%dma_wait3A_177 : memref<1024xf32, #tpu.memory_space<hbm>>)
    %dma_wait3A_180 = arith.constant 199 : i32
    %dma_wait3A_181 = arith.constant 4 : i32
    %dma_wait3A_182 = arith.constant 4096 : i32
    %dma_wait3A_183 = tpu.memref_slice %arg13[%dma_wait3A_182] : memref<8192xf32, #tpu.memory_space<vmem>> -> memref<1024xf32, #tpu.memory_space<vmem>>
    %dma_wait3A_184 = arith.constant 0 : i32
    %dma_wait3A_185 = tpu.memref_slice %arg5[%dma_wait3A_180, %dma_wait3A_181, %add3A, %dma_wait3A_184] : memref<200x8x32x1024xf32, #tpu.memory_space<hbm>> -> memref<1x1x1x1024xf32, #tpu.memory_space<hbm>>
    %dma_wait3A_186 = tpu.memref_squeeze %dma_wait3A_185 : memref<1x1x1x1024xf32, #tpu.memory_space<hbm>> -> memref<1024xf32, #tpu.memory_space<hbm>>
    %dma_wait3A_187 = arith.constant 0 : i32
    %dma_wait3A_188 = tpu.memref_slice %arg5[%dma_wait3A_180, %dma_wait3A_181, %add3A, %dma_wait3A_187] : memref<200x8x32x1024xf32, #tpu.memory_space<hbm>> -> memref<1x1x1x1024xf32, #tpu.memory_space<hbm>>
    %dma_wait3A_189 = tpu.memref_squeeze %dma_wait3A_188 : memref<1x1x1x1024xf32, #tpu.memory_space<hbm>> -> memref<1024xf32, #tpu.memory_space<hbm>>
    %dma_wait3A_190 = arith.constant 4096 : i32
    %dma_wait3A_191 = tpu.memref_slice %arg13[%dma_wait3A_190] : memref<8192xf32, #tpu.memory_space<vmem>> -> memref<1024xf32, #tpu.memory_space<vmem>>
    tpu.wait_dma2 semaphore(%arg19 : memref<!tpu.dma_semaphore, #tpu.memory_space<semaphore_mem>>) src(%dma_wait3A_191 : memref<1024xf32, #tpu.memory_space<vmem>>) dst(%dma_wait3A_189 : memref<1024xf32, #tpu.memory_space<hbm>>)
    %dma_wait3A_192 = arith.constant 199 : i32
    %dma_wait3A_193 = arith.constant 5 : i32
    %dma_wait3A_194 = arith.constant 5120 : i32
    %dma_wait3A_195 = tpu.memref_slice %arg13[%dma_wait3A_194] : memref<8192xf32, #tpu.memory_space<vmem>> -> memref<1024xf32, #tpu.memory_space<vmem>>
    %dma_wait3A_196 = arith.constant 0 : i32
    %dma_wait3A_197 = tpu.memref_slice %arg5[%dma_wait3A_192, %dma_wait3A_193, %add3A, %dma_wait3A_196] : memref<200x8x32x1024xf32, #tpu.memory_space<hbm>> -> memref<1x1x1x1024xf32, #tpu.memory_space<hbm>>
    %dma_wait3A_198 = tpu.memref_squeeze %dma_wait3A_197 : memref<1x1x1x1024xf32, #tpu.memory_space<hbm>> -> memref<1024xf32, #tpu.memory_space<hbm>>
    %dma_wait3A_199 = arith.constant 0 : i32
    %dma_wait3A_200 = tpu.memref_slice %arg5[%dma_wait3A_192, %dma_wait3A_193, %add3A, %dma_wait3A_199] : memref<200x8x32x1024xf32, #tpu.memory_space<hbm>> -> memref<1x1x1x1024xf32, #tpu.memory_space<hbm>>
    %dma_wait3A_201 = tpu.memref_squeeze %dma_wait3A_200 : memref<1x1x1x1024xf32, #tpu.memory_space<hbm>> -> memref<1024xf32, #tpu.memory_space<hbm>>
    %dma_wait3A_202 = arith.constant 5120 : i32
    %dma_wait3A_203 = tpu.memref_slice %arg13[%dma_wait3A_202] : memref<8192xf32, #tpu.memory_space<vmem>> -> memref<1024xf32, #tpu.memory_space<vmem>>
    tpu.wait_dma2 semaphore(%arg19 : memref<!tpu.dma_semaphore, #tpu.memory_space<semaphore_mem>>) src(%dma_wait3A_203 : memref<1024xf32, #tpu.memory_space<vmem>>) dst(%dma_wait3A_201 : memref<1024xf32, #tpu.memory_space<hbm>>)
    %dma_wait3A_204 = arith.constant 199 : i32
    %dma_wait3A_205 = arith.constant 6 : i32
    %dma_wait3A_206 = arith.constant 6144 : i32
    %dma_wait3A_207 = tpu.memref_slice %arg13[%dma_wait3A_206] : memref<8192xf32, #tpu.memory_space<vmem>> -> memref<1024xf32, #tpu.memory_space<vmem>>
    %dma_wait3A_208 = arith.constant 0 : i32
    %dma_wait3A_209 = tpu.memref_slice %arg5[%dma_wait3A_204, %dma_wait3A_205, %add3A, %dma_wait3A_208] : memref<200x8x32x1024xf32, #tpu.memory_space<hbm>> -> memref<1x1x1x1024xf32, #tpu.memory_space<hbm>>
    %dma_wait3A_210 = tpu.memref_squeeze %dma_wait3A_209 : memref<1x1x1x1024xf32, #tpu.memory_space<hbm>> -> memref<1024xf32, #tpu.memory_space<hbm>>
    %dma_wait3A_211 = arith.constant 0 : i32
    %dma_wait3A_212 = tpu.memref_slice %arg5[%dma_wait3A_204, %dma_wait3A_205, %add3A, %dma_wait3A_211] : memref<200x8x32x1024xf32, #tpu.memory_space<hbm>> -> memref<1x1x1x1024xf32, #tpu.memory_space<hbm>>
    %dma_wait3A_213 = tpu.memref_squeeze %dma_wait3A_212 : memref<1x1x1x1024xf32, #tpu.memory_space<hbm>> -> memref<1024xf32, #tpu.memory_space<hbm>>
    %dma_wait3A_214 = arith.constant 6144 : i32
    %dma_wait3A_215 = tpu.memref_slice %arg13[%dma_wait3A_214] : memref<8192xf32, #tpu.memory_space<vmem>> -> memref<1024xf32, #tpu.memory_space<vmem>>
    tpu.wait_dma2 semaphore(%arg19 : memref<!tpu.dma_semaphore, #tpu.memory_space<semaphore_mem>>) src(%dma_wait3A_215 : memref<1024xf32, #tpu.memory_space<vmem>>) dst(%dma_wait3A_213 : memref<1024xf32, #tpu.memory_space<hbm>>)
    %dma_wait3A_216 = arith.constant 199 : i32
    %dma_wait3A_217 = arith.constant 7 : i32
    %dma_wait3A_218 = arith.constant 7168 : i32
    %dma_wait3A_219 = tpu.memref_slice %arg13[%dma_wait3A_218] : memref<8192xf32, #tpu.memory_space<vmem>> -> memref<1024xf32, #tpu.memory_space<vmem>>
    %dma_wait3A_220 = arith.constant 0 : i32
    %dma_wait3A_221 = tpu.memref_slice %arg5[%dma_wait3A_216, %dma_wait3A_217, %add3A, %dma_wait3A_220] : memref<200x8x32x1024xf32, #tpu.memory_space<hbm>> -> memref<1x1x1x1024xf32, #tpu.memory_space<hbm>>
    %dma_wait3A_222 = tpu.memref_squeeze %dma_wait3A_221 : memref<1x1x1x1024xf32, #tpu.memory_space<hbm>> -> memref<1024xf32, #tpu.memory_space<hbm>>
    %dma_wait3A_223 = arith.constant 0 : i32
    %dma_wait3A_224 = tpu.memref_slice %arg5[%dma_wait3A_216, %dma_wait3A_217, %add3A, %dma_wait3A_223] : memref<200x8x32x1024xf32, #tpu.memory_space<hbm>> -> memref<1x1x1x1024xf32, #tpu.memory_space<hbm>>
    %dma_wait3A_225 = tpu.memref_squeeze %dma_wait3A_224 : memref<1x1x1x1024xf32, #tpu.memory_space<hbm>> -> memref<1024xf32, #tpu.memory_space<hbm>>
    %dma_wait3A_226 = arith.constant 7168 : i32
    %dma_wait3A_227 = tpu.memref_slice %arg13[%dma_wait3A_226] : memref<8192xf32, #tpu.memory_space<vmem>> -> memref<1024xf32, #tpu.memory_space<vmem>>
    tpu.wait_dma2 semaphore(%arg19 : memref<!tpu.dma_semaphore, #tpu.memory_space<semaphore_mem>>) src(%dma_wait3A_227 : memref<1024xf32, #tpu.memory_space<vmem>>) dst(%dma_wait3A_225 : memref<1024xf32, #tpu.memory_space<hbm>>)
    return
  }
}

</mosaic_0001>

<sc_bundles>
// kernel: kernel.3.cloned.1.call-start
scs
__scs_entry_jumppad:
0x0: {  	(pc) =	sbr.rel $0x88, $3  }
0x1: {  	(tag) =	ssettag $0x0;
	lr =	simm.s32 $0x1  }
0x2: {  	[smem:$0x3F9E] =	sst lr;
	_ =	strace $0xD0000000  }
0x3: {  	_ = 	snop  }
0x4: {  	_ = 	snop  }
0x5: {  	_ = 	snop  }
0x6: {  	_ = 	snop  }
0x7: {  	_ = 	snop  }
__scs_overlays_trampoline_lowered:
0x8: {  	[smem:$0x3FAD] =	sst s0  }
0x9: {  	[smem:$0x3FAE] =	sst s1  }
0xa: {  	[smem:$0x3FAF] =	sst s2  }
0xb: {  	[smem:$0x3FB0] =	sst s3  }
0xc: {  	[smem:$0x3FB1] =	sst s4  }
0xd: {  	[smem:$0x3FB2] =	sst s5  }
0xe: {  	[smem:$0x3FB3] =	sst s6  }
0xf: {  	[smem:$0x3FB4] =	sst s7  }
0x10: {  	[smem:$0x3FB5] =	sst s8  }
0x11: {  	[smem:$0x3FB6] =	sst s9;
	s0 =	simm.s32 @!p0 $0x0  }
0x12: {  	s1 =	sld [smem:$0x3F9C];
	s0 =	simm.s32 @p0 $0x1  }
0x13: {  	[smem:$0x3FB7] =	sst s0;
	s0 =	simm.s32 @!p1 $0x0  }
0x14: {  	s2 =	sld [smem:$0x3F9B];
	s0 =	simm.s32 @p1 $0x1  }
0x15: {  	[smem:$0x3FB8] =	sst s0;
	s0 =	simm.s32 @!p2 $0x0  }
0x16: {  	s3 =	sld [smem:$0x3FDB];
	s0 =	simm.s32 @p2 $0x1  }
0x17: {  	s4 =	simm.s32 $0x1BF5;
	[smem:$0x3FBA] =	sst s0  }
0x18: {  	s0 =	sld [smem:$0x3F9D];
	_ =	swait.ge [sflag:s4], $0x0  }
0x19: {  	s7 =	sld [smem:$0x3F9E]  }
0x1a: {  	s8 =	sadd.s32 $0xFFFFE003, lr  }
0x1b: {  	s9 =	sadd.s32 $0xFFFFFEF7, lr;
	s5 =	simm.s32 $0xFFFFFFFF;
	p2 =	slt.u32 s8, $0xFFFFF086  }
0x1c: {  	p1 =	slt.u32 s9, $0xF7A;
	s5 =	simm.s32 @!p2 $0x0  }
0x1d: {  	s5 =	simm.s32 @p1 $0x1;
	p0 =	seq.s32 s7, s2  }
0x1e: {  	s7 =	smul.u32 @!p0 $0xF7A, s2;
	p2 =	seq.s32 @!p0 s5, $0x0  }
0x1f: {  	s9 =	smul.u32 $0xF7A, s1;
	s8 =	simm.s32 @!p0 $0x1BF5;
	p2 =	por !p2, p0  }
0x20: {  	[sflag:s8] =	ssyncset.s32 @!p0 $0xFFFFF086;
	s6 =	sadd.s32 @!p0 s3, s7;
	s7 =	simm.s32 @!p0 $0x108  }
0x21: {  	s3 =	sadd.s32 s3, s9;
	s6 =	sadd.s32 @!p0 $0x88, s6;
	s7 =	simm.s32 @p2 $0x1082  }
0x22: {  	[simem:s7], [sflag:s8] =	dma.local @!p0 [hbm:s6], $0xF7A  }
0x23: {  	s9 =	sor.u32 $0xD0000000, s2;
	s6 =	simm.s32 $0x108;
	_ =	swait.ge @!p0 [sflag:s8], $0x0  }
0x24: {  	s3 =	sadd.s32 $0x88, s3;
	s6 =	simm.s32 @!p1 $0x1082;
	[sflag:s4] =	ssyncset.s32 $0xFFFFF086  }
0x25: {  	[simem:s6], [sflag:s4] =	dma.local [hbm:s3], $0xF7A  }
0x26: {  	[smem:$0x3F9E] =	sst s1;
	(tag) =	ssettag s2;
	_ =	strace s9  }
0x27: {  	s1 =	sld [smem:$0x3FAE]  }
0x28: {  	s2 =	sld [smem:$0x3FAF]  }
0x29: {  	s4 =	sld [smem:$0x3FB1]  }
0x2a: {  	p0 =	seq.s32 s5, $0x0;
	s5 =	sld [smem:$0x3FB2]  }
0x2b: {  	s6 =	sld [smem:$0x3FB3]  }
0x2c: {  	s7 =	sld [smem:$0x3FB4]  }
0x2d: {  	s3 =	simm.s32 $0x108;
	s8 =	sld [smem:$0x3FB5]  }
0x2e: {  	s3 =	simm.s32 @!p0 $0x1082;
	s9 =	sld [smem:$0x3FB6]  }
0x2f: {  	lr =	sadd.s32 s0, s3;
	s0 =	sld [smem:$0x3FAD]  }
0x30: {  	s3 =	sld [smem:$0x3FB0]  }
0x31: {  	[smem:$0x3FB9] =	sst s10  }
0x32: {  	s10 =	sld [smem:$0x3FB7];
	_ =	sdelay $0x3  }
0x33: {  	p0 =	seq.s32 s10, $0x1;
	s10 =	sld [smem:$0x3FB9];
	_ =	sdelay $0x3  }
0x34: {  	[smem:$0x3FB9] =	sst s10  }
0x35: {  	s10 =	sld [smem:$0x3FB8];
	_ =	sdelay $0x3  }
0x36: {  	p1 =	seq.s32 s10, $0x1;
	s10 =	sld [smem:$0x3FB9];
	_ =	sdelay $0x3  }
0x37: {  	[smem:$0x3FB9] =	sst s10  }
0x38: {  	s10 =	sld [smem:$0x3FBA]  }
0x39: {  	_ = 	snop;
	(pc) =	sbr.ind lr, $3  }
0x3a: {  	_ = 	snop  }
0x3b: {  	_ = 	snop  }
0x3c: {  	p2 =	seq.s32 s10, $0x1;
	s10 =	sld [smem:$0x3FB9]  }
0x3d: {  	_ =	shalt  }
0x3e: {  	_ =	shalt  }
0x3f: {  	_ =	shalt  }
0x40: {  	_ =	shalt  }
0x41: {  	_ =	shalt  }
0x42: {  	_ =	shalt  }
0x43: {  	_ =	shalt  }
0x44: {  	_ =	shalt  }
0x45: {  	_ =	shalt  }
0x46: {  	_ =	shalt  }
0x47: {  	_ =	shalt  }
0x48: {  	_ =	shalt  }
0x49: {  	_ =	shalt  }
0x4a: {  	_ =	shalt  }
0x4b: {  	_ =	shalt  }
0x4c: {  	_ =	shalt  }
0x4d: {  	_ =	shalt  }
0x4e: {  	_ =	shalt  }
0x4f: {  	_ =	shalt  }
0x50: {  	_ =	shalt  }
0x51: {  	_ =	shalt  }
0x52: {  	_ =	shalt  }
0x53: {  	_ =	shalt  }
0x54: {  	_ =	shalt  }
0x55: {  	_ =	shalt  }
0x56: {  	_ =	shalt  }
0x57: {  	_ =	shalt  }
0x58: {  	_ =	shalt  }
0x59: {  	_ =	shalt  }
0x5a: {  	_ =	shalt  }
0x5b: {  	_ =	shalt  }
0x5c: {  	_ =	shalt  }
0x5d: {  	_ =	shalt  }
0x5e: {  	_ =	shalt  }
0x5f: {  	_ =	shalt  }
0x60: {  	_ =	shalt  }
0x61: {  	_ =	shalt  }
0x62: {  	_ =	shalt  }
0x63: {  	_ =	shalt  }
0x64: {  	_ =	shalt  }
0x65: {  	_ =	shalt  }
0x66: {  	_ =	shalt  }
0x67: {  	_ =	shalt  }
0x68: {  	_ =	shalt  }
0x69: {  	_ =	shalt  }
0x6a: {  	_ =	shalt  }
0x6b: {  	_ =	shalt  }
0x6c: {  	_ =	shalt  }
0x6d: {  	_ =	shalt  }
0x6e: {  	_ =	shalt  }
0x6f: {  	_ =	shalt  }
0x70: {  	_ =	shalt  }
0x71: {  	_ =	shalt  }
0x72: {  	_ =	shalt  }
0x73: {  	_ =	shalt  }
0x74: {  	_ =	shalt  }
0x75: {  	_ =	shalt  }
0x76: {  	_ =	shalt  }
0x77: {  	_ =	shalt  }
0x78: {  	_ =	shalt  }
0x79: {  	_ =	shalt  }
0x7a: {  	_ =	shalt  }
0x7b: {  	_ =	shalt  }
0x7c: {  	_ =	shalt  }
0x7d: {  	_ =	shalt  }
0x7e: {  	_ =	shalt  }
0x7f: {  	_ =	shalt  }
0x80: {  	_ =	shalt  }
0x81: {  	_ =	shalt  }
0x82: {  	_ =	shalt  }
0x83: {  	_ =	shalt  }
0x84: {  	_ =	shalt  }
0x85: {  	_ =	shalt  }
0x86: {  	_ =	shalt  }
0x87: {  	_ =	shalt  }
.Lfunc_end0:
.L_simem_size_0:
called_computation_lowered:
.L_overlay_start_0:
0x88: {  	s2 =	sld [smem:$0x3FD9]  }
0x89: {  	s3 =	sld [smem:$0x3FFE];
	_ =	sdelay $0x1  }
0x8a: {  	s1 =	srdreg.scid  }
0x8b: {  	s0 =	sand.u32 $0x1, s1  }
0x8c: {  	s17 =	sshll.u32 s0, $0xA;
	s2 =	sadd.s32 s3, s2  }
0x8d: {  	s2 =	sadd.s32 s2, s17  }
0x8e: {  	[smem:$0x3FC5] =	sst s2  }
0x8f: {  	_ = 	snop  }
0x90: {  	s2 =	sld [smem:$0x3FD0];
	(tm) =	ssettm $0x1  }
0x91: {  	s18 =	sld [smem:$0x3FFB];
	_ =	sdelay $0x3  }
0x92: {  	_ =	strace s18  }
0x93: {  	s3 =	sld [smem:$0x3FFC];
	_ =	sdelay $0x3  }
0x94: {  	_ =	strace s3  }
0x95: {  	s3 =	sld [smem:$0x3FFD];
	_ =	sdelay $0x3  }
0x96: {  	_ =	strace s3  }
0x97: {  	_ =	strace $0x8FFFFFFF  }
0x98: {  	s19 =	sld [smem:$0x3FDB];
	_ =	sdelay $0x1  }
0x99: {  	s4 =	simm.s32 $_scs_section_size  }
0x9a: {  	s5 =	simm.s32 $_size__tile_overlayer_lowered;
	s6 =	simm.s32 $_tile_overlayer_lowered  }
0x9b: {  	s22 =	simm.s32 $0x1BFF;
	s21 =	sshll.u32 s6, $0x1;
	s3 =	sadd.s32 s4, s19  }
0x9c: {  	s7 =	simm.s32 $0x0;
	s20 =	sshll.u32 s5, $0x1;
	s5 =	sadd.s32 s21, s3  }
0x9d: {  	[timem:s7], [sflag:s22] =	dma.local [hbm:s5], s20  }
0x9e: {  	_ =	swait.ge [sflag:s22], s20  }
0x9f: {  	s4 =	ssub.s32 $0x0, s20;
	[sflag:s22] =	ssyncset.done $0x0  }
0xa0: {  	[sflag:s22] =	ssyncadd.s32 s4;
	_ =	sdelay $0x1  }
0xa1: {  	s23 =	simm.s32 $0x1B8B  }
0xa2: {  	_ =	swait.ge [sflag:s23], $0x1  }
0xa3: {  	[sflag:s23] =	ssyncset.done $0x0  }
0xa4: {  	s25 =	simm.s32 $0x1B8E;
	s24 =	sld [smem:$0x3FFE];
	[sflag:s23] =	ssyncadd.s32 $0xFFFFFFFF  }
0xa5: {  	s26 =	simm.s32 $execute0_lowered;
	[smem:$0x3FD2] =	sst s25  }
0xa6: {  	s5 =	sshll.u32 s26, $0x1;
	_ =	strace $0x80000046;
	[dreg:$0x1] =	wrdreg $0xFFFFFFFF  }
0xa7: {  	s28 =	simm.s32 $_size_execute0_lowered;
	s3 =	sadd.s32 s3, s5;
	[dreg:$0x0] =	wrdreg $0x0  }
0xa8: {  	s5 =	sshll.u32 s28, $0x1;
	[dreg:$0x2] =	wrdreg s3  }
0xa9: {  	[dreg:$0x3] =	wrdreg s5  }
0xaa: {  	[dreg:$0x4] =	wrdreg $0xC0  }
0xab: {  	_ =	task [dreg:s7], $0x5FFFF  }
0xac: {  	[dreg:$0x1] =	wrdreg $0xFFFFFFFF  }
0xad: {  	[dreg:$0x0] =	wrdreg $0x60  }
0xae: {  	[dreg:$0x2] =	wrdreg s24  }
0xaf: {  	[dreg:$0x3] =	wrdreg s2  }
0xb0: {  	[dreg:$0x4] =	wrdreg $0x9  }
0xb1: {  	_ =	task.clear_ibuf [dreg:s7], $0x5FFFF;
	_ =	strace $0x90000046  }
0xb2: {  	s29 =	simm.s32 $0x9;
	_ =	strace $0x80000048  }
0xb3: {  	_ =	swait.ge [sflag:s29], $0x1  }
0xb4: {  	[sflag:s29] =	ssyncadd.s32 $0xFFFFFFFF  }
0xb5: {  	_ =	strace $0x90000048  }
0xb6: {  	_ =	sfence  }
0xb7: {  	s30 =	sld [smem:$0x0];
	_ =	sdelay $0x2  }
0xb8: {  	s31 =	sshll.u32 s1, $0xD;
	s1 =	sshrl.u32 s1, $0x2  }
0xb9: {  	s3 =	sand.u32 $0x4000, s31;
	s1 =	sadd.s32 s1, s30  }
0xba: {  	s0 =	sor.u32 s3, s0;
	s1 =	sshll.u32 s1, $0x11  }
0xbb: {  	s0 =	sor.u32 s1, s0  }
0xbc: {  	s0 =	sadd.s32 $0x8F2B, s0  }
0xbd: {  	[sflag:s0] =	ssyncadd.remote.s32 $0x1  }
0xbe: {  	_ =	sfence.sel $0xFFFF  }
0xbf: {  	[dreg:$0x0] =	wrdreg $0xFFFFFFFF;
	(pc) =	sbr.abs _section_cstart, $3  }
0xc0: {  	[dreg:$0x1] =	wrdreg $0xFFFFFFFF  }
0xc1: {  	_ =	task.clear_ibuf [dreg:s7], $0x2FFFF;
	_ =	strace $0x9FFFFFFF  }
0xc2: {  	(tm) =	ssettm $0x7FFFFFFF  }
0xc3: {  	_ =	shalt  }
tec
execute0_lowered:
.L_overlay_start_1:
0x0: {  	(tag) =	ssettag $0x1  }
0x1: {  	s0 =	srdreg.scid;
	s1 =	rddreg [dreg:$0x0]  }
0x2: {  	s2 =	stileid.u32;
	s28 =	rddreg [dreg:$0x1]  }
0x3: {  	s3 =	simm.s32 $0x0;
	s26 =	simm.s32 $0x11600;
	s20 =	simm.s32 $0x13600  }
0x4: {  	s21 =	simm.s32 $0x13A00;
	s24 =	simm.s32 $0x13E00;
	s25 =	simm.s32 $0x14200  }
0x5: {  	s22 =	simm.s32 $0x14600;
	s23 =	simm.s32 $0x15200;
	s18 =	simm.s32 $0x5  }
0x6: {  	s29 =	simm.s32 $0x6;
	s0 =	sand.u32 $0x1, s0;
	s2 =	sshll.u32 s2, $0x1  }
0x7: {  	[smem:$0x7FF] =	sst s3;
	s8 =	sadd.s32 $0x1000, s28;
	s2 =	sor.u32 s0, s2  }
0x8: {  	s9 =	sadd.s32 $0x2000, s28;
	s0 =	ssub.s32 $0x2, s0;
	s4 =	smul.u32 $0xC80, s2  }
0x9: {  	_ =	strace $0x80000047;
	s6 =	sshrl.u32 s0, $0x1;
	s31 =	sshll.u32 s2, $0xA  }
0xa: {  	s0 =	ssub.s32 s0, s6;
	[dreg:$0x5] =	wrdreg s31;
	s5 =	sadd.s32 s4, s1  }
.Ltmp0:
0xb: {  	s4 =	sadd.s32 $0xF42E00, s1;
	s1 =	sadd.s32 $0x19A00, s1;
	(pc) =	sbr.rel .LBB2_1-.Ltmp0, $4  }
0xc: {  	s10 =	sadd.s32 $0x3000, s28;
	s0 =	smax.u32 s0, $0x1;
	[dreg:$0x3] =	wrdreg s1  }
0xd: {  	v0 =	vlaneseq.u32;
	s11 =	sadd.s32 $0x4000, s28;
	s12 =	sadd.s32 $0x5000, s28;
	[dreg:$0x7] =	wrdreg s0  }
0xe: {  	s13 =	sadd.s32 $0x6000, s28;
	v0 =	vmul.u32 $0x80, v0;
	s30 =	sadd.s32 $0xA00, s5;
	[dreg:$0x6] =	wrdreg s4  }
0xf: {  	s14 =	sadd.s32 $0x7000, s28;
	s1 =	simm.s32 $0x0;
	[dreg:$0x4] =	wrdreg s30  }
.LBB2_12:
0x10: {  	_ =	swait.ge [sflag:s18], $0x400  }
0x11: {  	[sflag:s18] =	ssyncset.done $0x0  }
0x12: {  	[sflag:s18] =	ssyncadd.s32 $0xFFFFFC00  }
0x13: {  	_ =	swait.ge [sflag:s18], $0x400  }
0x14: {  	[sflag:s18] =	ssyncset.done $0x0  }
0x15: {  	[sflag:s18] =	ssyncadd.s32 $0xFFFFFC00  }
0x16: {  	_ =	swait.ge [sflag:s18], $0x400  }
0x17: {  	[sflag:s18] =	ssyncset.done $0x0  }
0x18: {  	[sflag:s18] =	ssyncadd.s32 $0xFFFFFC00  }
0x19: {  	_ =	swait.ge [sflag:s18], $0x400  }
0x1a: {  	[sflag:s18] =	ssyncset.done $0x0  }
0x1b: {  	[sflag:s18] =	ssyncadd.s32 $0xFFFFFC00  }
0x1c: {  	_ =	swait.ge [sflag:s18], $0x400  }
0x1d: {  	[sflag:s18] =	ssyncset.done $0x0  }
0x1e: {  	[sflag:s18] =	ssyncadd.s32 $0xFFFFFC00  }
0x1f: {  	_ =	swait.ge [sflag:s18], $0x400  }
0x20: {  	[sflag:s18] =	ssyncset.done $0x0  }
0x21: {  	[sflag:s18] =	ssyncadd.s32 $0xFFFFFC00  }
0x22: {  	_ =	swait.ge [sflag:s18], $0x400  }
0x23: {  	[sflag:s18] =	ssyncset.done $0x0  }
0x24: {  	[sflag:s18] =	ssyncadd.s32 $0xFFFFFC00  }
0x25: {  	_ =	swait.ge [sflag:s18], $0x400  }
0x26: {  	[sflag:s18] =	ssyncset.done $0x0  }
0x27: {  	[sflag:s18] =	ssyncadd.s32 $0xFFFFFC00  }
0x28: {  	_ =	swait.ge [sflag:s29], $0x400  }
0x29: {  	[sflag:s29] =	ssyncset.done $0x0  }
0x2a: {  	[sflag:s29] =	ssyncadd.s32 $0xFFFFFC00  }
0x2b: {  	_ =	swait.ge [sflag:s29], $0x400  }
0x2c: {  	[sflag:s29] =	ssyncset.done $0x0  }
0x2d: {  	[sflag:s29] =	ssyncadd.s32 $0xFFFFFC00  }
0x2e: {  	_ =	swait.ge [sflag:s29], $0x400  }
0x2f: {  	[sflag:s29] =	ssyncset.done $0x0  }
0x30: {  	[sflag:s29] =	ssyncadd.s32 $0xFFFFFC00  }
0x31: {  	_ =	swait.ge [sflag:s29], $0x400  }
0x32: {  	[sflag:s29] =	ssyncset.done $0x0  }
0x33: {  	[sflag:s29] =	ssyncadd.s32 $0xFFFFFC00  }
0x34: {  	_ =	swait.ge [sflag:s29], $0x400  }
0x35: {  	[sflag:s29] =	ssyncset.done $0x0  }
0x36: {  	[sflag:s29] =	ssyncadd.s32 $0xFFFFFC00  }
0x37: {  	_ =	swait.ge [sflag:s29], $0x400  }
0x38: {  	[sflag:s29] =	ssyncset.done $0x0  }
0x39: {  	[sflag:s29] =	ssyncadd.s32 $0xFFFFFC00  }
0x3a: {  	_ =	swait.ge [sflag:s29], $0x400  }
0x3b: {  	[sflag:s29] =	ssyncset.done $0x0  }
0x3c: {  	[sflag:s29] =	ssyncadd.s32 $0xFFFFFC00  }
0x3d: {  	_ =	swait.ge [sflag:s29], $0x400  }
0x3e: {  	s1 =	rddreg [dreg:$0x8]  }
0x3f: {  	s0 =	rddreg [dreg:$0x7];
	s1 =	sadd.s32 $0x1, s1  }
0x40: {  	p0 =	sne.s32 s1, s0  }
.Ltmp1:
0x41: {  	_ = 	snop;
	(pc) =	sbr.rel @!p0 .LBB2_13-.Ltmp1, $3  }
0x42: {  	_ =	sdelay $0x1  }
0x43: {  	[sflag:s29] =	ssyncset.done $0x0  }
0x44: {  	s4 =	rddreg [dreg:$0x6];
	[sflag:s29] =	ssyncadd.s32 $0xFFFFFC00  }
.LBB2_1:
0x45: {  	[dreg:$0x8] =	wrdreg s1  }
0x46: {  	s0 =	rddreg [dreg:$0x4];
	s31 =	simm.s32 $0x7  }
0x47: {  	[tilespmem:s3], [sflag:$0x7] =	stream.linear.gather [hbm4b:s0+s3], $0x6400, $0x38;
	[tilespmem:$0x15600] =	vst v63  }
0x48: {  	_ =	swait.ge [sflag:s31], $0x6400  }
0x49: {  	[sflag:s31] =	ssyncset.done $0x0  }
0x4a: {  	s2 =	simm.s32 $0x6400;
	s5 =	rddreg [dreg:$0x3];
	[sflag:s31] =	ssyncadd.s32 $0xFFFF9C00  }
0x4b: {  	[tilespmem:s2], [sflag:$0x7] =	stream.linear.gather [hbm4b:s5+s3], $0x3200, $0x38;
	[tilespmem:$0x15600] =	vst v63  }
0x4c: {  	_ =	swait.ge [sflag:s31], $0x3200  }
0x4d: {  	[sflag:s31] =	ssyncset.done $0x0  }
0x4e: {  	s6 =	simm.s32 $0x80;
	s7 =	simm.s32 $0x9600;
	[sflag:s31] =	ssyncadd.s32 $0xFFFFCE00  }
0x4f: {  	[tilespmem:s7], [sflag:$0x1] =	stream.indirect.gather [hbm4b:s4+s6], $0x40, s3, s6, $0xb8;
	[tilespmem:$0x15600] =	vst v63  }
0x50: {  	s15 =	simm.s32 $0xB600  }
0x51: {  	[tilespmem:s15], [sflag:$0x2] =	stream.indirect.gather [hbm4b:s4+s6], $0x40, s6, s6, $0xb8;
	[tilespmem:$0x15600] =	vst v63  }
0x52: {  	s16 =	simm.s32 $0x100;
	s17 =	simm.s32 $0xD600  }
0x53: {  	[tilespmem:s17], [sflag:$0x3] =	stream.indirect.gather [hbm4b:s4+s6], $0x40, s16, s6, $0xb8;
	[tilespmem:$0x15600] =	vst v63  }
0x54: {  	s19 =	simm.s32 $0x180;
	s30 =	simm.s32 $0x0;
	s31 =	simm.s32 $0xF600  }
0x55: {  	[tilespmem:s31], [sflag:$0x4] =	stream.indirect.gather [hbm4b:s4+s6], $0x40, s19, s6, $0xb8;
	[tilespmem:$0x15600] =	vst v63  }
.LBB2_2:
0x56: {  	s1 =	simm.s32 $0x1  }
0x57: {  	_ =	swait.ge [sflag:s1], $0x2000  }
0x58: {  	s0 =	sshll.u32 s30, $0x8;
	[sflag:s1] =	ssyncset.done $0x0  }
0x59: {  	s0 =	sand.u32 $0x3FFFFF00, s0;
	[sflag:s1] =	ssyncadd.s32 $0xFFFFE000  }
0x5a: {  	v4 =	vld [tilespmem:s0+$0x6400]  }
0x5b: {  	v3 =	vld [tilespmem:s0+$0x6410]  }
0x5c: {  	p1 =	seq.s32 s30, $0x0;
	v2 =	vld [tilespmem:s0+$0x6420]  }
0x5d: {  	v1 =	vld [tilespmem:s0+$0x6430];
	s0 =	simm.s32 @!p1 $0x5  }
0x5e: {  	_ =	swait.ge @!p1 [sflag:s0], $0x400  }
0x5f: {  	[sflag:s0] =	ssyncset.done @!p1 $0x0  }
0x60: {  	[sflag:s0] =	ssyncadd.s32 @!p1 $0xFFFFFC00  }
0x61: {  	_ =	swait.ge @!p1 [sflag:s0], $0x400  }
0x62: {  	[sflag:s0] =	ssyncset.done @!p1 $0x0  }
0x63: {  	[sflag:s0] =	ssyncadd.s32 @!p1 $0xFFFFFC00  }
0x64: {  	_ =	swait.ge @!p1 [sflag:s0], $0x400  }
0x65: {  	[sflag:s0] =	ssyncset.done @!p1 $0x0  }
0x66: {  	[sflag:s0] =	ssyncadd.s32 @!p1 $0xFFFFFC00  }
0x67: {  	_ =	swait.ge @!p1 [sflag:s0], $0x400  }
0x68: {  	[sflag:s0] =	ssyncset.done @!p1 $0x0  }
0x69: {  	[sflag:s0] =	ssyncadd.s32 @!p1 $0xFFFFFC00  }
0x6a: {  	_ =	swait.ge @!p1 [sflag:s0], $0x400  }
0x6b: {  	[sflag:s0] =	ssyncset.done @!p1 $0x0  }
0x6c: {  	[sflag:s0] =	ssyncadd.s32 @!p1 $0xFFFFFC00  }
0x6d: {  	_ =	swait.ge @!p1 [sflag:s0], $0x400  }
0x6e: {  	[sflag:s0] =	ssyncset.done @!p1 $0x0  }
0x6f: {  	[sflag:s0] =	ssyncadd.s32 @!p1 $0xFFFFFC00  }
0x70: {  	_ =	swait.ge @!p1 [sflag:s0], $0x400  }
0x71: {  	[sflag:s0] =	ssyncset.done @!p1 $0x0  }
0x72: {  	[sflag:s0] =	ssyncadd.s32 @!p1 $0xFFFFFC00  }
0x73: {  	_ =	swait.ge @!p1 [sflag:s0], $0x400  }
0x74: {  	[sflag:s0] =	ssyncset.done @!p1 $0x0  }
0x75: {  	s6 =	simm.s32 $0x9680;
	[sflag:s0] =	ssyncadd.s32 @!p1 $0xFFFFFC00  }
0x76: {  	v5 =	vld [tilespmem:s6+$0x40]  }
0x77: {  	s2 =	simm.s32 $0x3  }
0x78: {  	v6 =	vor.u32 s2, v0;
	_ =	sdelay $0x1  }
0x79: {  	v7 =	vld [tilespmem:s6+$0xFFFFFF80]  }
0x7a: {  	s5 =	simm.s32 $0x0;
	v8 =	vld [tilespmem:s6+$0xFFFFFFC0];
	v5 =	vadd.f32 v5, v4  }
0x7b: {  	s7 =	simm.s32 $0x1;
	v10 =	vor.u32 s5, v0;
	v9 =	vld [tilespmem:s6+$0x0]  }
0x7c: {  	s15 =	simm.s32 $0x2;
	v11 =	vor.u32 s7, v0;
	[tilespmem:v6+s26+$0x0] =	vst.idx.msk $0xffff, v5  }
0x7d: {  	v5 =	vor.u32 s15, v0;
	v6 =	vld [tilespmem:s6+$0x50]  }
0x7e: {  	s16 =	simm.s32 $0x803;
	v7 =	vadd.f32 v7, v4  }
0x7f: {  	v12 =	vor.u32 s16, v0;
	v8 =	vadd.f32 v8, v4  }
0x80: {  	v9 =	vadd.f32 v9, v4;
	[tilespmem:v10+s26+$0x0] =	vst.idx.msk $0xffff, v7  }
0x81: {  	[tilespmem:v11+s26+$0x0] =	vst.idx.msk $0xffff, v8;
	v7 =	vld [tilespmem:s6+$0xFFFFFF90]  }
0x82: {  	s17 =	simm.s32 $0x800;
	v8 =	vld [tilespmem:s6+$0xFFFFFFD0];
	[tilespmem:v5+s26+$0x0] =	vst.idx.msk $0xffff, v9;
	v5 =	vadd.f32 v6, v3  }
0x83: {  	s19 =	simm.s32 $0x801;
	s0 =	simm.s32 $0x9780;
	v9 =	vor.u32 s17, v0;
	v6 =	vld [tilespmem:s6+$0x10]  }
0x84: {  	s2 =	simm.s32 $0x802;
	v10 =	vor.u32 s19, v0;
	[tilespmem:v12+s26+$0x0] =	vst.idx.msk $0xffff, v5;
	v5 =	vld [tilespmem:s0+$0x40]  }
0x85: {  	s5 =	simm.s32 $0x7;
	v11 =	vor.u32 s2, v0;
	v12 =	vld [tilespmem:s6+$0x60]  }
0x86: {  	s7 =	simm.s32 $0x1003;
	v14 =	vor.u32 s5, v0;
	v13 =	vld [tilespmem:s0+$0xFFFFFFC0];
	v7 =	vadd.f32 v7, v3  }
0x87: {  	v16 =	vor.u32 s7, v0;
	v15 =	vld [tilespmem:s0+$0x0];
	s2 =	simm.s32 $0x5;
	v8 =	vadd.f32 v8, v3  }
0x88: {  	s15 =	simm.s32 $0x6;
	[tilespmem:v9+s26+$0x0] =	vst.idx.msk $0xffff, v7;
	v7 =	vld [tilespmem:s0+$0xFFFFFF80];
	v9 =	vor.u32 s2, v0;
	v6 =	vadd.f32 v6, v3  }
0x89: {  	s1 =	simm.s32 $0x4;
	[tilespmem:v10+s26+$0x0] =	vst.idx.msk $0xffff, v8;
	v8 =	vor.u32 s15, v0;
	v10 =	vld [tilespmem:s6+$0xFFFFFFA0];
	v5 =	vadd.f32 v5, v4  }
0x8a: {  	s16 =	simm.s32 $0x1000;
	[tilespmem:v11+s26+$0x0] =	vst.idx.msk $0xffff, v6;
	v6 =	vor.u32 s1, v0;
	v11 =	vld [tilespmem:s6+$0xFFFFFFE0];
	v12 =	vadd.f32 v12, v2  }
0x8b: {  	v13 =	vadd.f32 v13, v4;
	s17 =	simm.s32 $0x1001;
	[tilespmem:v14+s26+$0x0] =	vst.idx.msk $0xffff, v5;
	v5 =	vor.u32 s16, v0;
	v14 =	vld [tilespmem:s6+$0x20]  }
0x8c: {  	v15 =	vadd.f32 v15, v4;
	s19 =	simm.s32 $0x1002;
	v18 =	vor.u32 s17, v0;
	v17 =	vld [tilespmem:s0+$0x50];
	[tilespmem:v16+s26+$0x0] =	vst.idx.msk $0xffff, v12  }
0x8d: {  	s5 =	simm.s32 $0x807;
	v7 =	vadd.f32 v7, v4;
	[tilespmem:v9+s26+$0x0] =	vst.idx.msk $0xffff, v13;
	v9 =	vor.u32 s19, v0;
	v12 =	vld [tilespmem:s6+$0x70]  }
0x8e: {  	s7 =	simm.s32 $0x1803;
	[tilespmem:v8+s26+$0x0] =	vst.idx.msk $0xffff, v15;
	v8 =	vor.u32 s5, v0;
	v16 =	vld [tilespmem:s0+$0xFFFFFFD0];
	v10 =	vadd.f32 v10, v2  }
0x8f: {  	s15 =	simm.s32 $0x805;
	v15 =	vor.u32 s7, v0;
	[tilespmem:v6+s26+$0x0] =	vst.idx.msk $0xffff, v7;
	v7 =	vld [tilespmem:s0+$0x10];
	v11 =	vadd.f32 v11, v2  }
0x90: {  	v20 =	vor.u32 s15, v0;
	s16 =	simm.s32 $0x806;
	v19 =	vld [tilespmem:s0+$0xFFFFFF90];
	[tilespmem:v5+s26+$0x0] =	vst.idx.msk $0xffff, v10;
	v10 =	vadd.f32 v14, v2  }
0x91: {  	s15 =	simm.s32 $0x804;
	v13 =	vor.u32 s16, v0;
	[tilespmem:v18+s26+$0x0] =	vst.idx.msk $0xffff, v11;
	v14 =	vadd.f32 v17, v3;
	v6 =	vld [tilespmem:s6+$0xFFFFFFB0]  }
0x92: {  	s17 =	simm.s32 $0x1800;
	v5 =	vld [tilespmem:s6+$0xFFFFFFF0];
	[tilespmem:v9+s26+$0x0] =	vst.idx.msk $0xffff, v10;
	v11 =	vadd.f32 v12, v1;
	v10 =	vor.u32 s15, v0  }
0x93: {  	s5 =	simm.s32 $0x9880;
	s19 =	simm.s32 $0x1801;
	v12 =	vadd.f32 v16, v3;
	v9 =	vor.u32 s17, v0;
	[tilespmem:v8+s26+$0x0] =	vst.idx.msk $0xffff, v14;
	v8 =	vld [tilespmem:s6+$0x30]  }
0x94: {  	s31 =	sshll.u32 s30, $0x2;
	s17 =	simm.s32 $0x1802;
	v14 =	vld [tilespmem:s5+$0x40];
	v16 =	vadd.f32 v7, v3;
	[tilespmem:v15+s26+$0x0] =	vst.idx.msk $0xffff, v11;
	v11 =	vor.u32 s19, v0  }
0x95: {  	s16 =	simm.s32 $0xB;
	s15 =	simm.s32 $0xC;
	s6 =	simm.s32 $0x8;
	v15 =	vadd.f32 v19, v3;
	[tilespmem:v20+s26+$0x0] =	vst.idx.msk $0xffff, v12;
	v7 =	vld [tilespmem:s0+$0x60];
	v12 =	vor.u32 s17, v0  }
.LBB2_3:
0x96: {  	p0 =	slt.u32 s15, $0x7C;
	v17 =	vld [tilespmem:s5+$0xFFFFFFC0];
	v18 =	vor.u32 s16, v0;
	[tilespmem:v13+s26+$0x0] =	vst.idx.msk $0xffff, v16;
	s2 =	sadd.s32 $0x1003, s1;
	v6 =	vadd.f32 v6, v1  }
0x97: {  	s16 =	sadd.s32 $0x1, s6;
	v13 =	vld [tilespmem:s5+$0x0];
	[tilespmem:v10+s26+$0x0] =	vst.idx.msk $0xffff, v15;
	v10 =	vor.u32 s2, v0;
	v5 =	vadd.f32 v5, v1  }
0x98: {  	v16 =	vor.u32 s16, v0;
	s2 =	sadd.s32 $0x2, s6;
	v15 =	vld [tilespmem:s5+$0xFFFFFF80];
	[tilespmem:v9+s26+$0x0] =	vst.idx.msk $0xffff, v6;
	v6 =	vadd.f32 v8, v1  }
0x99: {  	v8 =	vor.u32 s2, v0;
	v9 =	vadd.f32 v14, v4;
	v14 =	vld [tilespmem:s0+$0xFFFFFFA0];
	[tilespmem:v11+s26+$0x0] =	vst.idx.msk $0xffff, v5  }
0x9a: {  	s2 =	sadd.s32 $0x1000, s1;
	v5 =	vor.u32 s6, v0;
	v11 =	vld [tilespmem:s0+$0xFFFFFFE0];
	v7 =	vadd.f32 v7, v2;
	[tilespmem:v12+s26+$0x0] =	vst.idx.msk $0xffff, v6  }
0x9b: {  	v6 =	vadd.f32 v17, v4;
	[tilespmem:v18+s26+$0x0] =	vst.idx.msk $0xffff, v9;
	v9 =	vor.u32 s2, v0;
	s2 =	sadd.s32 $0x1001, s1;
	v12 =	vld [tilespmem:s0+$0x20]  }
0x9c: {  	v13 =	vadd.f32 v13, v4;
	v17 =	vld [tilespmem:s5+$0x50];
	v18 =	vor.u32 s2, v0;
	s2 =	sadd.s32 $0x1002, s1;
	[tilespmem:v10+s26+$0x0] =	vst.idx.msk $0xffff, v7  }
0x9d: {  	s16 =	sadd.s32 $0x803, s6;
	v7 =	vadd.f32 v15, v4;
	[tilespmem:v16+s26+$0x0] =	vst.idx.msk $0xffff, v6;
	v15 =	vor.u32 s2, v0;
	v16 =	vld [tilespmem:s0+$0x70]  }
0x9e: {  	s2 =	sadd.s32 $0x1803, s1;
	v19 =	vld [tilespmem:s5+$0xFFFFFFD0];
	[tilespmem:v8+s26+$0x0] =	vst.idx.msk $0xffff, v13;
	v8 =	vor.u32 s16, v0;
	v6 =	vadd.f32 v14, v2  }
0x9f: {  	s16 =	sadd.s32 $0x801, s6;
	v20 =	vor.u32 s2, v0;
	[tilespmem:v5+s26+$0x0] =	vst.idx.msk $0xffff, v7;
	v7 =	vld [tilespmem:s5+$0x10];
	v5 =	vadd.f32 v11, v2  }
0xa0: {  	s2 =	sadd.s32 $0x802, s6;
	v22 =	vor.u32 s16, v0;
	v21 =	vld [tilespmem:s5+$0xFFFFFF90];
	[tilespmem:v9+s26+$0x0] =	vst.idx.msk $0xffff, v6;
	v9 =	vadd.f32 v12, v2  }
.Ltmp2:
0xa1: {  	s16 =	sadd.s32 $0x800, s6;
	v13 =	vor.u32 s2, v0;
	v11 =	vadd.f32 v17, v3;
	v6 =	vld [tilespmem:s0+$0xFFFFFFB0];
	[tilespmem:v18+s26+$0x0] =	vst.idx.msk $0xffff, v5;
	(pc) =	sbr.rel @p0 .LBB2_3-.Ltmp2, $4  }
0xa2: {  	s2 =	sadd.s32 $0x1800, s1;
	v10 =	vor.u32 s16, v0;
	v5 =	vld [tilespmem:s0+$0xFFFFFFF0];
	[tilespmem:v15+s26+$0x0] =	vst.idx.msk $0xffff, v9;
	v12 =	vadd.f32 v16, v1  }
0xa3: {  	v9 =	vor.u32 s2, v0;
	s2 =	sadd.s32 $0x1801, s1;
	v17 =	vadd.f32 v19, v3;
	[tilespmem:v8+s26+$0x0] =	vst.idx.msk $0xffff, v11;
	v8 =	vld [tilespmem:s0+$0x30];
	s0 =	smov.u32 s5;
	s5 =	sadd.s32 $0x100, s5  }
0xa4: {  	v11 =	vor.u32 s2, v0;
	s2 =	sadd.s32 $0x1802, s1;
	s1 =	smov.u32 s6;
	s6 =	smov.u32 s15;
	v14 =	vld [tilespmem:s5+$0x40];
	v16 =	vadd.f32 v7, v3;
	[tilespmem:v20+s26+$0x0] =	vst.idx.msk $0xffff, v12  }
0xa5: {  	s15 =	sadd.s32 $0x4, s15;
	s16 =	sadd.s32 $0x3, s6;
	v12 =	vor.u32 s2, v0;
	v15 =	vadd.f32 v21, v3;
	[tilespmem:v22+s26+$0x0] =	vst.idx.msk $0xffff, v17;
	v7 =	vld [tilespmem:s0+$0x60]  }
0xa6: {  	v17 =	vld [tilespmem:s5+$0xFFFFFF80]  }
0xa7: {  	v18 =	vld [tilespmem:s5+$0xFFFFFFC0];
	v19 =	vor.u32 s16, v0  }
0xa8: {  	s2 =	sadd.s32 $0x1, s6;
	v20 =	vld [tilespmem:s5+$0x0];
	v21 =	vor.u32 s6, v0  }
0xa9: {  	s17 =	sadd.s32 $0x2, s6;
	v22 =	vor.u32 s2, v0  }
0xaa: {  	v23 =	vor.u32 s17, v0;
	v14 =	vadd.f32 v14, v4  }
0xab: {  	[tilespmem:v13+s26+$0x0] =	vst.idx.msk $0xffff, v16;
	v13 =	vadd.f32 v17, v4  }
0xac: {  	[tilespmem:v19+s26+$0x0] =	vst.idx.msk $0xffff, v14;
	v14 =	vadd.f32 v18, v4  }
0xad: {  	v4 =	vadd.f32 v20, v4;
	[tilespmem:v21+s26+$0x0] =	vst.idx.msk $0xffff, v13;
	v13 =	vld [tilespmem:s5+$0x50]  }
0xae: {  	s19 =	sadd.s32 $0x803, s6;
	[tilespmem:v22+s26+$0x0] =	vst.idx.msk $0xffff, v14;
	v14 =	vld [tilespmem:s5+$0xFFFFFF90]  }
0xaf: {  	v6 =	vadd.f32 v6, v1;
	s7 =	sadd.s32 $0x800, s6;
	[tilespmem:v23+s26+$0x0] =	vst.idx.msk $0xffff, v4;
	v4 =	vor.u32 s19, v0;
	v16 =	vld [tilespmem:s5+$0xFFFFFFD0]  }
0xb0: {  	s15 =	sadd.s32 $0x801, s6;
	[tilespmem:v10+s26+$0x0] =	vst.idx.msk $0xffff, v15;
	v5 =	vadd.f32 v5, v1;
	v15 =	vor.u32 s7, v0;
	v10 =	vld [tilespmem:s5+$0x10]  }
0xb1: {  	[tilespmem:v9+s26+$0x0] =	vst.idx.msk $0xffff, v6;
	v6 =	vadd.f32 v8, v1;
	v8 =	vor.u32 s15, v0;
	s15 =	sadd.s32 $0x802, s6  }
0xb2: {  	s16 =	sadd.s32 $0x1003, s1;
	v9 =	vld [tilespmem:s0+$0xFFFFFFA0];
	[tilespmem:v11+s26+$0x0] =	vst.idx.msk $0xffff, v5;
	v5 =	vor.u32 s15, v0;
	v11 =	vadd.f32 v13, v3  }
0xb3: {  	s17 =	sadd.s32 $0x1000, s1;
	[tilespmem:v12+s26+$0x0] =	vst.idx.msk $0xffff, v6;
	v17 =	vld [tilespmem:s0+$0xFFFFFFE0];
	v13 =	vor.u32 s16, v0;
	v6 =	vadd.f32 v14, v3  }
0xb4: {  	v12 =	vor.u32 s17, v0;
	s19 =	sadd.s32 $0x1001, s1;
	v14 =	vld [tilespmem:s0+$0x20];
	v16 =	vadd.f32 v16, v3;
	[tilespmem:v4+s26+$0x0] =	vst.idx.msk $0xffff, v11  }
0xb5: {  	s7 =	sadd.s32 $0x1002, s1;
	v3 =	vadd.f32 v10, v3;
	v4 =	vor.u32 s19, v0;
	v10 =	vld [tilespmem:s5+$0x60];
	[tilespmem:v15+s26+$0x0] =	vst.idx.msk $0xffff, v6  }
0xb6: {  	s15 =	sadd.s32 $0x1003, s6;
	v6 =	vadd.f32 v7, v2;
	v7 =	vor.u32 s7, v0;
	[tilespmem:v8+s26+$0x0] =	vst.idx.msk $0xffff, v16;
	v8 =	vld [tilespmem:s5+$0xFFFFFFA0]  }
0xb7: {  	v9 =	vadd.f32 v9, v2;
	s16 =	sadd.s32 $0x1000, s6;
	[tilespmem:v5+s26+$0x0] =	vst.idx.msk $0xffff, v3;
	v3 =	vor.u32 s15, v0;
	v5 =	vld [tilespmem:s5+$0xFFFFFFE0]  }
0xb8: {  	s17 =	sadd.s32 $0x1001, s6;
	v11 =	vor.u32 s16, v0;
	[tilespmem:v13+s26+$0x0] =	vst.idx.msk $0xffff, v6;
	v6 =	vadd.f32 v17, v2;
	v13 =	vld [tilespmem:s5+$0x20]  }
0xb9: {  	[tilespmem:v12+s26+$0x0] =	vst.idx.msk $0xffff, v9;
	v12 =	vor.u32 s17, v0;
	s19 =	sadd.s32 $0x1002, s6;
	v15 =	vld [tilespmem:s0+$0x70];
	v9 =	vadd.f32 v14, v2  }
0xba: {  	s7 =	sadd.s32 $0x1803, s1;
	v14 =	vld [tilespmem:s0+$0xFFFFFFB0];
	[tilespmem:v4+s26+$0x0] =	vst.idx.msk $0xffff, v6;
	v6 =	vor.u32 s19, v0;
	v4 =	vadd.f32 v10, v2  }
0xbb: {  	s16 =	sadd.s32 $0x1800, s1;
	v10 =	vor.u32 s7, v0;
	v16 =	vld [tilespmem:s0+$0xFFFFFFF0];
	[tilespmem:v7+s26+$0x0] =	vst.idx.msk $0xffff, v9;
	v7 =	vadd.f32 v8, v2  }
0xbc: {  	s17 =	sadd.s32 $0x1801, s1;
	v8 =	vor.u32 s16, v0;
	v9 =	vld [tilespmem:s0+$0x30];
	[tilespmem:v3+s26+$0x0] =	vst.idx.msk $0xffff, v4;
	v3 =	vadd.f32 v5, v2  }
0xbd: {  	s19 =	sadd.s32 $0x1802, s1;
	v4 =	vor.u32 s17, v0;
	v2 =	vadd.f32 v13, v2;
	v5 =	vld [tilespmem:s5+$0x70];
	[tilespmem:v11+s26+$0x0] =	vst.idx.msk $0xffff, v7  }
0xbe: {  	s1 =	sadd.s32 $0x1803, s6;
	v7 =	vadd.f32 v15, v1;
	v11 =	vor.u32 s19, v0;
	v13 =	vld [tilespmem:s5+$0xFFFFFFB0];
	[tilespmem:v12+s26+$0x0] =	vst.idx.msk $0xffff, v3  }
0xbf: {  	s2 =	sadd.s32 $0x1800, s6;
	v3 =	vadd.f32 v14, v1;
	v12 =	vor.u32 s1, v0;
	[tilespmem:v6+s26+$0x0] =	vst.idx.msk $0xffff, v2  }
0xc0: {  	v6 =	vor.u32 s2, v0;
	[tilespmem:v10+s26+$0x0] =	vst.idx.msk $0xffff, v7;
	v2 =	vadd.f32 v16, v1  }
0xc1: {  	v14 =	vld [tilespmem:s5+$0xFFFFFFF0];
	[tilespmem:v8+s26+$0x0] =	vst.idx.msk $0xffff, v3;
	v3 =	vadd.f32 v9, v1  }
0xc2: {  	s7 =	sadd.s32 $0x1801, s6;
	v7 =	vld [tilespmem:s5+$0x30];
	[tilespmem:v4+s26+$0x0] =	vst.idx.msk $0xffff, v2;
	v2 =	vadd.f32 v5, v1  }
0xc3: {  	s15 =	sadd.s32 $0x1802, s6;
	v8 =	vor.u32 s7, v0;
	[tilespmem:v11+s26+$0x0] =	vst.idx.msk $0xffff, v3;
	v3 =	vadd.f32 v13, v1  }
0xc4: {  	v4 =	vor.u32 s15, v0;
	[tilespmem:v12+s26+$0x0] =	vst.idx.msk $0xffff, v2  }
0xc5: {  	[tilespmem:v6+s26+$0x0] =	vst.idx.msk $0xffff, v3  }
0xc6: {  	s16 =	sshll.u32 s30, $0x14;
	v2 =	vadd.f32 v14, v1;
	s17 =	rddreg [dreg:$0x5]  }
0xc7: {  	v1 =	vadd.f32 v7, v1;
	s0 =	sor.u32 s17, s16  }
0xc8: {  	[tilespmem:v8+s26+$0x0] =	vst.idx.msk $0xffff, v2;
	s0 =	sshrl.u32 s0, $0x3  }
0xc9: {  	[tilespmem:v4+s26+$0x0] =	vst.idx.msk $0xffff, v1;
	s19 =	sadd.s32 s28, s0  }
0xca: {  	[hbm4b:s19+s3] =	stream.linear.scatter [tilespmem:s26], [sflag:$0x5], $0x400, $0x38;
	[tilespmem:$0x15600] =	vst v63  }
0xcb: {  	s5 =	simm.s32 $0x11A00;
	s2 =	sadd.s32 s0, s8  }
0xcc: {  	[hbm4b:s2+s3] =	stream.linear.scatter [tilespmem:s5], [sflag:$0x5], $0x400, $0x38;
	[tilespmem:$0x15600] =	vst v63  }
0xcd: {  	s7 =	simm.s32 $0x11E00;
	s6 =	sadd.s32 s0, s9  }
0xce: {  	[hbm4b:s6+s3] =	stream.linear.scatter [tilespmem:s7], [sflag:$0x5], $0x400, $0x38;
	[tilespmem:$0x15600] =	vst v63  }
0xcf: {  	s16 =	simm.s32 $0x12200;
	s15 =	sadd.s32 s0, s10  }
0xd0: {  	[hbm4b:s15+s3] =	stream.linear.scatter [tilespmem:s16], [sflag:$0x5], $0x400, $0x38;
	[tilespmem:$0x15600] =	vst v63  }
0xd1: {  	s17 =	sadd.s32 s0, s11;
	s19 =	simm.s32 $0x12600  }
0xd2: {  	[hbm4b:s17+s3] =	stream.linear.scatter [tilespmem:s19], [sflag:$0x5], $0x400, $0x38;
	[tilespmem:$0x15600] =	vst v63  }
0xd3: {  	s2 =	sadd.s32 s0, s12;
	s5 =	simm.s32 $0x12A00  }
0xd4: {  	[hbm4b:s2+s3] =	stream.linear.scatter [tilespmem:s5], [sflag:$0x5], $0x400, $0x38;
	[tilespmem:$0x15600] =	vst v63  }
0xd5: {  	s6 =	sadd.s32 s0, s13;
	s7 =	simm.s32 $0x12E00  }
0xd6: {  	[hbm4b:s6+s3] =	stream.linear.scatter [tilespmem:s7], [sflag:$0x5], $0x400, $0x38;
	[tilespmem:$0x15600] =	vst v63  }
0xd7: {  	p0 =	seq.s32 s30, $0x31;
	s0 =	sadd.s32 s0, s14;
	s15 =	simm.s32 $0x13200  }
0xd8: {  	[hbm4b:s0+s3] =	stream.linear.scatter [tilespmem:s15], [sflag:$0x5], $0x400, $0x38;
	[tilespmem:$0x15600] =	vst v63  }
0xd9: {  	s0 =	sshll.u32 @!p0 s30, $0x9  }
0xda: {  	s16 =	simm.s32 $0x2;
	s1 =	sand.u32 @!p0 $0x3FFFFE00, s0  }
0xdb: {  	s2 =	simm.s32 @!p0 $0x80;
	s5 =	simm.s32 @!p0 $0x9600;
	s0 =	sadd.s32 @!p0 $0x200, s1  }
0xdc: {  	[tilespmem:s5], [sflag:$0x1] =	stream.indirect.gather @!p0 [hbm4b:s4+s2], $0x40, s0, s2, $0xb8;
	[tilespmem:$0x15600] =	vst v63  }
0xdd: {  	s0 =	sor.u32 $0x1, s31;
	_ =	swait.ge [sflag:s16], $0x2000  }
0xde: {  	s17 =	sshll.u32 s0, $0x6;
	[sflag:s16] =	ssyncset.done $0x0  }
0xdf: {  	s2 =	sand.u32 $0x3FFFFFC0, s17;
	[sflag:s16] =	ssyncadd.s32 $0xFFFFE000  }
0xe0: {  	v4 =	vld [tilespmem:s2+$0x6400]  }
0xe1: {  	v3 =	vld [tilespmem:s2+$0x6410]  }
0xe2: {  	v2 =	vld [tilespmem:s2+$0x6420]  }
0xe3: {  	v1 =	vld [tilespmem:s2+$0x6430];
	s2 =	simm.s32 @!p1 $0x6  }
0xe4: {  	_ =	swait.ge @!p1 [sflag:s2], $0x400  }
0xe5: {  	[sflag:s2] =	ssyncset.done @!p1 $0x0  }
0xe6: {  	[sflag:s2] =	ssyncadd.s32 @!p1 $0xFFFFFC00  }
0xe7: {  	_ =	swait.ge @!p1 [sflag:s2], $0x400  }
0xe8: {  	[sflag:s2] =	ssyncset.done @!p1 $0x0  }
0xe9: {  	[sflag:s2] =	ssyncadd.s32 @!p1 $0xFFFFFC00  }
0xea: {  	_ =	swait.ge @!p1 [sflag:s2], $0x400  }
0xeb: {  	[sflag:s2] =	ssyncset.done @!p1 $0x0  }
0xec: {  	[sflag:s2] =	ssyncadd.s32 @!p1 $0xFFFFFC00  }
0xed: {  	_ =	swait.ge @!p1 [sflag:s2], $0x400  }
0xee: {  	[sflag:s2] =	ssyncset.done @!p1 $0x0  }
0xef: {  	[sflag:s2] =	ssyncadd.s32 @!p1 $0xFFFFFC00  }
0xf0: {  	_ =	swait.ge @!p1 [sflag:s2], $0x400  }
0xf1: {  	[sflag:s2] =	ssyncset.done @!p1 $0x0  }
0xf2: {  	[sflag:s2] =	ssyncadd.s32 @!p1 $0xFFFFFC00  }
0xf3: {  	_ =	swait.ge @!p1 [sflag:s2], $0x400  }
0xf4: {  	[sflag:s2] =	ssyncset.done @!p1 $0x0  }
0xf5: {  	[sflag:s2] =	ssyncadd.s32 @!p1 $0xFFFFFC00  }
0xf6: {  	_ =	swait.ge @!p1 [sflag:s2], $0x400  }
0xf7: {  	[sflag:s2] =	ssyncset.done @!p1 $0x0  }
0xf8: {  	[sflag:s2] =	ssyncadd.s32 @!p1 $0xFFFFFC00  }
0xf9: {  	_ =	swait.ge @!p1 [sflag:s2], $0x400  }
0xfa: {  	[sflag:s2] =	ssyncset.done @!p1 $0x0  }
0xfb: {  	s15 =	simm.s32 $0xB680;
	[sflag:s2] =	ssyncadd.s32 @!p1 $0xFFFFFC00  }
0xfc: {  	v5 =	vld [tilespmem:s15+$0x40]  }
0xfd: {  	s19 =	simm.s32 $0x3  }
0xfe: {  	v6 =	vor.u32 s19, v0;
	_ =	sdelay $0x1  }
0xff: {  	v7 =	vld [tilespmem:s15+$0xFFFFFF80]  }
0x100: {  	s5 =	simm.s32 $0x0;
	v8 =	vld [tilespmem:s15+$0xFFFFFFC0];
	v5 =	vadd.f32 v5, v4  }
0x101: {  	s6 =	simm.s32 $0x1;
	v10 =	vor.u32 s5, v0;
	v9 =	vld [tilespmem:s15+$0x0]  }
0x102: {  	s7 =	simm.s32 $0x2;
	v11 =	vor.u32 s6, v0;
	[tilespmem:v6+s20+$0x0] =	vst.idx.msk $0xffff, v5  }
0x103: {  	v5 =	vor.u32 s7, v0;
	v6 =	vld [tilespmem:s15+$0x50]  }
0x104: {  	s16 =	simm.s32 $0x803;
	v7 =	vadd.f32 v7, v4  }
0x105: {  	v12 =	vor.u32 s16, v0;
	v8 =	vadd.f32 v8, v4  }
0x106: {  	v9 =	vadd.f32 v9, v4;
	[tilespmem:v10+s20+$0x0] =	vst.idx.msk $0xffff, v7  }
0x107: {  	[tilespmem:v11+s20+$0x0] =	vst.idx.msk $0xffff, v8;
	v7 =	vld [tilespmem:s15+$0xFFFFFF90]  }
0x108: {  	s17 =	simm.s32 $0x800;
	v8 =	vld [tilespmem:s15+$0xFFFFFFD0];
	[tilespmem:v5+s20+$0x0] =	vst.idx.msk $0xffff, v9;
	v5 =	vadd.f32 v6, v3  }
0x109: {  	s19 =	simm.s32 $0x801;
	v9 =	vor.u32 s17, v0;
	s17 =	simm.s32 $0xB780;
	v6 =	vld [tilespmem:s15+$0x10]  }
0x10a: {  	s5 =	simm.s32 $0x802;
	v10 =	vor.u32 s19, v0;
	[tilespmem:v12+s20+$0x0] =	vst.idx.msk $0xffff, v5;
	v5 =	vld [tilespmem:s17+$0x40]  }
0x10b: {  	s6 =	simm.s32 $0x7;
	v11 =	vor.u32 s5, v0;
	v12 =	vld [tilespmem:s15+$0x60]  }
0x10c: {  	v14 =	vor.u32 s6, v0;
	s7 =	simm.s32 $0x1003;
	v7 =	vadd.f32 v7, v3;
	v13 =	vld [tilespmem:s17+$0xFFFFFFC0]  }
0x10d: {  	s16 =	simm.s32 $0x5;
	v16 =	vor.u32 s7, v0;
	v8 =	vadd.f32 v8, v3;
	v15 =	vld [tilespmem:s17+$0x0]  }
0x10e: {  	s19 =	simm.s32 $0x6;
	[tilespmem:v9+s20+$0x0] =	vst.idx.msk $0xffff, v7;
	v7 =	vld [tilespmem:s17+$0xFFFFFF80];
	v9 =	vor.u32 s16, v0;
	v6 =	vadd.f32 v6, v3  }
0x10f: {  	s5 =	simm.s32 $0x4;
	[tilespmem:v10+s20+$0x0] =	vst.idx.msk $0xffff, v8;
	v8 =	vor.u32 s19, v0;
	v10 =	vld [tilespmem:s15+$0xFFFFFFA0];
	v5 =	vadd.f32 v5, v4  }
0x110: {  	s6 =	simm.s32 $0x1000;
	[tilespmem:v11+s20+$0x0] =	vst.idx.msk $0xffff, v6;
	v6 =	vor.u32 s5, v0;
	v11 =	vld [tilespmem:s15+$0xFFFFFFE0];
	v12 =	vadd.f32 v12, v2  }
0x111: {  	s7 =	simm.s32 $0x1001;
	v13 =	vadd.f32 v13, v4;
	[tilespmem:v14+s20+$0x0] =	vst.idx.msk $0xffff, v5;
	v5 =	vor.u32 s6, v0;
	v14 =	vld [tilespmem:s15+$0x20]  }
0x112: {  	v18 =	vor.u32 s7, v0;
	s16 =	simm.s32 $0x1002;
	v15 =	vadd.f32 v15, v4;
	v17 =	vld [tilespmem:s17+$0x50];
	[tilespmem:v16+s20+$0x0] =	vst.idx.msk $0xffff, v12  }
0x113: {  	s19 =	simm.s32 $0x807;
	v7 =	vadd.f32 v7, v4;
	[tilespmem:v9+s20+$0x0] =	vst.idx.msk $0xffff, v13;
	v9 =	vor.u32 s16, v0;
	v12 =	vld [tilespmem:s15+$0x70]  }
0x114: {  	[tilespmem:v8+s20+$0x0] =	vst.idx.msk $0xffff, v15;
	v8 =	vor.u32 s19, v0;
	s6 =	simm.s32 $0x1803;
	v16 =	vld [tilespmem:s17+$0xFFFFFFD0];
	v10 =	vadd.f32 v10, v2  }
0x115: {  	s7 =	simm.s32 $0x805;
	v15 =	vor.u32 s6, v0;
	[tilespmem:v6+s20+$0x0] =	vst.idx.msk $0xffff, v7;
	v7 =	vld [tilespmem:s17+$0x10];
	v11 =	vadd.f32 v11, v2  }
0x116: {  	v63 =	vor.u32 s7, v0;
	s16 =	simm.s32 $0x806;
	v19 =	vld [tilespmem:s17+$0xFFFFFF90];
	[tilespmem:v5+s20+$0x0] =	vst.idx.msk $0xffff, v10;
	v10 =	vadd.f32 v14, v2  }
0x117: {  	s19 =	simm.s32 $0x804;
	v13 =	vor.u32 s16, v0;
	[tilespmem:v18+s20+$0x0] =	vst.idx.msk $0xffff, v11;
	v14 =	vadd.f32 v17, v3;
	v6 =	vld [tilespmem:s15+$0xFFFFFFB0]  }
0x118: {  	s7 =	simm.s32 $0x1800;
	v5 =	vld [tilespmem:s15+$0xFFFFFFF0];
	[tilespmem:v9+s20+$0x0] =	vst.idx.msk $0xffff, v10;
	v11 =	vadd.f32 v12, v1;
	v10 =	vor.u32 s19, v0  }
0x119: {  	s6 =	simm.s32 $0xB880;
	v17 =	vadd.f32 v16, v3;
	v9 =	vor.u32 s7, v0;
	s19 =	simm.s32 $0x1801;
	[tilespmem:v8+s20+$0x0] =	vst.idx.msk $0xffff, v14;
	v8 =	vld [tilespmem:s15+$0x30]  }
0x11a: {  	s7 =	simm.s32 $0x1802;
	v14 =	vld [tilespmem:s6+$0x40];
	v16 =	vadd.f32 v7, v3;
	[tilespmem:v15+s20+$0x0] =	vst.idx.msk $0xffff, v11;
	v11 =	vor.u32 s19, v0  }
0x11b: {  	s16 =	simm.s32 $0xC;
	s15 =	simm.s32 $0x8;
	v12 =	vor.u32 s7, v0;
	[tilespmem:v63+s20+$0x0] =	vst.idx.msk $0xffff, v17;
	s19 =	simm.s32 $0xB;
	v15 =	vadd.f32 v19, v3;
	v7 =	vld [tilespmem:s17+$0x60]  }
.LBB2_5:
0x11c: {  	p1 =	slt.u32 s16, $0x7C;
	v17 =	vld [tilespmem:s6+$0xFFFFFFC0];
	v18 =	vor.u32 s19, v0;
	[tilespmem:v13+s20+$0x0] =	vst.idx.msk $0xffff, v16;
	s2 =	sadd.s32 $0x1003, s5;
	v6 =	vadd.f32 v6, v1  }
0x11d: {  	s19 =	sadd.s32 $0x1, s15;
	v13 =	vld [tilespmem:s6+$0x0];
	[tilespmem:v10+s20+$0x0] =	vst.idx.msk $0xffff, v15;
	v10 =	vor.u32 s2, v0;
	v5 =	vadd.f32 v5, v1  }
0x11e: {  	v16 =	vor.u32 s19, v0;
	s2 =	sadd.s32 $0x2, s15;
	v15 =	vld [tilespmem:s6+$0xFFFFFF80];
	[tilespmem:v9+s20+$0x0] =	vst.idx.msk $0xffff, v6;
	v6 =	vadd.f32 v8, v1  }
0x11f: {  	v8 =	vor.u32 s2, v0;
	v9 =	vadd.f32 v14, v4;
	v14 =	vld [tilespmem:s17+$0xFFFFFFA0];
	[tilespmem:v11+s20+$0x0] =	vst.idx.msk $0xffff, v5  }
0x120: {  	s2 =	sadd.s32 $0x1000, s5;
	v5 =	vor.u32 s15, v0;
	v11 =	vld [tilespmem:s17+$0xFFFFFFE0];
	v7 =	vadd.f32 v7, v2;
	[tilespmem:v12+s20+$0x0] =	vst.idx.msk $0xffff, v6  }
0x121: {  	v6 =	vadd.f32 v17, v4;
	[tilespmem:v18+s20+$0x0] =	vst.idx.msk $0xffff, v9;
	v9 =	vor.u32 s2, v0;
	s2 =	sadd.s32 $0x1001, s5;
	v12 =	vld [tilespmem:s17+$0x20]  }
0x122: {  	v13 =	vadd.f32 v13, v4;
	v17 =	vld [tilespmem:s6+$0x50];
	v18 =	vor.u32 s2, v0;
	s2 =	sadd.s32 $0x1002, s5;
	[tilespmem:v10+s20+$0x0] =	vst.idx.msk $0xffff, v7  }
0x123: {  	s19 =	sadd.s32 $0x803, s15;
	v7 =	vadd.f32 v15, v4;
	[tilespmem:v16+s20+$0x0] =	vst.idx.msk $0xffff, v6;
	v15 =	vor.u32 s2, v0;
	v16 =	vld [tilespmem:s17+$0x70]  }
0x124: {  	s2 =	sadd.s32 $0x1803, s5;
	v19 =	vld [tilespmem:s6+$0xFFFFFFD0];
	[tilespmem:v8+s20+$0x0] =	vst.idx.msk $0xffff, v13;
	v8 =	vor.u32 s19, v0;
	v6 =	vadd.f32 v14, v2  }
0x125: {  	s19 =	sadd.s32 $0x801, s15;
	v20 =	vor.u32 s2, v0;
	[tilespmem:v5+s20+$0x0] =	vst.idx.msk $0xffff, v7;
	v7 =	vld [tilespmem:s6+$0x10];
	v5 =	vadd.f32 v11, v2  }
0x126: {  	s2 =	sadd.s32 $0x802, s15;
	v22 =	vor.u32 s19, v0;
	v21 =	vld [tilespmem:s6+$0xFFFFFF90];
	[tilespmem:v9+s20+$0x0] =	vst.idx.msk $0xffff, v6;
	v9 =	vadd.f32 v12, v2  }
.Ltmp3:
0x127: {  	s19 =	sadd.s32 $0x800, s15;
	v13 =	vor.u32 s2, v0;
	v11 =	vadd.f32 v17, v3;
	v6 =	vld [tilespmem:s17+$0xFFFFFFB0];
	[tilespmem:v18+s20+$0x0] =	vst.idx.msk $0xffff, v5;
	(pc) =	sbr.rel @p1 .LBB2_5-.Ltmp3, $4  }
0x128: {  	s2 =	sadd.s32 $0x1800, s5;
	v10 =	vor.u32 s19, v0;
	v5 =	vld [tilespmem:s17+$0xFFFFFFF0];
	[tilespmem:v15+s20+$0x0] =	vst.idx.msk $0xffff, v9;
	v12 =	vadd.f32 v16, v1  }
0x129: {  	v9 =	vor.u32 s2, v0;
	s2 =	sadd.s32 $0x1801, s5;
	v17 =	vadd.f32 v19, v3;
	[tilespmem:v8+s20+$0x0] =	vst.idx.msk $0xffff, v11;
	v8 =	vld [tilespmem:s17+$0x30];
	s17 =	smov.u32 s6;
	s6 =	sadd.s32 $0x100, s6  }
0x12a: {  	v11 =	vor.u32 s2, v0;
	s2 =	sadd.s32 $0x1802, s5;
	s5 =	smov.u32 s15;
	s15 =	smov.u32 s16;
	v14 =	vld [tilespmem:s6+$0x40];
	v16 =	vadd.f32 v7, v3;
	[tilespmem:v20+s20+$0x0] =	vst.idx.msk $0xffff, v12  }
0x12b: {  	s16 =	sadd.s32 $0x4, s16;
	s19 =	sadd.s32 $0x3, s15;
	v12 =	vor.u32 s2, v0;
	v15 =	vadd.f32 v21, v3;
	[tilespmem:v22+s20+$0x0] =	vst.idx.msk $0xffff, v17;
	v7 =	vld [tilespmem:s17+$0x60]  }
0x12c: {  	v17 =	vld [tilespmem:s6+$0xFFFFFF80]  }
0x12d: {  	v18 =	vld [tilespmem:s6+$0xFFFFFFC0];
	v19 =	vor.u32 s19, v0  }
0x12e: {  	s2 =	sadd.s32 $0x1, s15;
	v20 =	vld [tilespmem:s6+$0x0];
	v21 =	vor.u32 s15, v0  }
0x12f: {  	s16 =	sadd.s32 $0x2, s15;
	v22 =	vor.u32 s2, v0  }
0x130: {  	v23 =	vor.u32 s16, v0;
	v14 =	vadd.f32 v14, v4  }
0x131: {  	[tilespmem:v13+s20+$0x0] =	vst.idx.msk $0xffff, v16;
	v13 =	vadd.f32 v17, v4  }
0x132: {  	[tilespmem:v19+s20+$0x0] =	vst.idx.msk $0xffff, v14;
	v14 =	vadd.f32 v18, v4  }
0x133: {  	v4 =	vadd.f32 v20, v4;
	[tilespmem:v21+s20+$0x0] =	vst.idx.msk $0xffff, v13;
	v13 =	vld [tilespmem:s6+$0x50]  }
0x134: {  	s19 =	sadd.s32 $0x803, s15;
	[tilespmem:v22+s20+$0x0] =	vst.idx.msk $0xffff, v14;
	v14 =	vld [tilespmem:s6+$0xFFFFFF90]  }
0x135: {  	v6 =	vadd.f32 v6, v1;
	s7 =	sadd.s32 $0x800, s15;
	[tilespmem:v23+s20+$0x0] =	vst.idx.msk $0xffff, v4;
	v4 =	vor.u32 s19, v0;
	v16 =	vld [tilespmem:s6+$0xFFFFFFD0]  }
0x136: {  	[tilespmem:v10+s20+$0x0] =	vst.idx.msk $0xffff, v15;
	v5 =	vadd.f32 v5, v1;
	s16 =	sadd.s32 $0x801, s15;
	v15 =	vor.u32 s7, v0;
	v10 =	vld [tilespmem:s6+$0x10]  }
0x137: {  	[tilespmem:v9+s20+$0x0] =	vst.idx.msk $0xffff, v6;
	v6 =	vadd.f32 v8, v1;
	v8 =	vor.u32 s16, v0;
	s19 =	sadd.s32 $0x802, s15  }
0x138: {  	s7 =	sadd.s32 $0x1003, s5;
	v9 =	vld [tilespmem:s17+$0xFFFFFFA0];
	[tilespmem:v11+s20+$0x0] =	vst.idx.msk $0xffff, v5;
	v5 =	vor.u32 s19, v0;
	v11 =	vadd.f32 v13, v3  }
0x139: {  	s16 =	sadd.s32 $0x1000, s5;
	[tilespmem:v12+s20+$0x0] =	vst.idx.msk $0xffff, v6;
	v17 =	vld [tilespmem:s17+$0xFFFFFFE0];
	v13 =	vor.u32 s7, v0;
	v6 =	vadd.f32 v14, v3  }
0x13a: {  	v12 =	vor.u32 s16, v0;
	s19 =	sadd.s32 $0x1001, s5;
	v14 =	vld [tilespmem:s17+$0x20];
	v16 =	vadd.f32 v16, v3;
	[tilespmem:v4+s20+$0x0] =	vst.idx.msk $0xffff, v11  }
0x13b: {  	s7 =	sadd.s32 $0x1002, s5;
	v3 =	vadd.f32 v10, v3;
	v4 =	vor.u32 s19, v0;
	v10 =	vld [tilespmem:s6+$0x60];
	[tilespmem:v15+s20+$0x0] =	vst.idx.msk $0xffff, v6  }
0x13c: {  	s16 =	sadd.s32 $0x1003, s15;
	v6 =	vadd.f32 v7, v2;
	v7 =	vor.u32 s7, v0;
	[tilespmem:v8+s20+$0x0] =	vst.idx.msk $0xffff, v16;
	v8 =	vld [tilespmem:s6+$0xFFFFFFA0]  }
0x13d: {  	v9 =	vadd.f32 v9, v2;
	s19 =	sadd.s32 $0x1000, s15;
	[tilespmem:v5+s20+$0x0] =	vst.idx.msk $0xffff, v3;
	v3 =	vor.u32 s16, v0;
	v5 =	vld [tilespmem:s6+$0xFFFFFFE0]  }
0x13e: {  	v11 =	vor.u32 s19, v0;
	s7 =	sadd.s32 $0x1001, s15;
	[tilespmem:v13+s20+$0x0] =	vst.idx.msk $0xffff, v6;
	v6 =	vadd.f32 v17, v2;
	v13 =	vld [tilespmem:s6+$0x20]  }
0x13f: {  	[tilespmem:v12+s20+$0x0] =	vst.idx.msk $0xffff, v9;
	s16 =	sadd.s32 $0x1002, s15;
	v12 =	vor.u32 s7, v0;
	v15 =	vld [tilespmem:s17+$0x70];
	v9 =	vadd.f32 v14, v2  }
0x140: {  	s19 =	sadd.s32 $0x1803, s5;
	v14 =	vld [tilespmem:s17+$0xFFFFFFB0];
	[tilespmem:v4+s20+$0x0] =	vst.idx.msk $0xffff, v6;
	v6 =	vor.u32 s16, v0;
	v4 =	vadd.f32 v10, v2  }
0x141: {  	s7 =	sadd.s32 $0x1800, s5;
	v10 =	vor.u32 s19, v0;
	v16 =	vld [tilespmem:s17+$0xFFFFFFF0];
	[tilespmem:v7+s20+$0x0] =	vst.idx.msk $0xffff, v9;
	v7 =	vadd.f32 v8, v2  }
0x142: {  	s16 =	sadd.s32 $0x1801, s5;
	v8 =	vor.u32 s7, v0;
	v9 =	vld [tilespmem:s17+$0x30];
	[tilespmem:v3+s20+$0x0] =	vst.idx.msk $0xffff, v4;
	v3 =	vadd.f32 v5, v2  }
0x143: {  	s19 =	sadd.s32 $0x1802, s5;
	v4 =	vor.u32 s16, v0;
	v2 =	vadd.f32 v13, v2;
	v5 =	vld [tilespmem:s6+$0x70];
	[tilespmem:v11+s20+$0x0] =	vst.idx.msk $0xffff, v7  }
0x144: {  	s5 =	sadd.s32 $0x1803, s15;
	v7 =	vadd.f32 v15, v1;
	v11 =	vor.u32 s19, v0;
	v13 =	vld [tilespmem:s6+$0xFFFFFFB0];
	[tilespmem:v12+s20+$0x0] =	vst.idx.msk $0xffff, v3  }
0x145: {  	s7 =	sadd.s32 $0x1800, s15;
	v3 =	vadd.f32 v14, v1;
	v12 =	vor.u32 s5, v0;
	[tilespmem:v6+s20+$0x0] =	vst.idx.msk $0xffff, v2  }
0x146: {  	v6 =	vor.u32 s7, v0;
	[tilespmem:v10+s20+$0x0] =	vst.idx.msk $0xffff, v7;
	v2 =	vadd.f32 v16, v1  }
0x147: {  	v14 =	vld [tilespmem:s6+$0xFFFFFFF0];
	[tilespmem:v8+s20+$0x0] =	vst.idx.msk $0xffff, v3;
	v3 =	vadd.f32 v9, v1  }
0x148: {  	s16 =	sadd.s32 $0x1801, s15;
	v7 =	vld [tilespmem:s6+$0x30];
	[tilespmem:v4+s20+$0x0] =	vst.idx.msk $0xffff, v2;
	v2 =	vadd.f32 v5, v1  }
0x149: {  	s17 =	sadd.s32 $0x1802, s15;
	v8 =	vor.u32 s16, v0;
	[tilespmem:v11+s20+$0x0] =	vst.idx.msk $0xffff, v3;
	v3 =	vadd.f32 v13, v1  }
0x14a: {  	v4 =	vor.u32 s17, v0;
	[tilespmem:v12+s20+$0x0] =	vst.idx.msk $0xffff, v2  }
0x14b: {  	[tilespmem:v6+s20+$0x0] =	vst.idx.msk $0xffff, v3  }
0x14c: {  	s0 =	sshll.u32 s0, $0x12;
	v2 =	vadd.f32 v14, v1;
	s7 =	rddreg [dreg:$0x5]  }
0x14d: {  	v1 =	vadd.f32 v7, v1;
	s0 =	sor.u32 s7, s0  }
0x14e: {  	[tilespmem:v8+s20+$0x0] =	vst.idx.msk $0xffff, v2;
	s0 =	sshrl.u32 s0, $0x3  }
0x14f: {  	[tilespmem:v4+s20+$0x0] =	vst.idx.msk $0xffff, v1;
	s19 =	sadd.s32 s28, s0  }
0x150: {  	[hbm4b:s19+s3] =	stream.linear.scatter [tilespmem:s20], [sflag:$0x6], $0x400, $0x38;
	[tilespmem:$0x15600] =	vst v63  }
0x151: {  	s5 =	sadd.s32 s0, s8  }
0x152: {  	[hbm4b:s5+s3] =	stream.linear.scatter [tilespmem:s21], [sflag:$0x6], $0x400, $0x38;
	[tilespmem:$0x15600] =	vst v63  }
0x153: {  	s6 =	sadd.s32 s0, s9  }
0x154: {  	[hbm4b:s6+s3] =	stream.linear.scatter [tilespmem:s24], [sflag:$0x6], $0x400, $0x38;
	[tilespmem:$0x15600] =	vst v63  }
0x155: {  	s15 =	sadd.s32 s0, s10  }
0x156: {  	[hbm4b:s15+s3] =	stream.linear.scatter [tilespmem:s25], [sflag:$0x6], $0x400, $0x38;
	[tilespmem:$0x15600] =	vst v63  }
0x157: {  	s16 =	sadd.s32 s0, s11  }
0x158: {  	[hbm4b:s16+s3] =	stream.linear.scatter [tilespmem:s22], [sflag:$0x6], $0x400, $0x38;
	[tilespmem:$0x15600] =	vst v63  }
0x159: {  	s17 =	sadd.s32 s0, s12;
	s19 =	simm.s32 $0x14A00  }
0x15a: {  	[hbm4b:s17+s3] =	stream.linear.scatter [tilespmem:s19], [sflag:$0x6], $0x400, $0x38;
	[tilespmem:$0x15600] =	vst v63  }
0x15b: {  	s21 =	sadd.s32 s0, s13;
	s22 =	simm.s32 $0x14E00  }
0x15c: {  	[hbm4b:s21+s3] =	stream.linear.scatter [tilespmem:s22], [sflag:$0x6], $0x400, $0x38;
	[tilespmem:$0x15600] =	vst v63  }
0x15d: {  	s2 =	simm.s32 @!p0 $0x80;
	s0 =	sadd.s32 s0, s14  }
0x15e: {  	[hbm4b:s0+s3] =	stream.linear.scatter [tilespmem:s23], [sflag:$0x6], $0x400, $0x38;
	[tilespmem:$0x15600] =	vst v63  }
0x15f: {  	s5 =	simm.s32 @!p0 $0xB600;
	s24 =	simm.s32 $0x3;
	s0 =	sadd.s32 @!p0 $0x280, s1  }
0x160: {  	[tilespmem:s5], [sflag:$0x2] =	stream.indirect.gather @!p0 [hbm4b:s4+s2], $0x40, s0, s2, $0xb8;
	[tilespmem:$0x15600] =	vst v63  }
0x161: {  	s5 =	sor.u32 $0x2, s31;
	_ =	swait.ge [sflag:s24], $0x2000  }
0x162: {  	s25 =	sshll.u32 s5, $0x6;
	[sflag:s24] =	ssyncset.done $0x0  }
0x163: {  	s0 =	sand.u32 $0x3FFFFFC0, s25;
	[sflag:s24] =	ssyncadd.s32 $0xFFFFE000  }
0x164: {  	v4 =	vld [tilespmem:s0+$0x6400]  }
0x165: {  	v3 =	vld [tilespmem:s0+$0x6410]  }
0x166: {  	v2 =	vld [tilespmem:s0+$0x6420]  }
0x167: {  	v1 =	vld [tilespmem:s0+$0x6430];
	_ =	swait.ge [sflag:s18], $0x400  }
0x168: {  	[sflag:s18] =	ssyncset.done $0x0  }
0x169: {  	[sflag:s18] =	ssyncadd.s32 $0xFFFFFC00  }
0x16a: {  	_ =	swait.ge [sflag:s18], $0x400  }
0x16b: {  	[sflag:s18] =	ssyncset.done $0x0  }
0x16c: {  	[sflag:s18] =	ssyncadd.s32 $0xFFFFFC00  }
0x16d: {  	_ =	swait.ge [sflag:s18], $0x400  }
0x16e: {  	[sflag:s18] =	ssyncset.done $0x0  }
0x16f: {  	[sflag:s18] =	ssyncadd.s32 $0xFFFFFC00  }
0x170: {  	_ =	swait.ge [sflag:s18], $0x400  }
0x171: {  	[sflag:s18] =	ssyncset.done $0x0  }
0x172: {  	[sflag:s18] =	ssyncadd.s32 $0xFFFFFC00  }
0x173: {  	_ =	swait.ge [sflag:s18], $0x400  }
0x174: {  	[sflag:s18] =	ssyncset.done $0x0  }
0x175: {  	[sflag:s18] =	ssyncadd.s32 $0xFFFFFC00  }
0x176: {  	_ =	swait.ge [sflag:s18], $0x400  }
0x177: {  	[sflag:s18] =	ssyncset.done $0x0  }
0x178: {  	[sflag:s18] =	ssyncadd.s32 $0xFFFFFC00  }
0x179: {  	_ =	swait.ge [sflag:s18], $0x400  }
0x17a: {  	[sflag:s18] =	ssyncset.done $0x0  }
0x17b: {  	[sflag:s18] =	ssyncadd.s32 $0xFFFFFC00  }
0x17c: {  	_ =	swait.ge [sflag:s18], $0x400  }
0x17d: {  	[sflag:s18] =	ssyncset.done $0x0  }
0x17e: {  	s24 =	simm.s32 $0xD680;
	[sflag:s18] =	ssyncadd.s32 $0xFFFFFC00  }
0x17f: {  	v5 =	vld [tilespmem:s24+$0x40]  }
0x180: {  	s4 =	simm.s32 $0x3;
	v8 =	vld [tilespmem:s24+$0xFFFFFFC0]  }
0x181: {  	s15 =	simm.s32 $0x1;
	v6 =	vor.u32 s4, v0  }
0x182: {  	v11 =	vor.u32 s15, v0  }
0x183: {  	v7 =	vld [tilespmem:s24+$0xFFFFFF80]  }
0x184: {  	s6 =	simm.s32 $0x0;
	v9 =	vld [tilespmem:s24+$0x0];
	v5 =	vadd.f32 v5, v4  }
0x185: {  	v10 =	vor.u32 s6, v0;
	s16 =	simm.s32 $0x2;
	v8 =	vadd.f32 v8, v4  }
0x186: {  	[tilespmem:v6+s26+$0x0] =	vst.idx.msk $0xffff, v5;
	v5 =	vor.u32 s16, v0  }
0x187: {  	[tilespmem:v11+s26+$0x0] =	vst.idx.msk $0xffff, v8;
	v6 =	vld [tilespmem:s24+$0x50]  }
0x188: {  	s17 =	simm.s32 $0x803;
	v7 =	vadd.f32 v7, v4;
	v8 =	vld [tilespmem:s24+$0xFFFFFFD0]  }
0x189: {  	v12 =	vor.u32 s17, v0;
	s21 =	simm.s32 $0x801;
	v9 =	vadd.f32 v9, v4  }
0x18a: {  	[tilespmem:v10+s26+$0x0] =	vst.idx.msk $0xffff, v7;
	v10 =	vor.u32 s21, v0  }
0x18b: {  	v7 =	vld [tilespmem:s24+$0xFFFFFF90];
	[tilespmem:v5+s26+$0x0] =	vst.idx.msk $0xffff, v9  }
0x18c: {  	s19 =	simm.s32 $0x800;
	s0 =	simm.s32 $0xD780;
	v5 =	vadd.f32 v6, v3;
	v6 =	vld [tilespmem:s24+$0x10]  }
0x18d: {  	s22 =	simm.s32 $0x802;
	v15 =	vld [tilespmem:s0+$0x0];
	v9 =	vor.u32 s19, v0;
	v8 =	vadd.f32 v8, v3  }
0x18e: {  	s15 =	simm.s32 $0x6;
	v11 =	vor.u32 s22, v0;
	[tilespmem:v12+s26+$0x0] =	vst.idx.msk $0xffff, v5;
	v5 =	vld [tilespmem:s0+$0x40]  }
0x18f: {  	s23 =	simm.s32 $0x7;
	[tilespmem:v10+s26+$0x0] =	vst.idx.msk $0xffff, v8;
	v8 =	vor.u32 s15, v0;
	v12 =	vld [tilespmem:s24+$0x60]  }
0x190: {  	v14 =	vor.u32 s23, v0;
	s25 =	simm.s32 $0x1003;
	v13 =	vld [tilespmem:s0+$0xFFFFFFC0];
	v7 =	vadd.f32 v7, v3  }
0x191: {  	s17 =	simm.s32 $0x4;
	s4 =	simm.s32 $0x5;
	s5 =	sshll.u32 s5, $0x12;
	v16 =	vor.u32 s25, v0;
	v6 =	vadd.f32 v6, v3  }
0x192: {  	s23 =	sor.u32 s7, s5;
	s7 =	smov.u32 s8;
	s8 =	smov.u32 s28;
	v15 =	vadd.f32 v15, v4;
	[tilespmem:v9+s26+$0x0] =	vst.idx.msk $0xffff, v7;
	v7 =	vld [tilespmem:s0+$0xFFFFFF80];
	v9 =	vor.u32 s4, v0  }
0x193: {  	s25 =	simm.s32 $0x1803;
	s2 =	sshrl.u32 s23, $0x3;
	s16 =	simm.s32 $0x1000;
	v10 =	vld [tilespmem:s24+$0xFFFFFFA0];
	v5 =	vadd.f32 v5, v4;
	[tilespmem:v11+s26+$0x0] =	vst.idx.msk $0xffff, v6  }
0x194: {  	s21 =	simm.s32 $0x1002;
	s22 =	simm.s32 $0x807;
	s19 =	simm.s32 $0x1001;
	v6 =	vor.u32 s17, v0;
	v11 =	vld [tilespmem:s24+$0xFFFFFFE0];
	[tilespmem:v8+s26+$0x0] =	vst.idx.msk $0xffff, v15;
	v12 =	vadd.f32 v12, v2  }
0x195: {  	v13 =	vadd.f32 v13, v4;
	v18 =	vor.u32 s19, v0;
	s19 =	smov.u32 s11;
	s15 =	smov.u32 s9;
	s4 =	simm.s32 $0x805;
	[tilespmem:v14+s26+$0x0] =	vst.idx.msk $0xffff, v5;
	v5 =	vor.u32 s16, v0;
	v14 =	vld [tilespmem:s24+$0x20]  }
0x196: {  	s6 =	sadd.s32 s2, s19;
	s9 =	smov.u32 s7;
	s23 =	sadd.s32 s2, s15;
	v63 =	vor.u32 s4, v0;
	v8 =	vor.u32 s22, v0;
	v17 =	vld [tilespmem:s0+$0x50];
	[tilespmem:v16+s26+$0x0] =	vst.idx.msk $0xffff, v12  }
0x197: {  	s4 =	smov.u32 s13;
	v15 =	vor.u32 s25, v0;
	s22 =	sadd.s32 s2, s7;
	s25 =	smov.u32 s12;
	v7 =	vadd.f32 v7, v4;
	[tilespmem:v9+s26+$0x0] =	vst.idx.msk $0xffff, v13;
	v9 =	vor.u32 s21, v0;
	v12 =	vld [tilespmem:s24+$0x70]  }
0x198: {  	s12 =	smov.u32 s19;
	s7 =	simm.s32 $0x806;
	s19 =	simm.s32 $0xD880;
	v16 =	vld [tilespmem:s0+$0xFFFFFFD0];
	v10 =	vadd.f32 v10, v2  }
0x199: {  	s13 =	smov.u32 s25;
	s21 =	sadd.s32 s28, s2;
	s16 =	smov.u32 s10;
	[tilespmem:v6+s26+$0x0] =	vst.idx.msk $0xffff, v7;
	v7 =	vld [tilespmem:s0+$0x10];
	v11 =	vadd.f32 v11, v2  }
0x19a: {  	s10 =	smov.u32 s15;
	s15 =	sadd.s32 s2, s25;
	s25 =	smov.u32 s14;
	v19 =	vld [tilespmem:s0+$0xFFFFFF90];
	[tilespmem:v5+s26+$0x0] =	vst.idx.msk $0xffff, v10;
	v10 =	vadd.f32 v14, v2  }
0x19b: {  	s14 =	smov.u32 s4;
	s28 =	simm.s32 $0x804;
	v13 =	vor.u32 s7, v0;
	s7 =	simm.s32 $0x1800;
	[tilespmem:v18+s26+$0x0] =	vst.idx.msk $0xffff, v11;
	v14 =	vadd.f32 v17, v3;
	v6 =	vld [tilespmem:s24+$0xFFFFFFB0]  }
0x19c: {  	s11 =	smov.u32 s16;
	s5 =	sadd.s32 s2, s16;
	s16 =	sadd.s32 s2, s4;
	v11 =	vor.u32 s28, v0;
	v5 =	vld [tilespmem:s24+$0xFFFFFFF0];
	[tilespmem:v9+s26+$0x0] =	vst.idx.msk $0xffff, v10;
	v10 =	vadd.f32 v12, v1  }
0x19d: {  	s4 =	smov.u32 s25;
	s25 =	sadd.s32 s2, s25;
	s2 =	simm.s32 $0x1801;
	v17 =	vadd.f32 v16, v3;
	v9 =	vor.u32 s7, v0;
	[tilespmem:v8+s26+$0x0] =	vst.idx.msk $0xffff, v14;
	v8 =	vld [tilespmem:s24+$0x30]  }
0x19e: {  	s7 =	simm.s32 $0x1802;
	v14 =	vld [tilespmem:s19+$0x40];
	v16 =	vadd.f32 v7, v3;
	[tilespmem:v15+s26+$0x0] =	vst.idx.msk $0xffff, v10;
	v10 =	vor.u32 s2, v0  }
0x19f: {  	s28 =	simm.s32 $0xC;
	s24 =	simm.s32 $0x8;
	v12 =	vor.u32 s7, v0;
	[tilespmem:v63+s26+$0x0] =	vst.idx.msk $0xffff, v17;
	s2 =	simm.s32 $0xB;
	v15 =	vadd.f32 v19, v3;
	v7 =	vld [tilespmem:s0+$0x60]  }
.LBB2_7:
0x1a0: {  	p1 =	slt.u32 s28, $0x7C;
	v17 =	vld [tilespmem:s19+$0xFFFFFFC0];
	v18 =	vor.u32 s2, v0;
	[tilespmem:v13+s26+$0x0] =	vst.idx.msk $0xffff, v16;
	s2 =	sadd.s32 $0x1003, s17;
	v6 =	vadd.f32 v6, v1  }
0x1a1: {  	s7 =	sadd.s32 $0x1, s24;
	v13 =	vld [tilespmem:s19+$0x0];
	[tilespmem:v11+s26+$0x0] =	vst.idx.msk $0xffff, v15;
	v11 =	vor.u32 s2, v0;
	v5 =	vadd.f32 v5, v1  }
0x1a2: {  	v16 =	vor.u32 s7, v0;
	s2 =	sadd.s32 $0x2, s24;
	v15 =	vld [tilespmem:s19+$0xFFFFFF80];
	[tilespmem:v9+s26+$0x0] =	vst.idx.msk $0xffff, v6;
	v6 =	vadd.f32 v8, v1  }
0x1a3: {  	v8 =	vor.u32 s2, v0;
	v9 =	vadd.f32 v14, v4;
	v14 =	vld [tilespmem:s0+$0xFFFFFFA0];
	[tilespmem:v10+s26+$0x0] =	vst.idx.msk $0xffff, v5  }
0x1a4: {  	s2 =	sadd.s32 $0x1000, s17;
	v5 =	vor.u32 s24, v0;
	v10 =	vld [tilespmem:s0+$0xFFFFFFE0];
	v7 =	vadd.f32 v7, v2;
	[tilespmem:v12+s26+$0x0] =	vst.idx.msk $0xffff, v6  }
0x1a5: {  	v6 =	vadd.f32 v17, v4;
	[tilespmem:v18+s26+$0x0] =	vst.idx.msk $0xffff, v9;
	v9 =	vor.u32 s2, v0;
	s2 =	sadd.s32 $0x1001, s17;
	v12 =	vld [tilespmem:s0+$0x20]  }
0x1a6: {  	v13 =	vadd.f32 v13, v4;
	v17 =	vld [tilespmem:s19+$0x50];
	v18 =	vor.u32 s2, v0;
	s2 =	sadd.s32 $0x1002, s17;
	[tilespmem:v11+s26+$0x0] =	vst.idx.msk $0xffff, v7  }
0x1a7: {  	s7 =	sadd.s32 $0x803, s24;
	v7 =	vadd.f32 v15, v4;
	[tilespmem:v16+s26+$0x0] =	vst.idx.msk $0xffff, v6;
	v15 =	vor.u32 s2, v0;
	v16 =	vld [tilespmem:s0+$0x70]  }
0x1a8: {  	s2 =	sadd.s32 $0x1803, s17;
	v19 =	vld [tilespmem:s19+$0xFFFFFFD0];
	[tilespmem:v8+s26+$0x0] =	vst.idx.msk $0xffff, v13;
	v8 =	vor.u32 s7, v0;
	v6 =	vadd.f32 v14, v2  }
0x1a9: {  	s7 =	sadd.s32 $0x801, s24;
	v20 =	vor.u32 s2, v0;
	[tilespmem:v5+s26+$0x0] =	vst.idx.msk $0xffff, v7;
	v7 =	vld [tilespmem:s19+$0x10];
	v5 =	vadd.f32 v10, v2  }
0x1aa: {  	s2 =	sadd.s32 $0x802, s24;
	v22 =	vor.u32 s7, v0;
	v21 =	vld [tilespmem:s19+$0xFFFFFF90];
	[tilespmem:v9+s26+$0x0] =	vst.idx.msk $0xffff, v6;
	v9 =	vadd.f32 v12, v2  }
.Ltmp4:
0x1ab: {  	s7 =	sadd.s32 $0x800, s24;
	v13 =	vor.u32 s2, v0;
	v10 =	vadd.f32 v17, v3;
	v6 =	vld [tilespmem:s0+$0xFFFFFFB0];
	[tilespmem:v18+s26+$0x0] =	vst.idx.msk $0xffff, v5;
	(pc) =	sbr.rel @p1 .LBB2_7-.Ltmp4, $4  }
0x1ac: {  	s2 =	sadd.s32 $0x1800, s17;
	v11 =	vor.u32 s7, v0;
	v5 =	vld [tilespmem:s0+$0xFFFFFFF0];
	[tilespmem:v15+s26+$0x0] =	vst.idx.msk $0xffff, v9;
	v12 =	vadd.f32 v16, v1  }
0x1ad: {  	v9 =	vor.u32 s2, v0;
	s2 =	sadd.s32 $0x1801, s17;
	v17 =	vadd.f32 v19, v3;
	[tilespmem:v8+s26+$0x0] =	vst.idx.msk $0xffff, v10;
	v8 =	vld [tilespmem:s0+$0x30];
	s0 =	smov.u32 s19;
	s19 =	sadd.s32 $0x100, s19  }
0x1ae: {  	s7 =	sadd.s32 $0x1802, s17;
	s17 =	smov.u32 s24;
	s24 =	smov.u32 s28;
	v10 =	vor.u32 s2, v0;
	v14 =	vld [tilespmem:s19+$0x40];
	v16 =	vadd.f32 v7, v3;
	[tilespmem:v20+s26+$0x0] =	vst.idx.msk $0xffff, v12  }
0x1af: {  	s28 =	sadd.s32 $0x4, s28;
	s2 =	sadd.s32 $0x3, s24;
	v12 =	vor.u32 s7, v0;
	v15 =	vadd.f32 v21, v3;
	[tilespmem:v22+s26+$0x0] =	vst.idx.msk $0xffff, v17;
	v7 =	vld [tilespmem:s0+$0x60]  }
0x1b0: {  	v17 =	vld [tilespmem:s19+$0xFFFFFF80]  }
0x1b1: {  	v18 =	vld [tilespmem:s19+$0xFFFFFFC0];
	v19 =	vor.u32 s2, v0  }
0x1b2: {  	s7 =	sadd.s32 $0x1, s24;
	v20 =	vld [tilespmem:s19+$0x0];
	v21 =	vor.u32 s24, v0  }
0x1b3: {  	v22 =	vor.u32 s7, v0;
	s7 =	sadd.s32 $0x2, s24  }
0x1b4: {  	v23 =	vor.u32 s7, v0;
	v14 =	vadd.f32 v14, v4  }
0x1b5: {  	[tilespmem:v13+s26+$0x0] =	vst.idx.msk $0xffff, v16;
	v13 =	vadd.f32 v17, v4  }
0x1b6: {  	[tilespmem:v19+s26+$0x0] =	vst.idx.msk $0xffff, v14;
	v14 =	vadd.f32 v18, v4  }
0x1b7: {  	v4 =	vadd.f32 v20, v4;
	[tilespmem:v21+s26+$0x0] =	vst.idx.msk $0xffff, v13;
	v13 =	vld [tilespmem:s19+$0x50]  }
0x1b8: {  	s7 =	sadd.s32 $0x803, s24;
	[tilespmem:v22+s26+$0x0] =	vst.idx.msk $0xffff, v14;
	v14 =	vld [tilespmem:s19+$0xFFFFFF90]  }
0x1b9: {  	v6 =	vadd.f32 v6, v1;
	[tilespmem:v23+s26+$0x0] =	vst.idx.msk $0xffff, v4;
	v4 =	vor.u32 s7, v0;
	s7 =	sadd.s32 $0x800, s24;
	v16 =	vld [tilespmem:s19+$0xFFFFFFD0]  }
0x1ba: {  	[tilespmem:v11+s26+$0x0] =	vst.idx.msk $0xffff, v15;
	v5 =	vadd.f32 v5, v1;
	v11 =	vor.u32 s7, v0;
	s7 =	sadd.s32 $0x801, s24;
	v15 =	vld [tilespmem:s19+$0x10]  }
0x1bb: {  	[tilespmem:v9+s26+$0x0] =	vst.idx.msk $0xffff, v6;
	v6 =	vadd.f32 v8, v1;
	v8 =	vor.u32 s7, v0;
	s7 =	sadd.s32 $0x802, s24  }
0x1bc: {  	[tilespmem:v10+s26+$0x0] =	vst.idx.msk $0xffff, v5;
	v17 =	vld [tilespmem:s0+$0xFFFFFFA0];
	v9 =	vor.u32 s7, v0;
	s7 =	sadd.s32 $0x1003, s17;
	v5 =	vadd.f32 v13, v3  }
0x1bd: {  	[tilespmem:v12+s26+$0x0] =	vst.idx.msk $0xffff, v6;
	v10 =	vor.u32 s7, v0;
	s7 =	sadd.s32 $0x1000, s17;
	v13 =	vld [tilespmem:s0+$0xFFFFFFE0];
	v6 =	vadd.f32 v14, v3  }
0x1be: {  	v12 =	vor.u32 s7, v0;
	s7 =	sadd.s32 $0x1001, s17;
	v14 =	vld [tilespmem:s0+$0x20];
	v16 =	vadd.f32 v16, v3;
	[tilespmem:v4+s26+$0x0] =	vst.idx.msk $0xffff, v5  }
0x1bf: {  	v3 =	vadd.f32 v15, v3;
	v4 =	vor.u32 s7, v0;
	s7 =	sadd.s32 $0x1002, s17;
	v5 =	vld [tilespmem:s19+$0x60];
	[tilespmem:v11+s26+$0x0] =	vst.idx.msk $0xffff, v6  }
0x1c0: {  	v6 =	vadd.f32 v7, v2;
	v7 =	vor.u32 s7, v0;
	[tilespmem:v8+s26+$0x0] =	vst.idx.msk $0xffff, v16;
	s7 =	sadd.s32 $0x1003, s24;
	v8 =	vld [tilespmem:s19+$0xFFFFFFA0]  }
0x1c1: {  	v11 =	vadd.f32 v17, v2;
	[tilespmem:v9+s26+$0x0] =	vst.idx.msk $0xffff, v3;
	v3 =	vor.u32 s7, v0;
	s7 =	sadd.s32 $0x1000, s24;
	v9 =	vld [tilespmem:s19+$0xFFFFFFE0]  }
0x1c2: {  	[tilespmem:v10+s26+$0x0] =	vst.idx.msk $0xffff, v6;
	v6 =	vadd.f32 v13, v2;
	v10 =	vor.u32 s7, v0;
	s7 =	sadd.s32 $0x1001, s24;
	v13 =	vld [tilespmem:s19+$0x20]  }
0x1c3: {  	[tilespmem:v12+s26+$0x0] =	vst.idx.msk $0xffff, v11;
	v15 =	vld [tilespmem:s0+$0x70];
	v11 =	vadd.f32 v14, v2;
	v12 =	vor.u32 s7, v0;
	s7 =	sadd.s32 $0x1002, s24  }
0x1c4: {  	v16 =	vld [tilespmem:s0+$0xFFFFFFB0];
	v14 =	vor.u32 s7, v0;
	s7 =	sadd.s32 $0x1803, s17;
	[tilespmem:v4+s26+$0x0] =	vst.idx.msk $0xffff, v6;
	v4 =	vadd.f32 v5, v2  }
0x1c5: {  	v5 =	vor.u32 s7, v0;
	s7 =	sadd.s32 $0x1800, s17;
	v6 =	vld [tilespmem:s0+$0xFFFFFFF0];
	[tilespmem:v7+s26+$0x0] =	vst.idx.msk $0xffff, v11;
	v7 =	vadd.f32 v8, v2  }
0x1c6: {  	s2 =	sadd.s32 $0x1801, s17;
	v8 =	vor.u32 s7, v0;
	v11 =	vld [tilespmem:s0+$0x30];
	[tilespmem:v3+s26+$0x0] =	vst.idx.msk $0xffff, v4;
	v3 =	vadd.f32 v9, v2  }
0x1c7: {  	s7 =	sadd.s32 $0x1802, s17;
	v4 =	vor.u32 s2, v0;
	v2 =	vadd.f32 v13, v2;
	v9 =	vld [tilespmem:s19+$0x70];
	[tilespmem:v10+s26+$0x0] =	vst.idx.msk $0xffff, v7  }
0x1c8: {  	s17 =	sadd.s32 $0x1803, s24;
	v7 =	vadd.f32 v15, v1;
	v10 =	vor.u32 s7, v0;
	v13 =	vld [tilespmem:s19+$0xFFFFFFB0];
	[tilespmem:v12+s26+$0x0] =	vst.idx.msk $0xffff, v3  }
0x1c9: {  	s2 =	sadd.s32 $0x1800, s24;
	v3 =	vadd.f32 v16, v1;
	v12 =	vor.u32 s17, v0;
	[tilespmem:v14+s26+$0x0] =	vst.idx.msk $0xffff, v2;
	v15 =	vld [tilespmem:s19+$0xFFFFFFF0]  }
0x1ca: {  	s7 =	sadd.s32 $0x1801, s24;
	[tilespmem:v5+s26+$0x0] =	vst.idx.msk $0xffff, v7;
	v2 =	vadd.f32 v6, v1;
	v5 =	vor.u32 s2, v0;
	v6 =	vld [tilespmem:s19+$0x30]  }
0x1cb: {  	s17 =	sadd.s32 $0x1802, s24;
	v7 =	vor.u32 s7, v0;
	[tilespmem:v8+s26+$0x0] =	vst.idx.msk $0xffff, v3;
	v3 =	vadd.f32 v11, v1  }
0x1cc: {  	[tilespmem:v4+s26+$0x0] =	vst.idx.msk $0xffff, v2;
	v4 =	vor.u32 s17, v0;
	v2 =	vadd.f32 v9, v1  }
0x1cd: {  	[tilespmem:v10+s26+$0x0] =	vst.idx.msk $0xffff, v3;
	v3 =	vadd.f32 v13, v1  }
0x1ce: {  	[tilespmem:v12+s26+$0x0] =	vst.idx.msk $0xffff, v2;
	v2 =	vadd.f32 v15, v1  }
0x1cf: {  	v1 =	vadd.f32 v6, v1;
	[tilespmem:v5+s26+$0x0] =	vst.idx.msk $0xffff, v3  }
0x1d0: {  	[tilespmem:v7+s26+$0x0] =	vst.idx.msk $0xffff, v2  }
0x1d1: {  	[tilespmem:v4+s26+$0x0] =	vst.idx.msk $0xffff, v1  }
0x1d2: {  	[hbm4b:s21+s3] =	stream.linear.scatter [tilespmem:s26], [sflag:$0x5], $0x400, $0x38;
	[tilespmem:$0x15600] =	vst v63  }
0x1d3: {  	s19 =	simm.s32 $0x11A00  }
0x1d4: {  	[hbm4b:s22+s3] =	stream.linear.scatter [tilespmem:s19], [sflag:$0x5], $0x400, $0x38;
	[tilespmem:$0x15600] =	vst v63  }
0x1d5: {  	s21 =	simm.s32 $0x11E00  }
0x1d6: {  	[hbm4b:s23+s3] =	stream.linear.scatter [tilespmem:s21], [sflag:$0x5], $0x400, $0x38;
	[tilespmem:$0x15600] =	vst v63  }
0x1d7: {  	s22 =	simm.s32 $0x12200  }
0x1d8: {  	[hbm4b:s5+s3] =	stream.linear.scatter [tilespmem:s22], [sflag:$0x5], $0x400, $0x38;
	[tilespmem:$0x15600] =	vst v63  }
0x1d9: {  	s23 =	simm.s32 $0x12600  }
0x1da: {  	[hbm4b:s6+s3] =	stream.linear.scatter [tilespmem:s23], [sflag:$0x5], $0x400, $0x38;
	[tilespmem:$0x15600] =	vst v63  }
0x1db: {  	s24 =	simm.s32 $0x12A00  }
0x1dc: {  	[hbm4b:s15+s3] =	stream.linear.scatter [tilespmem:s24], [sflag:$0x5], $0x400, $0x38;
	[tilespmem:$0x15600] =	vst v63  }
0x1dd: {  	s2 =	simm.s32 $0x12E00  }
0x1de: {  	[hbm4b:s16+s3] =	stream.linear.scatter [tilespmem:s2], [sflag:$0x5], $0x400, $0x38;
	[tilespmem:$0x15600] =	vst v63  }
0x1df: {  	s0 =	sadd.s32 @!p0 $0x300, s1;
	s1 =	simm.s32 @!p0 $0x80;
	s5 =	simm.s32 $0x13200  }
0x1e0: {  	[hbm4b:s25+s3] =	stream.linear.scatter [tilespmem:s5], [sflag:$0x5], $0x400, $0x38;
	[tilespmem:$0x15600] =	vst v63  }
0x1e1: {  	s6 =	simm.s32 $0x4;
	s2 =	simm.s32 @!p0 $0xD600;
	s5 =	rddreg [dreg:$0x6]  }
0x1e2: {  	[tilespmem:s2], [sflag:$0x3] =	stream.indirect.gather @!p0 [hbm4b:s5+s1], $0x40, s0, s1, $0xb8;
	[tilespmem:$0x15600] =	vst v63  }
0x1e3: {  	s5 =	sor.u32 $0x3, s31;
	_ =	swait.ge [sflag:s6], $0x2000  }
0x1e4: {  	s7 =	sshll.u32 s5, $0x6;
	[sflag:s6] =	ssyncset.done $0x0  }
0x1e5: {  	s0 =	sand.u32 $0x3FFFFFC0, s7;
	[sflag:s6] =	ssyncadd.s32 $0xFFFFE000  }
0x1e6: {  	v4 =	vld [tilespmem:s0+$0x6400]  }
0x1e7: {  	v3 =	vld [tilespmem:s0+$0x6410]  }
0x1e8: {  	v2 =	vld [tilespmem:s0+$0x6420]  }
0x1e9: {  	v1 =	vld [tilespmem:s0+$0x6430];
	_ =	swait.ge [sflag:s29], $0x400  }
0x1ea: {  	[sflag:s29] =	ssyncset.done $0x0  }
0x1eb: {  	[sflag:s29] =	ssyncadd.s32 $0xFFFFFC00  }
0x1ec: {  	_ =	swait.ge [sflag:s29], $0x400  }
0x1ed: {  	[sflag:s29] =	ssyncset.done $0x0  }
0x1ee: {  	[sflag:s29] =	ssyncadd.s32 $0xFFFFFC00  }
0x1ef: {  	_ =	swait.ge [sflag:s29], $0x400  }
0x1f0: {  	[sflag:s29] =	ssyncset.done $0x0  }
0x1f1: {  	[sflag:s29] =	ssyncadd.s32 $0xFFFFFC00  }
0x1f2: {  	_ =	swait.ge [sflag:s29], $0x400  }
0x1f3: {  	[sflag:s29] =	ssyncset.done $0x0  }
0x1f4: {  	[sflag:s29] =	ssyncadd.s32 $0xFFFFFC00  }
0x1f5: {  	_ =	swait.ge [sflag:s29], $0x400  }
0x1f6: {  	[sflag:s29] =	ssyncset.done $0x0  }
0x1f7: {  	[sflag:s29] =	ssyncadd.s32 $0xFFFFFC00  }
0x1f8: {  	_ =	swait.ge [sflag:s29], $0x400  }
0x1f9: {  	[sflag:s29] =	ssyncset.done $0x0  }
0x1fa: {  	[sflag:s29] =	ssyncadd.s32 $0xFFFFFC00  }
0x1fb: {  	_ =	swait.ge [sflag:s29], $0x400  }
0x1fc: {  	[sflag:s29] =	ssyncset.done $0x0  }
0x1fd: {  	[sflag:s29] =	ssyncadd.s32 $0xFFFFFC00  }
0x1fe: {  	_ =	swait.ge [sflag:s29], $0x400  }
0x1ff: {  	[sflag:s29] =	ssyncset.done $0x0  }
0x200: {  	s23 =	simm.s32 $0xF680;
	[sflag:s29] =	ssyncadd.s32 $0xFFFFFC00  }
0x201: {  	v5 =	vld [tilespmem:s23+$0x40]  }
0x202: {  	s15 =	simm.s32 $0x3  }
0x203: {  	v6 =	vor.u32 s15, v0  }
0x204: {  	v7 =	vld [tilespmem:s23+$0xFFFFFF80]  }
0x205: {  	s16 =	simm.s32 $0x0  }
0x206: {  	v10 =	vor.u32 s16, v0;
	v8 =	vld [tilespmem:s23+$0xFFFFFFC0];
	v5 =	vadd.f32 v5, v4  }
0x207: {  	s17 =	simm.s32 $0x1;
	v9 =	vld [tilespmem:s23+$0x0]  }
0x208: {  	v11 =	vor.u32 s17, v0;
	s19 =	simm.s32 $0x2;
	[tilespmem:v6+s20+$0x0] =	vst.idx.msk $0xffff, v5  }
0x209: {  	v7 =	vadd.f32 v7, v4;
	v5 =	vor.u32 s19, v0;
	v6 =	vld [tilespmem:s23+$0x50]  }
0x20a: {  	s21 =	simm.s32 $0x803  }
0x20b: {  	v12 =	vor.u32 s21, v0;
	v8 =	vadd.f32 v8, v4;
	[tilespmem:v10+s20+$0x0] =	vst.idx.msk $0xffff, v7  }
0x20c: {  	v9 =	vadd.f32 v9, v4;
	v7 =	vld [tilespmem:s23+$0xFFFFFF90]  }
0x20d: {  	s22 =	simm.s32 $0x800;
	[tilespmem:v11+s20+$0x0] =	vst.idx.msk $0xffff, v8  }
0x20e: {  	v8 =	vld [tilespmem:s23+$0xFFFFFFD0];
	[tilespmem:v5+s20+$0x0] =	vst.idx.msk $0xffff, v9;
	v9 =	vor.u32 s22, v0;
	v5 =	vadd.f32 v6, v3  }
0x20f: {  	s24 =	simm.s32 $0x801;
	s0 =	simm.s32 $0xF780;
	v6 =	vld [tilespmem:s23+$0x10]  }
0x210: {  	s25 =	simm.s32 $0x802;
	v10 =	vor.u32 s24, v0;
	[tilespmem:v12+s20+$0x0] =	vst.idx.msk $0xffff, v5;
	v5 =	vld [tilespmem:s0+$0x40]  }
0x211: {  	s31 =	simm.s32 $0x7;
	v13 =	vld [tilespmem:s0+$0xFFFFFFC0];
	v11 =	vor.u32 s25, v0;
	v7 =	vadd.f32 v7, v3  }
0x212: {  	v14 =	vor.u32 s31, v0;
	s6 =	simm.s32 $0x5;
	v12 =	vld [tilespmem:s23+$0x60]  }
0x213: {  	s2 =	simm.s32 $0x1003;
	v8 =	vadd.f32 v8, v3;
	[tilespmem:v9+s20+$0x0] =	vst.idx.msk $0xffff, v7;
	v9 =	vor.u32 s6, v0  }
0x214: {  	v16 =	vor.u32 s2, v0;
	v6 =	vadd.f32 v6, v3  }
0x215: {  	v15 =	vld [tilespmem:s0+$0x0];
	[tilespmem:v10+s20+$0x0] =	vst.idx.msk $0xffff, v8;
	v5 =	vadd.f32 v5, v4  }
0x216: {  	s7 =	simm.s32 $0x6;
	v13 =	vadd.f32 v13, v4;
	v7 =	vld [tilespmem:s0+$0xFFFFFF80];
	[tilespmem:v11+s20+$0x0] =	vst.idx.msk $0xffff, v6  }
0x217: {  	s1 =	simm.s32 $0x4;
	v8 =	vor.u32 s7, v0;
	v10 =	vld [tilespmem:s23+$0xFFFFFFA0];
	v12 =	vadd.f32 v12, v2;
	[tilespmem:v14+s20+$0x0] =	vst.idx.msk $0xffff, v5  }
0x218: {  	s28 =	smov.u32 s8;
	s15 =	simm.s32 $0x1000;
	v6 =	vor.u32 s1, v0;
	v11 =	vld [tilespmem:s23+$0xFFFFFFE0];
	[tilespmem:v9+s20+$0x0] =	vst.idx.msk $0xffff, v13  }
0x219: {  	s17 =	simm.s32 $0x1002;
	s16 =	simm.s32 $0x1001;
	s5 =	sshll.u32 s5, $0x12;
	v5 =	vor.u32 s15, v0;
	v14 =	vld [tilespmem:s23+$0x20];
	[tilespmem:v16+s20+$0x0] =	vst.idx.msk $0xffff, v12  }
0x21a: {  	v18 =	vor.u32 s16, v0;
	s31 =	simm.s32 $0x1800;
	v15 =	vadd.f32 v15, v4;
	s19 =	simm.s32 $0x807;
	v17 =	vld [tilespmem:s0+$0x50];
	s21 =	rddreg [dreg:$0x5]  }
0x21b: {  	s24 =	simm.s32 $0x805;
	s25 =	simm.s32 $0x804;
	v7 =	vadd.f32 v7, v4;
	v9 =	vor.u32 s17, v0;
	v12 =	vld [tilespmem:s23+$0x70];
	s2 =	sor.u32 s21, s5  }
0x21c: {  	v63 =	vor.u32 s24, v0;
	s24 =	simm.s32 $0x8;
	s22 =	simm.s32 $0x1803;
	v16 =	vld [tilespmem:s0+$0xFFFFFFD0];
	v10 =	vadd.f32 v10, v2;
	[tilespmem:v8+s20+$0x0] =	vst.idx.msk $0xffff, v15;
	v8 =	vor.u32 s19, v0;
	s2 =	sshrl.u32 s2, $0x3  }
0x21d: {  	s7 =	simm.s32 $0x806;
	v15 =	vor.u32 s22, v0;
	s19 =	simm.s32 $0xF880;
	[tilespmem:v6+s20+$0x0] =	vst.idx.msk $0xffff, v7;
	v7 =	vld [tilespmem:s0+$0x10];
	v11 =	vadd.f32 v11, v2;
	s17 =	sadd.s32 s8, s2  }
0x21e: {  	v19 =	vld [tilespmem:s0+$0xFFFFFF90];
	s8 =	smov.u32 s9;
	s21 =	sadd.s32 s2, s9;
	[tilespmem:v5+s20+$0x0] =	vst.idx.msk $0xffff, v10;
	v10 =	vadd.f32 v14, v2;
	s9 =	smov.u32 s10  }
0x21f: {  	v13 =	vor.u32 s7, v0;
	s5 =	sadd.s32 s2, s10;
	s10 =	smov.u32 s11;
	s6 =	sadd.s32 s2, s11;
	[tilespmem:v18+s20+$0x0] =	vst.idx.msk $0xffff, v11;
	v14 =	vadd.f32 v17, v3;
	v6 =	vld [tilespmem:s23+$0xFFFFFFB0]  }
0x220: {  	s11 =	smov.u32 s12;
	s22 =	sadd.s32 s2, s12;
	s12 =	smov.u32 s13;
	v5 =	vld [tilespmem:s23+$0xFFFFFFF0];
	[tilespmem:v9+s20+$0x0] =	vst.idx.msk $0xffff, v10;
	v11 =	vadd.f32 v12, v1;
	v10 =	vor.u32 s25, v0  }
0x221: {  	s15 =	sadd.s32 s2, s13;
	s13 =	smov.u32 s14;
	v17 =	vadd.f32 v16, v3;
	v9 =	vor.u32 s31, v0;
	s25 =	simm.s32 $0x1801;
	[tilespmem:v8+s20+$0x0] =	vst.idx.msk $0xffff, v14;
	v8 =	vld [tilespmem:s23+$0x30]  }
0x222: {  	s16 =	sadd.s32 s2, s14;
	s14 =	smov.u32 s4;
	s31 =	simm.s32 $0x1802;
	v14 =	vld [tilespmem:s19+$0x40];
	v16 =	vadd.f32 v7, v3;
	[tilespmem:v15+s20+$0x0] =	vst.idx.msk $0xffff, v11;
	v11 =	vor.u32 s25, v0  }
0x223: {  	s23 =	sadd.s32 s2, s4;
	s2 =	simm.s32 $0xB;
	v12 =	vor.u32 s31, v0;
	[tilespmem:v63+s20+$0x0] =	vst.idx.msk $0xffff, v17;
	s25 =	simm.s32 $0xC;
	v15 =	vadd.f32 v19, v3;
	v7 =	vld [tilespmem:s0+$0x60]  }
.LBB2_9:
0x224: {  	p1 =	slt.u32 s25, $0x7C;
	v17 =	vld [tilespmem:s19+$0xFFFFFFC0];
	v18 =	vor.u32 s2, v0;
	[tilespmem:v13+s20+$0x0] =	vst.idx.msk $0xffff, v16;
	s2 =	sadd.s32 $0x1003, s1;
	v6 =	vadd.f32 v6, v1  }
0x225: {  	s7 =	sadd.s32 $0x1, s24;
	v13 =	vld [tilespmem:s19+$0x0];
	[tilespmem:v10+s20+$0x0] =	vst.idx.msk $0xffff, v15;
	v10 =	vor.u32 s2, v0;
	v5 =	vadd.f32 v5, v1  }
0x226: {  	v16 =	vor.u32 s7, v0;
	s2 =	sadd.s32 $0x2, s24;
	v15 =	vld [tilespmem:s19+$0xFFFFFF80];
	[tilespmem:v9+s20+$0x0] =	vst.idx.msk $0xffff, v6;
	v6 =	vadd.f32 v8, v1  }
0x227: {  	v8 =	vor.u32 s2, v0;
	v9 =	vadd.f32 v14, v4;
	v14 =	vld [tilespmem:s0+$0xFFFFFFA0];
	[tilespmem:v11+s20+$0x0] =	vst.idx.msk $0xffff, v5  }
0x228: {  	s2 =	sadd.s32 $0x1000, s1;
	v5 =	vor.u32 s24, v0;
	v11 =	vld [tilespmem:s0+$0xFFFFFFE0];
	v7 =	vadd.f32 v7, v2;
	[tilespmem:v12+s20+$0x0] =	vst.idx.msk $0xffff, v6  }
0x229: {  	v6 =	vadd.f32 v17, v4;
	[tilespmem:v18+s20+$0x0] =	vst.idx.msk $0xffff, v9;
	v9 =	vor.u32 s2, v0;
	s2 =	sadd.s32 $0x1001, s1;
	v12 =	vld [tilespmem:s0+$0x20]  }
0x22a: {  	v13 =	vadd.f32 v13, v4;
	v17 =	vld [tilespmem:s19+$0x50];
	v18 =	vor.u32 s2, v0;
	s2 =	sadd.s32 $0x1002, s1;
	[tilespmem:v10+s20+$0x0] =	vst.idx.msk $0xffff, v7  }
0x22b: {  	s7 =	sadd.s32 $0x803, s24;
	v7 =	vadd.f32 v15, v4;
	[tilespmem:v16+s20+$0x0] =	vst.idx.msk $0xffff, v6;
	v15 =	vor.u32 s2, v0;
	v16 =	vld [tilespmem:s0+$0x70]  }
0x22c: {  	s2 =	sadd.s32 $0x1803, s1;
	v19 =	vld [tilespmem:s19+$0xFFFFFFD0];
	[tilespmem:v8+s20+$0x0] =	vst.idx.msk $0xffff, v13;
	v8 =	vor.u32 s7, v0;
	v6 =	vadd.f32 v14, v2  }
0x22d: {  	s7 =	sadd.s32 $0x801, s24;
	v20 =	vor.u32 s2, v0;
	[tilespmem:v5+s20+$0x0] =	vst.idx.msk $0xffff, v7;
	v7 =	vld [tilespmem:s19+$0x10];
	v5 =	vadd.f32 v11, v2  }
0x22e: {  	s2 =	sadd.s32 $0x802, s24;
	v22 =	vor.u32 s7, v0;
	v21 =	vld [tilespmem:s19+$0xFFFFFF90];
	[tilespmem:v9+s20+$0x0] =	vst.idx.msk $0xffff, v6;
	v9 =	vadd.f32 v12, v2  }
.Ltmp5:
0x22f: {  	s7 =	sadd.s32 $0x800, s24;
	v13 =	vor.u32 s2, v0;
	v11 =	vadd.f32 v17, v3;
	v6 =	vld [tilespmem:s0+$0xFFFFFFB0];
	[tilespmem:v18+s20+$0x0] =	vst.idx.msk $0xffff, v5;
	(pc) =	sbr.rel @p1 .LBB2_9-.Ltmp5, $4  }
0x230: {  	s2 =	sadd.s32 $0x1800, s1;
	v10 =	vor.u32 s7, v0;
	v5 =	vld [tilespmem:s0+$0xFFFFFFF0];
	[tilespmem:v15+s20+$0x0] =	vst.idx.msk $0xffff, v9;
	v12 =	vadd.f32 v16, v1  }
0x231: {  	v9 =	vor.u32 s2, v0;
	s2 =	sadd.s32 $0x1801, s1;
	v17 =	vadd.f32 v19, v3;
	[tilespmem:v8+s20+$0x0] =	vst.idx.msk $0xffff, v11;
	v8 =	vld [tilespmem:s0+$0x30];
	s0 =	smov.u32 s19;
	s19 =	sadd.s32 $0x100, s19  }
0x232: {  	s7 =	sadd.s32 $0x1802, s1;
	s1 =	smov.u32 s24;
	s24 =	smov.u32 s25;
	v11 =	vor.u32 s2, v0;
	v14 =	vld [tilespmem:s19+$0x40];
	v16 =	vadd.f32 v7, v3;
	[tilespmem:v20+s20+$0x0] =	vst.idx.msk $0xffff, v12  }
0x233: {  	s25 =	sadd.s32 $0x4, s25;
	s2 =	sadd.s32 $0x3, s24;
	v12 =	vor.u32 s7, v0;
	v15 =	vadd.f32 v21, v3;
	[tilespmem:v22+s20+$0x0] =	vst.idx.msk $0xffff, v17;
	v7 =	vld [tilespmem:s0+$0x60]  }
0x234: {  	v17 =	vld [tilespmem:s19+$0xFFFFFF80]  }
0x235: {  	v18 =	vld [tilespmem:s19+$0xFFFFFFC0];
	v19 =	vor.u32 s2, v0  }
0x236: {  	s7 =	sadd.s32 $0x1, s24;
	v20 =	vld [tilespmem:s19+$0x0];
	v21 =	vor.u32 s24, v0  }
0x237: {  	s25 =	sadd.s32 $0x2, s24;
	v22 =	vor.u32 s7, v0  }
0x238: {  	v23 =	vor.u32 s25, v0;
	v14 =	vadd.f32 v14, v4  }
0x239: {  	[tilespmem:v13+s20+$0x0] =	vst.idx.msk $0xffff, v16;
	v59 =	vadd.f32 v17, v4  }
0x23a: {  	[tilespmem:v19+s20+$0x0] =	vst.idx.msk $0xffff, v14;
	v60 =	vadd.f32 v18, v4  }
0x23b: {  	v61 =	vadd.f32 v20, v4;
	v62 =	vld [tilespmem:s19+$0x50];
	[tilespmem:v21+s20+$0x0] =	vst.idx.msk $0xffff, v59  }
0x23c: {  	s31 =	sadd.s32 $0x803, s24;
	[tilespmem:v22+s20+$0x0] =	vst.idx.msk $0xffff, v60;
	v63 =	vld [tilespmem:s19+$0xFFFFFF90]  }
0x23d: {  	v6 =	vadd.f32 v6, v1;
	s4 =	sadd.s32 $0x800, s24;
	[tilespmem:v23+s20+$0x0] =	vst.idx.msk $0xffff, v61;
	v21 =	vor.u32 s31, v0;
	v20 =	vld [tilespmem:s19+$0xFFFFFFD0]  }
0x23e: {  	[tilespmem:v10+s20+$0x0] =	vst.idx.msk $0xffff, v15;
	v5 =	vadd.f32 v5, v1;
	s7 =	sadd.s32 $0x801, s24;
	v23 =	vor.u32 s4, v0;
	v22 =	vld [tilespmem:s19+$0x10]  }
0x23f: {  	[tilespmem:v9+s20+$0x0] =	vst.idx.msk $0xffff, v6;
	v24 =	vadd.f32 v8, v1;
	v25 =	vor.u32 s7, v0;
	s7 =	sadd.s32 $0x802, s24  }
0x240: {  	s25 =	sadd.s32 $0x1003, s1;
	v26 =	vld [tilespmem:s0+$0xFFFFFFA0];
	[tilespmem:v11+s20+$0x0] =	vst.idx.msk $0xffff, v5;
	v27 =	vor.u32 s7, v0;
	v28 =	vadd.f32 v62, v3  }
0x241: {  	v30 =	vld [tilespmem:s0+$0xFFFFFFE0];
	v29 =	vor.u32 s25, v0;
	[tilespmem:v12+s20+$0x0] =	vst.idx.msk $0xffff, v24;
	s31 =	sadd.s32 $0x1000, s1;
	v31 =	vadd.f32 v63, v3  }
0x242: {  	v33 =	vld [tilespmem:s0+$0x20];
	s4 =	sadd.s32 $0x1001, s1;
	v32 =	vor.u32 s31, v0;
	v16 =	vadd.f32 v20, v3;
	[tilespmem:v21+s20+$0x0] =	vst.idx.msk $0xffff, v28  }
0x243: {  	s7 =	sadd.s32 $0x1002, s1;
	v34 =	vor.u32 s4, v0;
	v3 =	vadd.f32 v22, v3;
	v35 =	vld [tilespmem:s19+$0x60];
	[tilespmem:v23+s20+$0x0] =	vst.idx.msk $0xffff, v31  }
0x244: {  	s25 =	sadd.s32 $0x1003, s24;
	v36 =	vadd.f32 v7, v2;
	v37 =	vor.u32 s7, v0;
	[tilespmem:v25+s20+$0x0] =	vst.idx.msk $0xffff, v16;
	v38 =	vld [tilespmem:s19+$0xFFFFFFA0]  }
0x245: {  	v9 =	vadd.f32 v26, v2;
	s31 =	sadd.s32 $0x1000, s24;
	[tilespmem:v27+s20+$0x0] =	vst.idx.msk $0xffff, v3;
	v3 =	vor.u32 s25, v0;
	v39 =	vld [tilespmem:s19+$0xFFFFFFE0]  }
0x246: {  	v40 =	vadd.f32 v30, v2;
	[tilespmem:v29+s20+$0x0] =	vst.idx.msk $0xffff, v36;
	s4 =	sadd.s32 $0x1001, s24;
	v41 =	vor.u32 s31, v0;
	v42 =	vld [tilespmem:s19+$0x20]  }
0x247: {  	s7 =	sadd.s32 $0x1002, s24;
	v44 =	vadd.f32 v33, v2;
	v43 =	vld [tilespmem:s0+$0x70];
	v45 =	vor.u32 s4, v0;
	[tilespmem:v32+s20+$0x0] =	vst.idx.msk $0xffff, v9  }
0x248: {  	v48 =	vor.u32 s7, v0;
	[tilespmem:v34+s20+$0x0] =	vst.idx.msk $0xffff, v40;
	v46 =	vld [tilespmem:s0+$0xFFFFFFB0];
	s25 =	sadd.s32 $0x1803, s1;
	v47 =	vadd.f32 v35, v2  }
0x249: {  	s31 =	sadd.s32 $0x1800, s1;
	[tilespmem:v37+s20+$0x0] =	vst.idx.msk $0xffff, v44;
	v50 =	vld [tilespmem:s0+$0xFFFFFFF0];
	v49 =	vor.u32 s25, v0;
	v51 =	vadd.f32 v38, v2  }
0x24a: {  	s4 =	sadd.s32 $0x1801, s1;
	v52 =	vor.u32 s31, v0;
	v9 =	vld [tilespmem:s0+$0x30];
	[tilespmem:v3+s20+$0x0] =	vst.idx.msk $0xffff, v47;
	v3 =	vadd.f32 v39, v2  }
0x24b: {  	s7 =	sadd.s32 $0x1802, s1;
	v53 =	vor.u32 s4, v0;
	v2 =	vadd.f32 v42, v2;
	v54 =	vld [tilespmem:s19+$0x70];
	[tilespmem:v41+s20+$0x0] =	vst.idx.msk $0xffff, v51  }
0x24c: {  	v56 =	vor.u32 s7, v0;
	v55 =	vadd.f32 v43, v1;
	s25 =	sadd.s32 $0x1803, s24;
	[tilespmem:v45+s20+$0x0] =	vst.idx.msk $0xffff, v3;
	v57 =	vld [tilespmem:s19+$0xFFFFFFB0]  }
0x24d: {  	s31 =	sadd.s32 $0x1800, s24;
	v58 =	vor.u32 s25, v0;
	v3 =	vadd.f32 v46, v1;
	[tilespmem:v48+s20+$0x0] =	vst.idx.msk $0xffff, v2;
	v59 =	vld [tilespmem:s19+$0xFFFFFFF0]  }
0x24e: {  	v60 =	vor.u32 s31, v0;
	s1 =	sadd.s32 $0x1801, s24;
	[tilespmem:v49+s20+$0x0] =	vst.idx.msk $0xffff, v55;
	v2 =	vadd.f32 v50, v1;
	v61 =	vld [tilespmem:s19+$0x30]  }
0x24f: {  	s2 =	sadd.s32 $0x1802, s24;
	v62 =	vor.u32 s1, v0;
	[tilespmem:v52+s20+$0x0] =	vst.idx.msk $0xffff, v3;
	v3 =	vadd.f32 v9, v1  }
0x250: {  	v63 =	vor.u32 s2, v0;
	[tilespmem:v53+s20+$0x0] =	vst.idx.msk $0xffff, v2;
	v2 =	vadd.f32 v54, v1  }
0x251: {  	[tilespmem:v56+s20+$0x0] =	vst.idx.msk $0xffff, v3;
	v3 =	vadd.f32 v57, v1  }
0x252: {  	[tilespmem:v58+s20+$0x0] =	vst.idx.msk $0xffff, v2;
	v2 =	vadd.f32 v59, v1  }
0x253: {  	v1 =	vadd.f32 v61, v1;
	[tilespmem:v60+s20+$0x0] =	vst.idx.msk $0xffff, v3  }
0x254: {  	[tilespmem:v62+s20+$0x0] =	vst.idx.msk $0xffff, v2  }
0x255: {  	[tilespmem:v63+s20+$0x0] =	vst.idx.msk $0xffff, v1  }
0x256: {  	[hbm4b:s17+s3] =	stream.linear.scatter [tilespmem:s20], [sflag:$0x6], $0x400, $0x38;
	[tilespmem:$0x15600] =	vst v63  }
0x257: {  	s4 =	simm.s32 $0x13A00  }
0x258: {  	[hbm4b:s21+s3] =	stream.linear.scatter [tilespmem:s4], [sflag:$0x6], $0x400, $0x38;
	[tilespmem:$0x15600] =	vst v63  }
0x259: {  	s24 =	simm.s32 $0x13E00  }
0x25a: {  	[hbm4b:s5+s3] =	stream.linear.scatter [tilespmem:s24], [sflag:$0x6], $0x400, $0x38;
	[tilespmem:$0x15600] =	vst v63  }
0x25b: {  	s25 =	simm.s32 $0x14200  }
0x25c: {  	[hbm4b:s6+s3] =	stream.linear.scatter [tilespmem:s25], [sflag:$0x6], $0x400, $0x38;
	[tilespmem:$0x15600] =	vst v63  }
0x25d: {  	s7 =	simm.s32 $0x14600  }
0x25e: {  	[hbm4b:s22+s3] =	stream.linear.scatter [tilespmem:s7], [sflag:$0x6], $0x400, $0x38;
	[tilespmem:$0x15600] =	vst v63  }
0x25f: {  	s17 =	simm.s32 $0x14A00  }
0x260: {  	[hbm4b:s15+s3] =	stream.linear.scatter [tilespmem:s17], [sflag:$0x6], $0x400, $0x38;
	[tilespmem:$0x15600] =	vst v63  }
.Ltmp6:
0x261: {  	s19 =	simm.s32 $0x14E00;
	(pc) =	sbr.rel @p0 .LBB2_12-.Ltmp6, $4  }
0x262: {  	[hbm4b:s16+s3] =	stream.linear.scatter [tilespmem:s19], [sflag:$0x6], $0x400, $0x38;
	[tilespmem:$0x15600] =	vst v63  }
0x263: {  	s31 =	simm.s32 $0x15200  }
0x264: {  	[hbm4b:s23+s3] =	stream.linear.scatter [tilespmem:s31], [sflag:$0x6], $0x400, $0x38;
	[tilespmem:$0x15600] =	vst v63  }
0x265: {  	s21 =	simm.s32 $0x13A00;
	s22 =	simm.s32 $0x14600;
	s23 =	simm.s32 $0x15200  }
.Ltmp7:
0x266: {  	(pc) =	sbr.rel .LBB2_2-.Ltmp7, $4  }
0x267: {  	s0 =	sshll.u32 s30, $0x9  }
0x268: {  	s4 =	rddreg [dreg:$0x6];
	s1 =	simm.s32 $0x80;
	s0 =	sand.u32 $0x3FFFFE00, s0  }
0x269: {  	s2 =	simm.s32 $0xF600;
	s30 =	sadd.s32 $0x1, s30;
	s0 =	sadd.s32 $0x380, s0  }
0x26a: {  	[tilespmem:s2], [sflag:$0x4] =	stream.indirect.gather [hbm4b:s4+s1], $0x40, s0, s1, $0xb8;
	[tilespmem:$0x15600] =	vst v63  }
.LBB2_13:
0x26b: {  	_ =	sfence.sel $0x180000  }
0x26c: {  	[bflag:$0x0] =	sbarrier.arrive $0xFFFF  }
0x26d: {  	_ =	strace $0x90000047  }
0x26e: {  	s0 =	stileid.u32;
	[bflag:$0x2] =	sbarrier.arrive $0xFFFF  }
0x26f: {  	p0 =	sne.s32 s0, $0x0;
	s0 =	rddreg [dreg:$0x2]  }
0x270: {  	s0 =	sadd.s32 @!p0 $0x100000, s0  }
0x271: {  	[sflag:s0] =	ssyncadd.tile.s32 @!p0 $0x1;
	_ =	shalt  }
.Lfunc_end2:
_tile_overlayer_lowered:
.L_overlay_start_2:
0x272: {  	(tag) =	ssettag $0x2  }
0x273: {  	s0 =	rddreg [dreg:$0x0];
	s2 =	stileid.u32  }
0x274: {  	s1 =	rddreg [dreg:$0x1];
	p0 =	sne.s32 s2, $0x0  }
0x275: {  	s3 =	rddreg [dreg:$0x2];
	[bflag:$0x3] =	sbarrier.arrive $0xFFFF;
	s2 =	simm.s32 @!p0 $0x1C07  }
0x276: {  	[timem:s3], [sflag:s2] =	dma.local @!p0 [hbm:s0], s1  }
0x277: {  	s0 =	simm.s32 @!p0 $0x7  }
0x278: {  	_ =	swait.ge @!p0 [sflag:s0], s1  }
0x279: {  	s1 =	ssub.s32 @!p0 $0x0, s1;
	[sflag:s0] =	ssyncset.done @!p0 $0x0  }
0x27a: {  	[sflag:s0] =	ssyncadd.s32 @!p0 s1  }
0x27b: {  	[bflag:$0x3] =	sbarrier.arrive $0xFFFF  }
0x27c: {  	_ =	shalt  }

</sc_bundles>
